<compile_context>
chip_gen: v7x
topology: tpu7x:2x2x1
jax: 0.10.2.dev20260603
libtpu: 0.0.44.dev20260713+nightly
codegen_flags: <defaults>
</compile_context>

<pallas_src>
import functools

import jax
import jax.numpy as jnp
from jax import lax
from jax.experimental import pallas as pl
from jax.experimental.pallas import tpu as pltpu
from jax.experimental.pallas import tpu_sc as plsc

N, C, H, W = 8, 80, 128, 128
HW = H * W
FL = HW * C
K = 1000
THRESH = 0.05
NB = 512
NBF = float(NB)
NCORE = 2
NSUB = 16
BPC = N // NCORE
CH = FL // NSUB
PER_W = 1024
SLOTS = NSUB * PER_W
CP = 128
FLP = HW * CP
CHP_TOT = FLP // NSUB
NPIECE = 4
CHP = CHP_TOT // NPIECE
NVP = CHP // 16
HQ = NB * 16
PQ = PER_W // NPIECE
KP = 1024
PP = KP // 4
OFF_PTS = N * 4 * HW
OFF_REV = OFF_PTS + HW * 2



def _scores_body(cls_ref, center_ref, out_ref):
    s = 1.0 / (1.0 + jnp.exp(-cls_ref[0]))
    ident = (lax.broadcasted_iota(jnp.int32, (C, CP), 0)
             == lax.broadcasted_iota(jnp.int32, (C, CP), 1)
             ).astype(jnp.float32)
    st = lax.dot_general(s, ident, (((0,), (0,)), ((), ())),
                         precision=lax.Precision.HIGHEST,
                         preferred_element_type=jnp.float32)
    ctr = 1.0 / (1.0 + jnp.exp(-center_ref[0]))
    out_ref[0] = jnp.where(st > THRESH, st * ctr, 0.0)


def _scores(cls_chw, center_hw1):
    BLK = 2048
    return pl.pallas_call(
        _scores_body,
        grid=(N, HW // BLK),
        in_specs=[
            pl.BlockSpec((1, C, BLK), lambda n, i: (n, 0, i)),
            pl.BlockSpec((1, BLK, 1), lambda n, i: (n, i, 0)),
        ],
        out_specs=pl.BlockSpec((1, BLK, CP), lambda n, i: (n, i, 0)),
        out_shape=jax.ShapeDtypeStruct((N, HW, CP), jnp.float32),
    )(cls_chw, center_hw1)



_sel_mesh = plsc.VectorSubcoreMesh(core_axis_name="c", subcore_axis_name="s")


@functools.partial(
    pl.kernel,
    out_type=(
        jax.ShapeDtypeStruct((N, SLOTS), jnp.float32),
        jax.ShapeDtypeStruct((N, SLOTS), jnp.int32),
    ),
    mesh=_sel_mesh,
    compiler_params=pltpu.CompilerParams(needs_layout_passes=False),
    scratch_types=[
        pltpu.VMEM((CHP,), jnp.float32),
        pltpu.VMEM((HQ,), jnp.int32),
        pltpu.VMEM((NB,), jnp.int32),
        pltpu.VMEM((NB,), jnp.int32),
        pltpu.VMEM((PER_W,), jnp.float32),
        pltpu.VMEM((PER_W,), jnp.int32),
        pltpu.VMEM((16,), jnp.int32),
        pltpu.VMEM_SHARED((NSUB, BPC, NB), jnp.int32),
        pltpu.VMEM_SHARED((BPC, 128), jnp.int32),
    ],
)
def _select(scores_ref, slot_v_ref, slot_i_ref,
            win, hist16, histc, histt, cval, cidx, tbuf, sh_hist, sh_thr):
    cid = lax.axis_index("c")
    sid = lax.axis_index("s")
    lane = lax.iota(jnp.int32, 16)
    lane_nb = lane * NB
    ones = jnp.ones((16,), jnp.int32)
    zeros16 = jnp.zeros((16,), jnp.int32)
    nb1 = jnp.full((16,), NB - 1, jnp.int32)
    col0 = sid * CHP_TOT

    def batch_hist(bl, _):
        b = cid * BPC + bl

        def zbody(i, _):
            hist16[pl.ds(i * 16, 16)] = zeros16
            return 0
        lax.fori_loop(0, HQ // 16, zbody, 0)

        def piece(p, _):
            pltpu.sync_copy(scores_ref.at[b, pl.ds(col0 + p * CHP, CHP)],
                            win)

            def hbody(i, _):
                v = win[pl.ds(i * 16, 16)]
                bn = lax.min(lax.convert_element_type(v * NBF, jnp.int32),
                             nb1)
                idx = bn + lane_nb
                cur = plsc.load_gather(hist16, [idx])
                plsc.store_scatter(hist16, [idx], cur + ones)
                return 0
            lax.fori_loop(0, NVP, hbody, 0)
            return 0
        lax.fori_loop(0, NPIECE, piece, 0)

        def cbody(p, _):
            acc = hist16[pl.ds(p * 16, 16)]
            for l in range(1, 16):
                acc = acc + hist16[pl.ds(l * NB + p * 16, 16)]
            histc[pl.ds(p * 16, 16)] = acc
            return 0
        lax.fori_loop(0, NB // 16, cbody, 0)

        pltpu.sync_copy(histc, sh_hist.at[sid, bl])
        return 0
    lax.fori_loop(0, BPC, batch_hist, 0)
    plsc.subcore_barrier()

    @pl.when(sid < BPC)
    def _():
        bl = sid

        def zbody(i, _):
            histc[pl.ds(i * 16, 16)] = zeros16
            return 0
        lax.fori_loop(0, NB // 16, zbody, 0)

        def sum_w(wkr, _):
            pltpu.sync_copy(sh_hist.at[wkr, bl], histt)

            def abody(p, _):
                histc[pl.ds(p * 16, 16)] = (
                    histc[pl.ds(p * 16, 16)] + histt[pl.ds(p * 16, 16)])
                return 0
            lax.fori_loop(0, NB // 16, abody, 0)
            return 0
        lax.fori_loop(0, NSUB, sum_w, 0)

        def scan_bin(t, carry):
            s_after, jstar = carry
            p = NB // 16 - 1 - t
            chunk = histc[pl.ds(p * 16, 16)]
            ps = plsc.cumsum(chunk)
            total = jnp.sum(chunk)
            suffix = s_after + total - ps + chunk
            cond = suffix >= K
            pc = plsc.all_reduce_population_count(cond)[0]
            jstar = lax.select((pc > 0) & (jstar < 0),
                               p * 16 + pc - 1, jstar)
            return (s_after + total, jstar)
        _, jstar = lax.fori_loop(0, NB // 16, scan_bin,
                                 (jnp.int32(0), jnp.int32(-1)))
        jstar = lax.max(jstar, jnp.int32(0))
        tbuf[pl.ds(0, 16)] = zeros16 + jstar
        pltpu.sync_copy(tbuf, sh_thr.at[bl, pl.ds(0, 16)])
    plsc.subcore_barrier()

    neg1 = jnp.full((16,), -1.0, jnp.float32)

    def batch_comp(bl, _):
        b = cid * BPC + bl
        pltpu.sync_copy(sh_thr.at[bl, pl.ds(0, 16)], tbuf)
        thr = tbuf[pl.ds(0, 16)][0]

        def pbody(i, _):
            cval[pl.ds(i * 16, 16)] = neg1
            return 0
        lax.fori_loop(0, PER_W // 16, pbody, 0)

        def piece(p, _):
            pltpu.sync_copy(scores_ref.at[b, pl.ds(col0 + p * CHP, CHP)],
                            win)
            base_pc = col0 + p * CHP

            def cbody(i, pos):
                v = win[pl.ds(i * 16, 16)]
                bn = lax.min(lax.convert_element_type(v * NBF, jnp.int32),
                             nb1)
                m = bn >= thr
                cnt = plsc.all_reduce_population_count(m)[0]
                ok = pos <= PQ - 16

                @pl.when(ok)
                def _():
                    plsc.store_compressed(cval.at[pl.ds(p * PQ + pos, 16)],
                                          v, mask=m)
                    plsc.store_compressed(cidx.at[pl.ds(p * PQ + pos, 16)],
                                          base_pc + i * 16 + lane, mask=m)

                return pos + lax.select(ok, cnt, jnp.int32(0))
            lax.fori_loop(0, NVP, cbody, jnp.int32(0))
            return 0
        lax.fori_loop(0, NPIECE, piece, 0)

        pltpu.sync_copy(cval, slot_v_ref.at[b, pl.ds(sid * PER_W, PER_W)])
        pltpu.sync_copy(cidx, slot_i_ref.at[b, pl.ds(sid * PER_W, PER_W)])
        return 0
    lax.fori_loop(0, BPC, batch_comp, 0)



@functools.partial(
    pl.kernel,
    out_type=(
        jax.ShapeDtypeStruct((N, KP * 4), jnp.float32),
        jax.ShapeDtypeStruct((N, KP), jnp.int32),
    ),
    mesh=_sel_mesh,
    compiler_params=pltpu.CompilerParams(needs_layout_passes=False),
    scratch_types=[
        pltpu.VMEM((PP,), jnp.int32),
        pltpu.VMEM((2, 128), jnp.int32),
        pltpu.VMEM((2, 128), jnp.int32),
        pltpu.VMEM((PP,), jnp.int32),
        pltpu.VMEM((PP,), jnp.int32),
        pltpu.VMEM((16, 128), jnp.int32),
        pltpu.VMEM((16, 128), jnp.float32),
        pltpu.VMEM((KP,), jnp.float32),
        pltpu.SemaphoreType.DMA,
    ],
)
def _gather(slot_i_ref, tslot_ref, src_ref, det_ref, cls_ref,
            tsl, asl, fid, locb, clsb, gi, gv, detv, sem):
    cid = lax.axis_index("c")
    sid = lax.axis_index("s")
    wid = sid * NCORE + cid
    b = wid // 4
    sub = wid - b * 4
    lane = lax.iota(jnp.int32, 16)

    pltpu.sync_copy(tslot_ref.at[b, pl.ds(sub * PP, PP)], tsl)

    def abody(k, _):
        h = k // 8
        off = (k - h * 8) * 16
        asl[h, pl.ds(off, 16)] = tsl[pl.ds(k * 16, 16)] + b * SLOTS
        return 0
    lax.fori_loop(0, 16, abody, 0)

    d0 = pltpu.async_copy(slot_i_ref.at[asl.at[0]], fid.at[0], sem)
    d1 = pltpu.async_copy(slot_i_ref.at[asl.at[1]], fid.at[1], sem)
    d0.wait()
    d1.wait()

    def lbody(k, _):
        h = k // 8
        off = (k - h * 8) * 16
        pc = fid[h, pl.ds(off, 16)]
        locb[pl.ds(k * 16, 16)] = lax.shift_right_logical(pc, 7)
        clsb[pl.ds(k * 16, 16)] = (pc & 127) + 1
        return 0
    lax.fori_loop(0, 16, lbody, 0)

    def make_rows(g, base_fn):
        def rbody(k, _):
            h = k // 8
            off = (k - h * 8) * 16
            loc = locb[pl.ds(k * 16, 16)]
            gi[2 * g + h, pl.ds(off, 16)] = base_fn(loc)
            return 0
        lax.fori_loop(0, 16, rbody, 0)

    box_base = b * 4 * HW
    make_rows(0, lambda loc: box_base + loc)
    make_rows(1, lambda loc: box_base + HW + loc)
    make_rows(2, lambda loc: box_base + 2 * HW + loc)
    make_rows(3, lambda loc: box_base + 3 * HW + loc)
    make_rows(4, lambda loc: OFF_PTS + loc * 2)
    make_rows(5, lambda loc: OFF_PTS + loc * 2 + 1)
    make_rows(6, lambda loc: OFF_REV + (b * HW + loc) * 2)
    make_rows(7, lambda loc: OFF_REV + (b * HW + loc) * 2 + 1)

    descs = []
    for r in range(16):
        descs.append(pltpu.async_copy(src_ref.at[gi.at[r]], gv.at[r], sem))
    for d in descs:
        d.wait()

    def dbody(k, _):
        h = k // 8
        off = (k - h * 8) * 16
        bx0 = gv[0 + h, pl.ds(off, 16)]
        bx1 = gv[2 + h, pl.ds(off, 16)]
        bx2 = gv[4 + h, pl.ds(off, 16)]
        bx3 = gv[6 + h, pl.ds(off, 16)]
        px = gv[8 + h, pl.ds(off, 16)] + gv[12 + h, pl.ds(off, 16)]
        py = gv[10 + h, pl.ds(off, 16)] + gv[14 + h, pl.ds(off, 16)]
        pidx = (k * 16 + lane) * 4
        plsc.store_scatter(detv, [pidx], px - bx0)
        plsc.store_scatter(detv, [pidx + 1], py - bx1)
        plsc.store_scatter(detv, [pidx + 2], px + bx2)
        plsc.store_scatter(detv, [pidx + 3], py + bx3)
        return 0
    lax.fori_loop(0, 16, dbody, 0)

    pltpu.sync_copy(detv, det_ref.at[b, pl.ds(sub * PP * 4, PP * 4)])
    pltpu.sync_copy(clsb, cls_ref.at[b, pl.ds(sub * PP, PP)])



def kernel(box, cls, center, points, revise):
    cls_chw = cls.reshape(N, C, HW)
    center_hw1 = center.reshape(N, HW, 1)
    scores = _scores(cls_chw, center_hw1).reshape(N, FLP)

    slot_v, slot_i = _select(scores)
    topv, tslot = lax.top_k(slot_v, K)
    tslot_pad = jnp.pad(tslot, ((0, 0), (0, KP - K)))

    src = jnp.concatenate(
        [box.reshape(-1), points.reshape(-1), revise.reshape(-1)])
    det, clsid = _gather(slot_i.reshape(-1), tslot_pad, src)

    detections = det.reshape(N, KP, 4)[:, :K, :]
    return detections, clsid[:, :K], topv

# --- scband reference (transcript-rebuilt; emitter-appended) ---
"""Pipeline reference for scband-test-select-8512625180853 (READ-ONLY COPY).

The authoritative reference and input builder live on the scoring server;
editing this copy changes nothing except your own understanding.
"""

import jax, jax.numpy as jnp
import numpy as np

OVERSHOLD = 0.05
TOPK = 1000


def setup_inputs(seed: int = 0) -> dict:
    key = jax.random.key(seed)
    k1, k2, k3, k4, k5 = jax.random.split(key, 5)
    box = jax.random.uniform(k1, (8, 4, 128, 128), dtype=jnp.float32)
    cls = jax.random.normal(k2, (8, 80, 128, 128), dtype=jnp.float32)
    center = jax.random.normal(k3, (8, 1, 128, 128), dtype=jnp.float32)
    points = jax.random.uniform(k4, (16384, 2), dtype=jnp.float32) * 128.0
    revise = jax.random.normal(k5, (8, 16384, 2), dtype=jnp.float32)
    return {"box": box, "cls": cls, "center": center, "points": points, "revise": revise}


def reference(box, cls, center, points, revise):
    # Single feature level of TestSelect.feature_for_forward (fixed-shape JAX version).
    n, c, h, w = cls.shape
    cls_s = jax.nn.sigmoid(jnp.transpose(cls, (0, 2, 3, 1)).reshape(n, -1, c))          # [n, HW, C]
    box_r = jnp.transpose(box.reshape(n, 4, h, w), (0, 2, 3, 1)).reshape(n, -1, 4)      # [n, HW, 4]
    center_s = jax.nn.sigmoid(jnp.transpose(center.reshape(n, 1, h, w), (0, 2, 3, 1)).reshape(n, -1))  # [n, HW]
    revise_r = revise.reshape(n, -1, 2)                                                  # [n, HW, 2]

    cand = cls_s > OVERSHOLD                      # candidates_inds
    scores = cls_s * center_s[:, :, None]         # cls = cls * center[:, :, None]
    # fixed-shape equivalent of boolean-mask-then-topk: zero out non-candidates, take topk
    scores_m = jnp.where(cand, scores, 0.0)
    flat = scores_m.reshape(n, -1)                # [n, HW*C]
    topv, topi = jax.lax.top_k(flat, TOPK)        # [n, K]
    loc = topi // c                               # location index (per_candidate_loc)
    clsid = topi % c + 1                          # per_candidate_class = class + 1

    per_box = jnp.take_along_axis(box_r, loc[:, :, None], axis=1)                        # [n, K, 4]
    pts = points[loc] + jnp.take_along_axis(revise_r, loc[:, :, None], axis=1)           # point + revise, [n, K, 2]

    detections = jnp.stack(
        [
            pts[..., 0] - per_box[..., 0],
            pts[..., 1] - per_box[..., 1],
            pts[..., 0] + per_box[..., 2],
            pts[..., 1] + per_box[..., 3],
        ],
        axis=-1,
    )                                              # [n, K, 4]
    return detections, clsid, topv

if __name__ == "__main__":
    import jax
    _d = setup_inputs()
    print(jax.jit(kernel)(*tuple(_d.values())))

</pallas_src>

<mosaic_0001>
#map = affine_map<(d0, d1) -> (0, 0)>
module attributes {stable_mosaic.version = 14 : i64} {
  func.func @_select(%arg0: i32, %arg1: i32, %arg2: memref<8x2097152xf32, #tpu.memory_space<hbm>>, %arg3: memref<8x16384xf32, #tpu.memory_space<hbm>>, %arg4: memref<8x16384xi32, #tpu.memory_space<hbm>>, %arg5: memref<32768xf32, #tpu.memory_space<vmem>>, %arg6: memref<8192xi32, #tpu.memory_space<vmem>>, %arg7: memref<512xi32, #tpu.memory_space<vmem>>, %arg8: memref<512xi32, #tpu.memory_space<vmem>>, %arg9: memref<1024xf32, #tpu.memory_space<vmem>>, %arg10: memref<1024xi32, #tpu.memory_space<vmem>>, %arg11: memref<16xi32, #tpu.memory_space<vmem>>, %arg12: memref<16x4x512xi32, #tpu.memory_space<vmem_shared>>, %arg13: memref<4x128xi32, #tpu.memory_space<vmem_shared>>) attributes {dimension_semantics = [#tpu.dimension_semantics<core_parallel>, #tpu.dimension_semantics<subcore_parallel>], iteration_bounds = array<i64: 2, 16>, scalar_prefetch = 0 : i64, scratch_operands = 9 : i64, tpu.core_type = #tpu.core_type<sc_vector_subcore>, window_params = [{transform_indices = #map}, {transform_indices = #map}, {transform_indices = #map}]} {
    %iota3A = tpu.iota {dimensions = array<i32: 0>} : vector<16xi32>
    %mul3A = arith.constant 512 : i32
    %mul3A_0 = vector.broadcast %mul3A : i32 to vector<16xi32>
    %mul3A_1 = arith.muli %iota3A, %mul3A_0 : vector<16xi32>
    %broadcast_in_dim3A = arith.constant 1 : i32
    %broadcast_in_dim3A_2 = vector.broadcast %broadcast_in_dim3A : i32 to vector<16xi32>
    %broadcast_in_dim3A_3 = arith.constant 0 : i32
    %broadcast_in_dim3A_4 = vector.broadcast %broadcast_in_dim3A_3 : i32 to vector<16xi32>
    %broadcast_in_dim3A_5 = arith.constant 511 : i32
    %broadcast_in_dim3A_6 = vector.broadcast %broadcast_in_dim3A_5 : i32 to vector<16xi32>
    %mul3A_7 = arith.constant 131072 : i32
    %mul3A_8 = arith.muli %arg1, %mul3A_7 : i32
    %scan3A = arith.constant 0 : i32
    %scan3A_9 = arith.constant 0 : i32
    %scan3A_10 = arith.constant 4 : i32
    %scan3A_11 = arith.addi %scan3A_9, %scan3A_10 : i32
    %scan3A_12 = arith.constant 1 : i32
    %scan3A_13 = scf.for %scan3A_27 = %scan3A_9 to %scan3A_11 step %scan3A_12 iter_args(%scan3A_28 = %scan3A) -> (i32)  : i32 {
      %mul3A_29 = arith.constant 4 : i32
      %mul3A_30 = arith.muli %arg0, %mul3A_29 : i32
      %add3A = arith.addi %mul3A_30, %scan3A_27 : i32
      %scan3A_31 = arith.constant 0 : i32
      %scan3A_32 = arith.constant 0 : i32
      %scan3A_33 = arith.constant 512 : i32
      %scan3A_34 = arith.addi %scan3A_32, %scan3A_33 : i32
      %scan3A_35 = arith.constant 1 : i32
      %scan3A_36 = scf.for %scan3A_53 = %scan3A_32 to %scan3A_34 step %scan3A_35 iter_args(%scan3A_54 = %scan3A_31) -> (i32)  : i32 {
        %mul3A_55 = arith.constant 16 : i32
        %mul3A_56 = arith.muli %scan3A_53, %mul3A_55 : i32
        %swap3A = arith.index_cast %mul3A_56 : i32 to index
        %swap3A_57 = tpu.vector_load %arg6[%swap3A] {strides = array<i32>} : memref<8192xi32, #tpu.memory_space<vmem>>, vector<16xi32>,
        tpu.vector_store %arg6[%swap3A], %broadcast_in_dim3A_4 {strides = array<i32>} : memref<8192xi32, #tpu.memory_space<vmem>>, vector<16xi32>,
        %scan3A_58 = arith.constant 0 : i32
        scf.yield %scan3A_58 : i32
      }
      %scan3A_37 = arith.constant 512 : i32
      %scan3A_38 = arith.constant 0 : i32
      %scan3A_39 = arith.constant 0 : i32
      %scan3A_40 = arith.constant 4 : i32
      %scan3A_41 = arith.addi %scan3A_39, %scan3A_40 : i32
      %scan3A_42 = arith.constant 1 : i32
      %scan3A_43 = scf.for %scan3A_53 = %scan3A_39 to %scan3A_41 step %scan3A_42 iter_args(%scan3A_54 = %scan3A_38) -> (i32)  : i32 {
        %mul3A_55 = arith.constant 32768 : i32
        %mul3A_56 = arith.muli %scan3A_53, %mul3A_55 : i32
        %add3A_57 = arith.addi %mul3A_8, %mul3A_56 : i32
        "tpu.region"() ({
          %run_scoped3A = tpu.sem_alloc : memref<!tpu.dma_semaphore, #tpu.memory_space<semaphore_mem>>
          %dma_start3A = tpu.memref_slice %arg2[%add3A, %add3A_57] : memref<8x2097152xf32, #tpu.memory_space<hbm>> -> memref<1x32768xf32, #tpu.memory_space<hbm>>
          %dma_start3A_66 = tpu.memref_squeeze %dma_start3A : memref<1x32768xf32, #tpu.memory_space<hbm>> -> memref<32768xf32, #tpu.memory_space<hbm>>
          %dma_start3A_67 = tpu.memref_slice %arg2[%add3A, %add3A_57] : memref<8x2097152xf32, #tpu.memory_space<hbm>> -> memref<1x32768xf32, #tpu.memory_space<hbm>>
          %dma_start3A_68 = tpu.memref_squeeze %dma_start3A_67 : memref<1x32768xf32, #tpu.memory_space<hbm>> -> memref<32768xf32, #tpu.memory_space<hbm>>
          tpu.enqueue_dma source(%dma_start3A_68 : memref<32768xf32, #tpu.memory_space<hbm>>) target(%arg5 : memref<32768xf32, #tpu.memory_space<vmem>>) target_semaphore(%run_scoped3A : memref<!tpu.dma_semaphore, #tpu.memory_space<semaphore_mem>>)
          %dma_wait3A = tpu.memref_slice %arg2[%add3A, %add3A_57] : memref<8x2097152xf32, #tpu.memory_space<hbm>> -> memref<1x32768xf32, #tpu.memory_space<hbm>>
          %dma_wait3A_69 = tpu.memref_squeeze %dma_wait3A : memref<1x32768xf32, #tpu.memory_space<hbm>> -> memref<32768xf32, #tpu.memory_space<hbm>>
          %dma_wait3A_70 = tpu.memref_slice %arg2[%add3A, %add3A_57] : memref<8x2097152xf32, #tpu.memory_space<hbm>> -> memref<1x32768xf32, #tpu.memory_space<hbm>>
          %dma_wait3A_71 = tpu.memref_squeeze %dma_wait3A_70 : memref<1x32768xf32, #tpu.memory_space<hbm>> -> memref<32768xf32, #tpu.memory_space<hbm>>
          tpu.wait_dma2 semaphore(%run_scoped3A : memref<!tpu.dma_semaphore, #tpu.memory_space<semaphore_mem>>) src(%dma_wait3A_71 : memref<32768xf32, #tpu.memory_space<hbm>>) dst(%arg5 : memref<32768xf32, #tpu.memory_space<vmem>>)
          tpu.yield
        }) : () -> ()
        %scan3A_58 = arith.constant 0 : i32
        %scan3A_59 = arith.constant 0 : i32
        %scan3A_60 = arith.constant 2048 : i32
        %scan3A_61 = arith.addi %scan3A_59, %scan3A_60 : i32
        %scan3A_62 = arith.constant 1 : i32
        %scan3A_63 = scf.for %scan3A_66 = %scan3A_59 to %scan3A_61 step %scan3A_62 iter_args(%scan3A_67 = %scan3A_58) -> (i32)  : i32 {
          %mul3A_68 = arith.constant 16 : i32
          %mul3A_69 = arith.muli %scan3A_66, %mul3A_68 : i32
          %get3A = arith.index_cast %mul3A_69 : i32 to index
          %get3A_70 = tpu.vector_load %arg5[%get3A] {strides = array<i32>} : memref<32768xf32, #tpu.memory_space<vmem>>, vector<16xf32>,
          %mul3A_71 = arith.constant 5.120000e+02 : f32
          %mul3A_72 = vector.broadcast %mul3A_71 : f32 to vector<16xf32>
          %mul3A_73 = arith.mulf %get3A_70, %mul3A_72 : vector<16xf32>
          %convert_element_type3A_74 = arith.fptosi %mul3A_73 : vector<16xf32> to vector<16xi32>
          %min3A = arith.minsi %convert_element_type3A_74, %broadcast_in_dim3A_6 : vector<16xi32>
          %add3A_75 = arith.addi %min3A, %mul3A_1 : vector<16xi32>
          %gather3A = tpu.vector_load_idx %arg6[%add3A_75] : memref<8192xi32, #tpu.memory_space<vmem>>[vector<16xi32>], vector<16xi32>,
          %add3A_76 = arith.addi %gather3A, %broadcast_in_dim3A_2 : vector<16xi32>
          tpu.vector_store_idx %arg6[%add3A_75], %add3A_76 : memref<8192xi32, #tpu.memory_space<vmem>>[vector<16xi32>], vector<16xi32>,
          %scan3A_77 = arith.constant 0 : i32
          scf.yield %scan3A_77 : i32
        }
        %scan3A_64 = arith.constant 2048 : i32
        %scan3A_65 = arith.constant 0 : i32
        scf.yield %scan3A_65 : i32
      }
      %scan3A_44 = arith.constant 4 : i32
      %scan3A_45 = arith.constant 0 : i32
      %scan3A_46 = arith.constant 0 : i32
      %scan3A_47 = arith.constant 32 : i32
      %scan3A_48 = arith.addi %scan3A_46, %scan3A_47 : i32
      %scan3A_49 = arith.constant 1 : i32
      %scan3A_50 = scf.for %scan3A_53 = %scan3A_46 to %scan3A_48 step %scan3A_49 iter_args(%scan3A_54 = %scan3A_45) -> (i32)  : i32 {
        %mul3A_55 = arith.constant 16 : i32
        %mul3A_56 = arith.muli %scan3A_53, %mul3A_55 : i32
        %get3A = arith.index_cast %mul3A_56 : i32 to index
        %get3A_57 = tpu.vector_load %arg6[%get3A] {strides = array<i32>} : memref<8192xi32, #tpu.memory_space<vmem>>, vector<16xi32>,
        %mul3A_58 = arith.constant 16 : i32
        %mul3A_59 = arith.muli %scan3A_53, %mul3A_58 : i32
        %add3A_60 = arith.constant 512 : i32
        %add3A_61 = arith.addi %add3A_60, %mul3A_59 : i32
        %get3A_62 = arith.index_cast %add3A_61 : i32 to index
        %get3A_63 = tpu.vector_load %arg6[%get3A_62] {strides = array<i32>} : memref<8192xi32, #tpu.memory_space<vmem>>, vector<16xi32>,
        %add3A_64 = arith.addi %get3A_57, %get3A_63 : vector<16xi32>
        %mul3A_65 = arith.constant 16 : i32
        %mul3A_66 = arith.muli %scan3A_53, %mul3A_65 : i32
        %add3A_67 = arith.constant 1024 : i32
        %add3A_68 = arith.addi %add3A_67, %mul3A_66 : i32
        %get3A_69 = arith.index_cast %add3A_68 : i32 to index
        %get3A_70 = tpu.vector_load %arg6[%get3A_69] {strides = array<i32>} : memref<8192xi32, #tpu.memory_space<vmem>>, vector<16xi32>,
        %add3A_71 = arith.addi %add3A_64, %get3A_70 : vector<16xi32>
        %mul3A_72 = arith.constant 16 : i32
        %mul3A_73 = arith.muli %scan3A_53, %mul3A_72 : i32
        %add3A_74 = arith.constant 1536 : i32
        %add3A_75 = arith.addi %add3A_74, %mul3A_73 : i32
        %get3A_76 = arith.index_cast %add3A_75 : i32 to index
        %get3A_77 = tpu.vector_load %arg6[%get3A_76] {strides = array<i32>} : memref<8192xi32, #tpu.memory_space<vmem>>, vector<16xi32>,
        %add3A_78 = arith.addi %add3A_71, %get3A_77 : vector<16xi32>
        %mul3A_79 = arith.constant 16 : i32
        %mul3A_80 = arith.muli %scan3A_53, %mul3A_79 : i32
        %add3A_81 = arith.constant 2048 : i32
        %add3A_82 = arith.addi %add3A_81, %mul3A_80 : i32
        %get3A_83 = arith.index_cast %add3A_82 : i32 to index
        %get3A_84 = tpu.vector_load %arg6[%get3A_83] {strides = array<i32>} : memref<8192xi32, #tpu.memory_space<vmem>>, vector<16xi32>,
        %add3A_85 = arith.addi %add3A_78, %get3A_84 : vector<16xi32>
        %mul3A_86 = arith.constant 16 : i32
        %mul3A_87 = arith.muli %scan3A_53, %mul3A_86 : i32
        %add3A_88 = arith.constant 2560 : i32
        %add3A_89 = arith.addi %add3A_88, %mul3A_87 : i32
        %get3A_90 = arith.index_cast %add3A_89 : i32 to index
        %get3A_91 = tpu.vector_load %arg6[%get3A_90] {strides = array<i32>} : memref<8192xi32, #tpu.memory_space<vmem>>, vector<16xi32>,
        %add3A_92 = arith.addi %add3A_85, %get3A_91 : vector<16xi32>
        %mul3A_93 = arith.constant 16 : i32
        %mul3A_94 = arith.muli %scan3A_53, %mul3A_93 : i32
        %add3A_95 = arith.constant 3072 : i32
        %add3A_96 = arith.addi %add3A_95, %mul3A_94 : i32
        %get3A_97 = arith.index_cast %add3A_96 : i32 to index
        %get3A_98 = tpu.vector_load %arg6[%get3A_97] {strides = array<i32>} : memref<8192xi32, #tpu.memory_space<vmem>>, vector<16xi32>,
        %add3A_99 = arith.addi %add3A_92, %get3A_98 : vector<16xi32>
        %mul3A_100 = arith.constant 16 : i32
        %mul3A_101 = arith.muli %scan3A_53, %mul3A_100 : i32
        %add3A_102 = arith.constant 3584 : i32
        %add3A_103 = arith.addi %add3A_102, %mul3A_101 : i32
        %get3A_104 = arith.index_cast %add3A_103 : i32 to index
        %get3A_105 = tpu.vector_load %arg6[%get3A_104] {strides = array<i32>} : memref<8192xi32, #tpu.memory_space<vmem>>, vector<16xi32>,
        %add3A_106 = arith.addi %add3A_99, %get3A_105 : vector<16xi32>
        %mul3A_107 = arith.constant 16 : i32
        %mul3A_108 = arith.muli %scan3A_53, %mul3A_107 : i32
        %add3A_109 = arith.constant 4096 : i32
        %add3A_110 = arith.addi %add3A_109, %mul3A_108 : i32
        %get3A_111 = arith.index_cast %add3A_110 : i32 to index
        %get3A_112 = tpu.vector_load %arg6[%get3A_111] {strides = array<i32>} : memref<8192xi32, #tpu.memory_space<vmem>>, vector<16xi32>,
        %add3A_113 = arith.addi %add3A_106, %get3A_112 : vector<16xi32>
        %mul3A_114 = arith.constant 16 : i32
        %mul3A_115 = arith.muli %scan3A_53, %mul3A_114 : i32
        %add3A_116 = arith.constant 4608 : i32
        %add3A_117 = arith.addi %add3A_116, %mul3A_115 : i32
        %get3A_118 = arith.index_cast %add3A_117 : i32 to index
        %get3A_119 = tpu.vector_load %arg6[%get3A_118] {strides = array<i32>} : memref<8192xi32, #tpu.memory_space<vmem>>, vector<16xi32>,
        %add3A_120 = arith.addi %add3A_113, %get3A_119 : vector<16xi32>
        %mul3A_121 = arith.constant 16 : i32
        %mul3A_122 = arith.muli %scan3A_53, %mul3A_121 : i32
        %add3A_123 = arith.constant 5120 : i32
        %add3A_124 = arith.addi %add3A_123, %mul3A_122 : i32
        %get3A_125 = arith.index_cast %add3A_124 : i32 to index
        %get3A_126 = tpu.vector_load %arg6[%get3A_125] {strides = array<i32>} : memref<8192xi32, #tpu.memory_space<vmem>>, vector<16xi32>,
        %add3A_127 = arith.addi %add3A_120, %get3A_126 : vector<16xi32>
        %mul3A_128 = arith.constant 16 : i32
        %mul3A_129 = arith.muli %scan3A_53, %mul3A_128 : i32
        %add3A_130 = arith.constant 5632 : i32
        %add3A_131 = arith.addi %add3A_130, %mul3A_129 : i32
        %get3A_132 = arith.index_cast %add3A_131 : i32 to index
        %get3A_133 = tpu.vector_load %arg6[%get3A_132] {strides = array<i32>} : memref<8192xi32, #tpu.memory_space<vmem>>, vector<16xi32>,
        %add3A_134 = arith.addi %add3A_127, %get3A_133 : vector<16xi32>
        %mul3A_135 = arith.constant 16 : i32
        %mul3A_136 = arith.muli %scan3A_53, %mul3A_135 : i32
        %add3A_137 = arith.constant 6144 : i32
        %add3A_138 = arith.addi %add3A_137, %mul3A_136 : i32
        %get3A_139 = arith.index_cast %add3A_138 : i32 to index
        %get3A_140 = tpu.vector_load %arg6[%get3A_139] {strides = array<i32>} : memref<8192xi32, #tpu.memory_space<vmem>>, vector<16xi32>,
        %add3A_141 = arith.addi %add3A_134, %get3A_140 : vector<16xi32>
        %mul3A_142 = arith.constant 16 : i32
        %mul3A_143 = arith.muli %scan3A_53, %mul3A_142 : i32
        %add3A_144 = arith.constant 6656 : i32
        %add3A_145 = arith.addi %add3A_144, %mul3A_143 : i32
        %get3A_146 = arith.index_cast %add3A_145 : i32 to index
        %get3A_147 = tpu.vector_load %arg6[%get3A_146] {strides = array<i32>} : memref<8192xi32, #tpu.memory_space<vmem>>, vector<16xi32>,
        %add3A_148 = arith.addi %add3A_141, %get3A_147 : vector<16xi32>
        %mul3A_149 = arith.constant 16 : i32
        %mul3A_150 = arith.muli %scan3A_53, %mul3A_149 : i32
        %add3A_151 = arith.constant 7168 : i32
        %add3A_152 = arith.addi %add3A_151, %mul3A_150 : i32
        %get3A_153 = arith.index_cast %add3A_152 : i32 to index
        %get3A_154 = tpu.vector_load %arg6[%get3A_153] {strides = array<i32>} : memref<8192xi32, #tpu.memory_space<vmem>>, vector<16xi32>,
        %add3A_155 = arith.addi %add3A_148, %get3A_154 : vector<16xi32>
        %mul3A_156 = arith.constant 16 : i32
        %mul3A_157 = arith.muli %scan3A_53, %mul3A_156 : i32
        %add3A_158 = arith.constant 7680 : i32
        %add3A_159 = arith.addi %add3A_158, %mul3A_157 : i32
        %get3A_160 = arith.index_cast %add3A_159 : i32 to index
        %get3A_161 = tpu.vector_load %arg6[%get3A_160] {strides = array<i32>} : memref<8192xi32, #tpu.memory_space<vmem>>, vector<16xi32>,
        %add3A_162 = arith.addi %add3A_155, %get3A_161 : vector<16xi32>
        %mul3A_163 = arith.constant 16 : i32
        %mul3A_164 = arith.muli %scan3A_53, %mul3A_163 : i32
        %swap3A = arith.index_cast %mul3A_164 : i32 to index
        %swap3A_165 = tpu.vector_load %arg7[%swap3A] {strides = array<i32>} : memref<512xi32, #tpu.memory_space<vmem>>, vector<16xi32>,
        tpu.vector_store %arg7[%swap3A], %add3A_162 {strides = array<i32>} : memref<512xi32, #tpu.memory_space<vmem>>, vector<16xi32>,
        %scan3A_166 = arith.constant 0 : i32
        scf.yield %scan3A_166 : i32
      }
      %scan3A_51 = arith.constant 32 : i32
      "tpu.region"() ({
        %run_scoped3A = tpu.sem_alloc : memref<!tpu.dma_semaphore, #tpu.memory_space<semaphore_mem>>
        %dma_start3A = arith.constant 0 : i32
        %dma_start3A_53 = tpu.memref_slice %arg12[%arg1, %scan3A_27, %dma_start3A] : memref<16x4x512xi32, #tpu.memory_space<vmem_shared>> -> memref<1x1x512xi32, #tpu.memory_space<vmem_shared>>
        %dma_start3A_54 = tpu.memref_squeeze %dma_start3A_53 : memref<1x1x512xi32, #tpu.memory_space<vmem_shared>> -> memref<512xi32, #tpu.memory_space<vmem_shared>>
        %dma_start3A_55 = arith.constant 0 : i32
        %dma_start3A_56 = tpu.memref_slice %arg12[%arg1, %scan3A_27, %dma_start3A_55] : memref<16x4x512xi32, #tpu.memory_space<vmem_shared>> -> memref<1x1x512xi32, #tpu.memory_space<vmem_shared>>
        %dma_start3A_57 = tpu.memref_squeeze %dma_start3A_56 : memref<1x1x512xi32, #tpu.memory_space<vmem_shared>> -> memref<512xi32, #tpu.memory_space<vmem_shared>>
        tpu.enqueue_dma source(%arg7 : memref<512xi32, #tpu.memory_space<vmem>>) target(%dma_start3A_57 : memref<512xi32, #tpu.memory_space<vmem_shared>>) target_semaphore(%run_scoped3A : memref<!tpu.dma_semaphore, #tpu.memory_space<semaphore_mem>>)
        %dma_wait3A = arith.constant 0 : i32
        %dma_wait3A_58 = tpu.memref_slice %arg12[%arg1, %scan3A_27, %dma_wait3A] : memref<16x4x512xi32, #tpu.memory_space<vmem_shared>> -> memref<1x1x512xi32, #tpu.memory_space<vmem_shared>>
        %dma_wait3A_59 = tpu.memref_squeeze %dma_wait3A_58 : memref<1x1x512xi32, #tpu.memory_space<vmem_shared>> -> memref<512xi32, #tpu.memory_space<vmem_shared>>
        %dma_wait3A_60 = arith.constant 0 : i32
        %dma_wait3A_61 = tpu.memref_slice %arg12[%arg1, %scan3A_27, %dma_wait3A_60] : memref<16x4x512xi32, #tpu.memory_space<vmem_shared>> -> memref<1x1x512xi32, #tpu.memory_space<vmem_shared>>
        %dma_wait3A_62 = tpu.memref_squeeze %dma_wait3A_61 : memref<1x1x512xi32, #tpu.memory_space<vmem_shared>> -> memref<512xi32, #tpu.memory_space<vmem_shared>>
        tpu.wait_dma2 semaphore(%run_scoped3A : memref<!tpu.dma_semaphore, #tpu.memory_space<semaphore_mem>>) src(%arg7 : memref<512xi32, #tpu.memory_space<vmem>>) dst(%dma_wait3A_62 : memref<512xi32, #tpu.memory_space<vmem_shared>>)
        tpu.yield
      }) : () -> ()
      %scan3A_52 = arith.constant 0 : i32
      scf.yield %scan3A_52 : i32
    }
    %scan3A_14 = arith.constant 4 : i32
    %barrier3A = arith.constant 0 : index
    tpu.barrier barrier_id(%barrier3A)
    %lt3A = arith.constant 4 : i32
    %lt3A_15 = arith.cmpi slt, %arg1, %lt3A : i32
    %convert_element_type3A = arith.extui %lt3A_15 : i1 to i32
    %cond3A = arith.constant 0 : i32
    %cond3A_16 = arith.cmpi ne, %convert_element_type3A, %cond3A : i32
    scf.if %cond3A_16 {
      %scan3A_27 = arith.constant 0 : i32
      %scan3A_28 = arith.constant 0 : i32
      %scan3A_29 = arith.constant 32 : i32
      %scan3A_30 = arith.addi %scan3A_28, %scan3A_29 : i32
      %scan3A_31 = arith.constant 1 : i32
      %scan3A_32 = scf.for %scan3A_52 = %scan3A_28 to %scan3A_30 step %scan3A_31 iter_args(%scan3A_53 = %scan3A_27) -> (i32)  : i32 {
        %mul3A_54 = arith.constant 16 : i32
        %mul3A_55 = arith.muli %scan3A_52, %mul3A_54 : i32
        %swap3A_56 = arith.index_cast %mul3A_55 : i32 to index
        %swap3A_57 = tpu.vector_load %arg7[%swap3A_56] {strides = array<i32>} : memref<512xi32, #tpu.memory_space<vmem>>, vector<16xi32>,
        tpu.vector_store %arg7[%swap3A_56], %broadcast_in_dim3A_4 {strides = array<i32>} : memref<512xi32, #tpu.memory_space<vmem>>, vector<16xi32>,
        %scan3A_58 = arith.constant 0 : i32
        scf.yield %scan3A_58 : i32
      }
      %scan3A_33 = arith.constant 32 : i32
      %scan3A_34 = arith.constant 0 : i32
      %scan3A_35 = arith.constant 0 : i32
      %scan3A_36 = arith.constant 16 : i32
      %scan3A_37 = arith.addi %scan3A_35, %scan3A_36 : i32
      %scan3A_38 = arith.constant 1 : i32
      %scan3A_39 = scf.for %scan3A_52 = %scan3A_35 to %scan3A_37 step %scan3A_38 iter_args(%scan3A_53 = %scan3A_34) -> (i32)  : i32 {
        "tpu.region"() ({
          %run_scoped3A = tpu.sem_alloc : memref<!tpu.dma_semaphore, #tpu.memory_space<semaphore_mem>>
          %dma_start3A = arith.constant 0 : i32
          %dma_start3A_62 = tpu.memref_slice %arg12[%scan3A_52, %arg1, %dma_start3A] : memref<16x4x512xi32, #tpu.memory_space<vmem_shared>> -> memref<1x1x512xi32, #tpu.memory_space<vmem_shared>>
          %dma_start3A_63 = tpu.memref_squeeze %dma_start3A_62 : memref<1x1x512xi32, #tpu.memory_space<vmem_shared>> -> memref<512xi32, #tpu.memory_space<vmem_shared>>
          %dma_start3A_64 = arith.constant 0 : i32
          %dma_start3A_65 = tpu.memref_slice %arg12[%scan3A_52, %arg1, %dma_start3A_64] : memref<16x4x512xi32, #tpu.memory_space<vmem_shared>> -> memref<1x1x512xi32, #tpu.memory_space<vmem_shared>>
          %dma_start3A_66 = tpu.memref_squeeze %dma_start3A_65 : memref<1x1x512xi32, #tpu.memory_space<vmem_shared>> -> memref<512xi32, #tpu.memory_space<vmem_shared>>
          tpu.enqueue_dma source(%dma_start3A_66 : memref<512xi32, #tpu.memory_space<vmem_shared>>) target(%arg8 : memref<512xi32, #tpu.memory_space<vmem>>) target_semaphore(%run_scoped3A : memref<!tpu.dma_semaphore, #tpu.memory_space<semaphore_mem>>)
          %dma_wait3A = arith.constant 0 : i32
          %dma_wait3A_67 = tpu.memref_slice %arg12[%scan3A_52, %arg1, %dma_wait3A] : memref<16x4x512xi32, #tpu.memory_space<vmem_shared>> -> memref<1x1x512xi32, #tpu.memory_space<vmem_shared>>
          %dma_wait3A_68 = tpu.memref_squeeze %dma_wait3A_67 : memref<1x1x512xi32, #tpu.memory_space<vmem_shared>> -> memref<512xi32, #tpu.memory_space<vmem_shared>>
          %dma_wait3A_69 = arith.constant 0 : i32
          %dma_wait3A_70 = tpu.memref_slice %arg12[%scan3A_52, %arg1, %dma_wait3A_69] : memref<16x4x512xi32, #tpu.memory_space<vmem_shared>> -> memref<1x1x512xi32, #tpu.memory_space<vmem_shared>>
          %dma_wait3A_71 = tpu.memref_squeeze %dma_wait3A_70 : memref<1x1x512xi32, #tpu.memory_space<vmem_shared>> -> memref<512xi32, #tpu.memory_space<vmem_shared>>
          tpu.wait_dma2 semaphore(%run_scoped3A : memref<!tpu.dma_semaphore, #tpu.memory_space<semaphore_mem>>) src(%dma_wait3A_71 : memref<512xi32, #tpu.memory_space<vmem_shared>>) dst(%arg8 : memref<512xi32, #tpu.memory_space<vmem>>)
          tpu.yield
        }) : () -> ()
        %scan3A_54 = arith.constant 0 : i32
        %scan3A_55 = arith.constant 0 : i32
        %scan3A_56 = arith.constant 32 : i32
        %scan3A_57 = arith.addi %scan3A_55, %scan3A_56 : i32
        %scan3A_58 = arith.constant 1 : i32
        %scan3A_59 = scf.for %scan3A_62 = %scan3A_55 to %scan3A_57 step %scan3A_58 iter_args(%scan3A_63 = %scan3A_54) -> (i32)  : i32 {
          %mul3A_64 = arith.constant 16 : i32
          %mul3A_65 = arith.muli %scan3A_62, %mul3A_64 : i32
          %get3A = arith.index_cast %mul3A_65 : i32 to index
          %get3A_66 = tpu.vector_load %arg7[%get3A] {strides = array<i32>} : memref<512xi32, #tpu.memory_space<vmem>>, vector<16xi32>,
          %mul3A_67 = arith.constant 16 : i32
          %mul3A_68 = arith.muli %scan3A_62, %mul3A_67 : i32
          %get3A_69 = arith.index_cast %mul3A_68 : i32 to index
          %get3A_70 = tpu.vector_load %arg8[%get3A_69] {strides = array<i32>} : memref<512xi32, #tpu.memory_space<vmem>>, vector<16xi32>,
          %add3A_71 = arith.addi %get3A_66, %get3A_70 : vector<16xi32>
          %mul3A_72 = arith.constant 16 : i32
          %mul3A_73 = arith.muli %scan3A_62, %mul3A_72 : i32
          %swap3A_74 = arith.index_cast %mul3A_73 : i32 to index
          %swap3A_75 = tpu.vector_load %arg7[%swap3A_74] {strides = array<i32>} : memref<512xi32, #tpu.memory_space<vmem>>, vector<16xi32>,
          tpu.vector_store %arg7[%swap3A_74], %add3A_71 {strides = array<i32>} : memref<512xi32, #tpu.memory_space<vmem>>, vector<16xi32>,
          %scan3A_76 = arith.constant 0 : i32
          scf.yield %scan3A_76 : i32
        }
        %scan3A_60 = arith.constant 32 : i32
        %scan3A_61 = arith.constant 0 : i32
        scf.yield %scan3A_61 : i32
      }
      %scan3A_40 = arith.constant 16 : i32
      %scan3A_41 = arith.constant 0 : i32
      %scan3A_42 = arith.constant -1 : i32
      %scan3A_43 = arith.constant 0 : i32
      %scan3A_44 = arith.constant 32 : i32
      %scan3A_45 = arith.addi %scan3A_43, %scan3A_44 : i32
      %scan3A_46 = arith.constant 1 : i32
      %scan3A_47:2 = scf.for %scan3A_52 = %scan3A_43 to %scan3A_45 step %scan3A_46 iter_args(%scan3A_53 = %scan3A_41, %scan3A_54 = %scan3A_42) -> (i32, i32)  : i32 {
        %sub3A = arith.constant 31 : i32
        %sub3A_55 = arith.subi %sub3A, %scan3A_52 : i32
        %mul3A_56 = arith.constant 16 : i32
        %mul3A_57 = arith.muli %sub3A_55, %mul3A_56 : i32
        %get3A = arith.index_cast %mul3A_57 : i32 to index
        %get3A_58 = tpu.vector_load %arg7[%get3A] {strides = array<i32>} : memref<512xi32, #tpu.memory_space<vmem>>, vector<16xi32>,
        %broadcast_in_dim3A_59 = arith.constant true
        %broadcast_in_dim3A_60 = vector.broadcast %broadcast_in_dim3A_59 : i1 to vector<16xi1>
        %masked_cumsum3A = tpu.scan <sum>, %get3A_58 masked %broadcast_in_dim3A_60 : vector<16xi32>, vector<16xi1> -> vector<16xi32>
        %reduce_sum3A = arith.constant true
        %reduce_sum3A_61 = vector.broadcast %reduce_sum3A : i1 to vector<16xi1>
        %reduce_sum3A_62 = tpu.scan <sum>, %get3A_58 masked %reduce_sum3A_61 : vector<16xi32>, vector<16xi1> -> vector<16xi32>
        %reduce_sum3A_63 = vector.extract %reduce_sum3A_62[15] : i32 from vector<16xi32>
        %add3A_64 = arith.addi %scan3A_53, %reduce_sum3A_63 : i32
        %sub3A_65 = vector.broadcast %add3A_64 : i32 to vector<16xi32>
        %sub3A_66 = arith.subi %sub3A_65, %masked_cumsum3A : vector<16xi32>
        %add3A_67 = arith.addi %sub3A_66, %get3A_58 : vector<16xi32>
        %ge3A = arith.constant 1000 : i32
        %ge3A_68 = vector.broadcast %ge3A : i32 to vector<16xi32>
        %ge3A_69 = arith.cmpi sge, %add3A_67, %ge3A_68 : vector<16xi32>
        %all_reduce_population_count3A = tpu.all_reduce %ge3A_69 {dim = 0 : i64, kind = #tpu.reduction_kind<sum>} : vector<16xi1> -> vector<16xi32>
        %slice3A = vector.extract_strided_slice %all_reduce_population_count3A {offsets = [0], sizes = [1], strides = [1]} : vector<16xi32> to vector<1xi32>
        %squeeze3A = vector.extract %slice3A[0] : i32 from vector<1xi32>
        %gt3A = arith.constant 0 : i32
        %gt3A_70 = arith.cmpi sgt, %squeeze3A, %gt3A : i32
        %lt3A_71 = arith.constant 0 : i32
        %lt3A_72 = arith.cmpi slt, %scan3A_54, %lt3A_71 : i32
        %and3A = arith.andi %gt3A_70, %lt3A_72 : i1
        %mul3A_73 = arith.constant 16 : i32
        %mul3A_74 = arith.muli %sub3A_55, %mul3A_73 : i32
        %add3A_75 = arith.addi %mul3A_74, %squeeze3A : i32
        %sub3A_76 = arith.constant 1 : i32
        %sub3A_77 = arith.subi %add3A_75, %sub3A_76 : i32
        %select_n3A = arith.select %and3A, %sub3A_77, %scan3A_54 : i32
        %add3A_78 = arith.addi %scan3A_53, %reduce_sum3A_63 : i32
        scf.yield %add3A_78, %select_n3A : i32, i32
      }
      %scan3A_48 = arith.constant 32 : i32
      %max3A = arith.constant 0 : i32
      %max3A_49 = arith.maxsi %scan3A_47#1, %max3A : i32
      %add3A = vector.broadcast %max3A_49 : i32 to vector<16xi32>
      %add3A_50 = arith.addi %broadcast_in_dim3A_4, %add3A : vector<16xi32>
      %swap3A = arith.constant 0 : index
      %swap3A_51 = tpu.vector_load %arg11[%swap3A] {strides = array<i32>} : memref<16xi32, #tpu.memory_space<vmem>>, vector<16xi32>,
      tpu.vector_store %arg11[%swap3A], %add3A_50 {strides = array<i32>} : memref<16xi32, #tpu.memory_space<vmem>>, vector<16xi32>,
      "tpu.region"() ({
        %run_scoped3A = tpu.sem_alloc : memref<!tpu.dma_semaphore, #tpu.memory_space<semaphore_mem>>
        %dma_start3A = arith.constant 0 : i32
        %dma_start3A_52 = tpu.memref_slice %arg13[%arg1, %dma_start3A] : memref<4x128xi32, #tpu.memory_space<vmem_shared>> -> memref<1x16xi32, #tpu.memory_space<vmem_shared>>
        %dma_start3A_53 = tpu.memref_squeeze %dma_start3A_52 : memref<1x16xi32, #tpu.memory_space<vmem_shared>> -> memref<16xi32, #tpu.memory_space<vmem_shared>>
        %dma_start3A_54 = arith.constant 0 : i32
        %dma_start3A_55 = tpu.memref_slice %arg13[%arg1, %dma_start3A_54] : memref<4x128xi32, #tpu.memory_space<vmem_shared>> -> memref<1x16xi32, #tpu.memory_space<vmem_shared>>
        %dma_start3A_56 = tpu.memref_squeeze %dma_start3A_55 : memref<1x16xi32, #tpu.memory_space<vmem_shared>> -> memref<16xi32, #tpu.memory_space<vmem_shared>>
        tpu.enqueue_dma source(%arg11 : memref<16xi32, #tpu.memory_space<vmem>>) target(%dma_start3A_56 : memref<16xi32, #tpu.memory_space<vmem_shared>>) target_semaphore(%run_scoped3A : memref<!tpu.dma_semaphore, #tpu.memory_space<semaphore_mem>>)
        %dma_wait3A = arith.constant 0 : i32
        %dma_wait3A_57 = tpu.memref_slice %arg13[%arg1, %dma_wait3A] : memref<4x128xi32, #tpu.memory_space<vmem_shared>> -> memref<1x16xi32, #tpu.memory_space<vmem_shared>>
        %dma_wait3A_58 = tpu.memref_squeeze %dma_wait3A_57 : memref<1x16xi32, #tpu.memory_space<vmem_shared>> -> memref<16xi32, #tpu.memory_space<vmem_shared>>
        %dma_wait3A_59 = arith.constant 0 : i32
        %dma_wait3A_60 = tpu.memref_slice %arg13[%arg1, %dma_wait3A_59] : memref<4x128xi32, #tpu.memory_space<vmem_shared>> -> memref<1x16xi32, #tpu.memory_space<vmem_shared>>
        %dma_wait3A_61 = tpu.memref_squeeze %dma_wait3A_60 : memref<1x16xi32, #tpu.memory_space<vmem_shared>> -> memref<16xi32, #tpu.memory_space<vmem_shared>>
        tpu.wait_dma2 semaphore(%run_scoped3A : memref<!tpu.dma_semaphore, #tpu.memory_space<semaphore_mem>>) src(%arg11 : memref<16xi32, #tpu.memory_space<vmem>>) dst(%dma_wait3A_61 : memref<16xi32, #tpu.memory_space<vmem_shared>>)
        tpu.yield
      }) : () -> ()
    } else {
    }
    %barrier3A_17 = arith.constant 0 : index
    tpu.barrier barrier_id(%barrier3A_17)
    %broadcast_in_dim3A_18 = arith.constant -1.000000e+00 : f32
    %broadcast_in_dim3A_19 = vector.broadcast %broadcast_in_dim3A_18 : f32 to vector<16xf32>
    %scan3A_20 = arith.constant 0 : i32
    %scan3A_21 = arith.constant 0 : i32
    %scan3A_22 = arith.constant 4 : i32
    %scan3A_23 = arith.addi %scan3A_21, %scan3A_22 : i32
    %scan3A_24 = arith.constant 1 : i32
    %scan3A_25 = scf.for %scan3A_27 = %scan3A_21 to %scan3A_23 step %scan3A_24 iter_args(%scan3A_28 = %scan3A_20) -> (i32)  : i32 {
      %mul3A_29 = arith.constant 4 : i32
      %mul3A_30 = arith.muli %arg0, %mul3A_29 : i32
      %add3A = arith.addi %mul3A_30, %scan3A_27 : i32
      "tpu.region"() ({
        %run_scoped3A = tpu.sem_alloc : memref<!tpu.dma_semaphore, #tpu.memory_space<semaphore_mem>>
        %dma_start3A = arith.constant 0 : i32
        %dma_start3A_51 = tpu.memref_slice %arg13[%scan3A_27, %dma_start3A] : memref<4x128xi32, #tpu.memory_space<vmem_shared>> -> memref<1x16xi32, #tpu.memory_space<vmem_shared>>
        %dma_start3A_52 = tpu.memref_squeeze %dma_start3A_51 : memref<1x16xi32, #tpu.memory_space<vmem_shared>> -> memref<16xi32, #tpu.memory_space<vmem_shared>>
        %dma_start3A_53 = arith.constant 0 : i32
        %dma_start3A_54 = tpu.memref_slice %arg13[%scan3A_27, %dma_start3A_53] : memref<4x128xi32, #tpu.memory_space<vmem_shared>> -> memref<1x16xi32, #tpu.memory_space<vmem_shared>>
        %dma_start3A_55 = tpu.memref_squeeze %dma_start3A_54 : memref<1x16xi32, #tpu.memory_space<vmem_shared>> -> memref<16xi32, #tpu.memory_space<vmem_shared>>
        tpu.enqueue_dma source(%dma_start3A_55 : memref<16xi32, #tpu.memory_space<vmem_shared>>) target(%arg11 : memref<16xi32, #tpu.memory_space<vmem>>) target_semaphore(%run_scoped3A : memref<!tpu.dma_semaphore, #tpu.memory_space<semaphore_mem>>)
        %dma_wait3A = arith.constant 0 : i32
        %dma_wait3A_56 = tpu.memref_slice %arg13[%scan3A_27, %dma_wait3A] : memref<4x128xi32, #tpu.memory_space<vmem_shared>> -> memref<1x16xi32, #tpu.memory_space<vmem_shared>>
        %dma_wait3A_57 = tpu.memref_squeeze %dma_wait3A_56 : memref<1x16xi32, #tpu.memory_space<vmem_shared>> -> memref<16xi32, #tpu.memory_space<vmem_shared>>
        %dma_wait3A_58 = arith.constant 0 : i32
        %dma_wait3A_59 = tpu.memref_slice %arg13[%scan3A_27, %dma_wait3A_58] : memref<4x128xi32, #tpu.memory_space<vmem_shared>> -> memref<1x16xi32, #tpu.memory_space<vmem_shared>>
        %dma_wait3A_60 = tpu.memref_squeeze %dma_wait3A_59 : memref<1x16xi32, #tpu.memory_space<vmem_shared>> -> memref<16xi32, #tpu.memory_space<vmem_shared>>
        tpu.wait_dma2 semaphore(%run_scoped3A : memref<!tpu.dma_semaphore, #tpu.memory_space<semaphore_mem>>) src(%dma_wait3A_60 : memref<16xi32, #tpu.memory_space<vmem_shared>>) dst(%arg11 : memref<16xi32, #tpu.memory_space<vmem>>)
        tpu.yield
      }) : () -> ()
      %get3A = arith.constant 0 : index
      %get3A_31 = tpu.vector_load %arg11[%get3A] {strides = array<i32>} : memref<16xi32, #tpu.memory_space<vmem>>, vector<16xi32>,
      %slice3A = vector.extract_strided_slice %get3A_31 {offsets = [0], sizes = [1], strides = [1]} : vector<16xi32> to vector<1xi32>
      %squeeze3A = vector.extract %slice3A[0] : i32 from vector<1xi32>
      %scan3A_32 = arith.constant 0 : i32
      %scan3A_33 = arith.constant 0 : i32
      %scan3A_34 = arith.constant 64 : i32
      %scan3A_35 = arith.addi %scan3A_33, %scan3A_34 : i32
      %scan3A_36 = arith.constant 1 : i32
      %scan3A_37 = scf.for %scan3A_51 = %scan3A_33 to %scan3A_35 step %scan3A_36 iter_args(%scan3A_52 = %scan3A_32) -> (i32)  : i32 {
        %mul3A_53 = arith.constant 16 : i32
        %mul3A_54 = arith.muli %scan3A_51, %mul3A_53 : i32
        %swap3A = arith.index_cast %mul3A_54 : i32 to index
        %swap3A_55 = tpu.vector_load %arg9[%swap3A] {strides = array<i32>} : memref<1024xf32, #tpu.memory_space<vmem>>, vector<16xf32>,
        tpu.vector_store %arg9[%swap3A], %broadcast_in_dim3A_19 {strides = array<i32>} : memref<1024xf32, #tpu.memory_space<vmem>>, vector<16xf32>,
        %scan3A_56 = arith.constant 0 : i32
        scf.yield %scan3A_56 : i32
      }
      %scan3A_38 = arith.constant 64 : i32
      %scan3A_39 = arith.constant 0 : i32
      %scan3A_40 = arith.constant 0 : i32
      %scan3A_41 = arith.constant 4 : i32
      %scan3A_42 = arith.addi %scan3A_40, %scan3A_41 : i32
      %scan3A_43 = arith.constant 1 : i32
      %scan3A_44 = scf.for %scan3A_51 = %scan3A_40 to %scan3A_42 step %scan3A_43 iter_args(%scan3A_52 = %scan3A_39) -> (i32)  : i32 {
        %mul3A_53 = arith.constant 32768 : i32
        %mul3A_54 = arith.muli %scan3A_51, %mul3A_53 : i32
        %add3A_55 = arith.addi %mul3A_8, %mul3A_54 : i32
        "tpu.region"() ({
          %run_scoped3A = tpu.sem_alloc : memref<!tpu.dma_semaphore, #tpu.memory_space<semaphore_mem>>
          %dma_start3A = tpu.memref_slice %arg2[%add3A, %add3A_55] : memref<8x2097152xf32, #tpu.memory_space<hbm>> -> memref<1x32768xf32, #tpu.memory_space<hbm>>
          %dma_start3A_67 = tpu.memref_squeeze %dma_start3A : memref<1x32768xf32, #tpu.memory_space<hbm>> -> memref<32768xf32, #tpu.memory_space<hbm>>
          %dma_start3A_68 = tpu.memref_slice %arg2[%add3A, %add3A_55] : memref<8x2097152xf32, #tpu.memory_space<hbm>> -> memref<1x32768xf32, #tpu.memory_space<hbm>>
          %dma_start3A_69 = tpu.memref_squeeze %dma_start3A_68 : memref<1x32768xf32, #tpu.memory_space<hbm>> -> memref<32768xf32, #tpu.memory_space<hbm>>
          tpu.enqueue_dma source(%dma_start3A_69 : memref<32768xf32, #tpu.memory_space<hbm>>) target(%arg5 : memref<32768xf32, #tpu.memory_space<vmem>>) target_semaphore(%run_scoped3A : memref<!tpu.dma_semaphore, #tpu.memory_space<semaphore_mem>>)
          %dma_wait3A = tpu.memref_slice %arg2[%add3A, %add3A_55] : memref<8x2097152xf32, #tpu.memory_space<hbm>> -> memref<1x32768xf32, #tpu.memory_space<hbm>>
          %dma_wait3A_70 = tpu.memref_squeeze %dma_wait3A : memref<1x32768xf32, #tpu.memory_space<hbm>> -> memref<32768xf32, #tpu.memory_space<hbm>>
          %dma_wait3A_71 = tpu.memref_slice %arg2[%add3A, %add3A_55] : memref<8x2097152xf32, #tpu.memory_space<hbm>> -> memref<1x32768xf32, #tpu.memory_space<hbm>>
          %dma_wait3A_72 = tpu.memref_squeeze %dma_wait3A_71 : memref<1x32768xf32, #tpu.memory_space<hbm>> -> memref<32768xf32, #tpu.memory_space<hbm>>
          tpu.wait_dma2 semaphore(%run_scoped3A : memref<!tpu.dma_semaphore, #tpu.memory_space<semaphore_mem>>) src(%dma_wait3A_72 : memref<32768xf32, #tpu.memory_space<hbm>>) dst(%arg5 : memref<32768xf32, #tpu.memory_space<vmem>>)
          tpu.yield
        }) : () -> ()
        %mul3A_56 = arith.constant 32768 : i32
        %mul3A_57 = arith.muli %scan3A_51, %mul3A_56 : i32
        %add3A_58 = arith.addi %mul3A_8, %mul3A_57 : i32
        %scan3A_59 = arith.constant 0 : i32
        %scan3A_60 = arith.constant 0 : i32
        %scan3A_61 = arith.constant 2048 : i32
        %scan3A_62 = arith.addi %scan3A_60, %scan3A_61 : i32
        %scan3A_63 = arith.constant 1 : i32
        %scan3A_64 = scf.for %scan3A_67 = %scan3A_60 to %scan3A_62 step %scan3A_63 iter_args(%scan3A_68 = %scan3A_59) -> (i32)  : i32 {
          %mul3A_69 = arith.constant 16 : i32
          %mul3A_70 = arith.muli %scan3A_67, %mul3A_69 : i32
          %get3A_71 = arith.index_cast %mul3A_70 : i32 to index
          %get3A_72 = tpu.vector_load %arg5[%get3A_71] {strides = array<i32>} : memref<32768xf32, #tpu.memory_space<vmem>>, vector<16xf32>,
          %mul3A_73 = arith.constant 5.120000e+02 : f32
          %mul3A_74 = vector.broadcast %mul3A_73 : f32 to vector<16xf32>
          %mul3A_75 = arith.mulf %get3A_72, %mul3A_74 : vector<16xf32>
          %convert_element_type3A_76 = arith.fptosi %mul3A_75 : vector<16xf32> to vector<16xi32>
          %min3A = arith.minsi %convert_element_type3A_76, %broadcast_in_dim3A_6 : vector<16xi32>
          %ge3A = vector.broadcast %squeeze3A : i32 to vector<16xi32>
          %ge3A_77 = arith.cmpi sge, %min3A, %ge3A : vector<16xi32>
          %all_reduce_population_count3A = tpu.all_reduce %ge3A_77 {dim = 0 : i64, kind = #tpu.reduction_kind<sum>} : vector<16xi1> -> vector<16xi32>
          %slice3A_78 = vector.extract_strided_slice %all_reduce_population_count3A {offsets = [0], sizes = [1], strides = [1]} : vector<16xi32> to vector<1xi32>
          %squeeze3A_79 = vector.extract %slice3A_78[0] : i32 from vector<1xi32>
          %le3A = arith.constant 240 : i32
          %le3A_80 = arith.cmpi sle, %scan3A_68, %le3A : i32
          %convert_element_type3A_81 = arith.extui %le3A_80 : i1 to i32
          %cond3A_82 = arith.constant 0 : i32
          %cond3A_83 = arith.cmpi ne, %convert_element_type3A_81, %cond3A_82 : i32
          scf.if %cond3A_83 {
            %mul3A_86 = arith.constant 256 : i32
            %mul3A_87 = arith.muli %scan3A_51, %mul3A_86 : i32
            %add3A_88 = arith.addi %mul3A_87, %scan3A_68 : i32
            %swap3A = arith.index_cast %add3A_88 : i32 to index
            %swap3A_89 = tpu.vector_load %arg9[%swap3A] masked %ge3A_77 {strides = array<i32>} : memref<1024xf32, #tpu.memory_space<vmem>>, vector<16xf32>, vector<16xi1>
            tpu.vector_store %arg9[%swap3A], %get3A_72 masked %ge3A_77 {strides = array<i32>} : memref<1024xf32, #tpu.memory_space<vmem>>, vector<16xf32>, vector<16xi1>
            %mul3A_90 = arith.constant 256 : i32
            %mul3A_91 = arith.muli %scan3A_51, %mul3A_90 : i32
            %add3A_92 = arith.addi %mul3A_91, %scan3A_68 : i32
            %mul3A_93 = arith.constant 16 : i32
            %mul3A_94 = arith.muli %scan3A_67, %mul3A_93 : i32
            %add3A_95 = arith.addi %add3A_58, %mul3A_94 : i32
            %add3A_96 = vector.broadcast %add3A_95 : i32 to vector<16xi32>
            %add3A_97 = arith.addi %add3A_96, %iota3A : vector<16xi32>
            %swap3A_98 = arith.index_cast %add3A_92 : i32 to index
            %swap3A_99 = tpu.vector_load %arg10[%swap3A_98] masked %ge3A_77 {strides = array<i32>} : memref<1024xi32, #tpu.memory_space<vmem>>, vector<16xi32>, vector<16xi1>
            tpu.vector_store %arg10[%swap3A_98], %add3A_97 masked %ge3A_77 {strides = array<i32>} : memref<1024xi32, #tpu.memory_space<vmem>>, vector<16xi32>, vector<16xi1>
          } else {
          }
          %select_n3A = arith.constant 0 : i32
          %select_n3A_84 = arith.select %le3A_80, %squeeze3A_79, %select_n3A : i32
          %add3A_85 = arith.addi %scan3A_68, %select_n3A_84 : i32
          scf.yield %add3A_85 : i32
        }
        %scan3A_65 = arith.constant 2048 : i32
        %scan3A_66 = arith.constant 0 : i32
        scf.yield %scan3A_66 : i32
      }
      %scan3A_45 = arith.constant 4 : i32
      %mul3A_46 = arith.constant 1024 : i32
      %mul3A_47 = arith.muli %arg1, %mul3A_46 : i32
      "tpu.region"() ({
        %run_scoped3A = tpu.sem_alloc : memref<!tpu.dma_semaphore, #tpu.memory_space<semaphore_mem>>
        %dma_start3A = tpu.memref_slice %arg3[%add3A, %mul3A_47] : memref<8x16384xf32, #tpu.memory_space<hbm>> -> memref<1x1024xf32, #tpu.memory_space<hbm>>
        %dma_start3A_51 = tpu.memref_squeeze %dma_start3A : memref<1x1024xf32, #tpu.memory_space<hbm>> -> memref<1024xf32, #tpu.memory_space<hbm>>
        %dma_start3A_52 = tpu.memref_slice %arg3[%add3A, %mul3A_47] : memref<8x16384xf32, #tpu.memory_space<hbm>> -> memref<1x1024xf32, #tpu.memory_space<hbm>>
        %dma_start3A_53 = tpu.memref_squeeze %dma_start3A_52 : memref<1x1024xf32, #tpu.memory_space<hbm>> -> memref<1024xf32, #tpu.memory_space<hbm>>
        tpu.enqueue_dma source(%arg9 : memref<1024xf32, #tpu.memory_space<vmem>>) target(%dma_start3A_53 : memref<1024xf32, #tpu.memory_space<hbm>>) target_semaphore(%run_scoped3A : memref<!tpu.dma_semaphore, #tpu.memory_space<semaphore_mem>>)
        %dma_wait3A = tpu.memref_slice %arg3[%add3A, %mul3A_47] : memref<8x16384xf32, #tpu.memory_space<hbm>> -> memref<1x1024xf32, #tpu.memory_space<hbm>>
        %dma_wait3A_54 = tpu.memref_squeeze %dma_wait3A : memref<1x1024xf32, #tpu.memory_space<hbm>> -> memref<1024xf32, #tpu.memory_space<hbm>>
        %dma_wait3A_55 = tpu.memref_slice %arg3[%add3A, %mul3A_47] : memref<8x16384xf32, #tpu.memory_space<hbm>> -> memref<1x1024xf32, #tpu.memory_space<hbm>>
        %dma_wait3A_56 = tpu.memref_squeeze %dma_wait3A_55 : memref<1x1024xf32, #tpu.memory_space<hbm>> -> memref<1024xf32, #tpu.memory_space<hbm>>
        tpu.wait_dma2 semaphore(%run_scoped3A : memref<!tpu.dma_semaphore, #tpu.memory_space<semaphore_mem>>) src(%arg9 : memref<1024xf32, #tpu.memory_space<vmem>>) dst(%dma_wait3A_56 : memref<1024xf32, #tpu.memory_space<hbm>>)
        tpu.yield
      }) : () -> ()
      %mul3A_48 = arith.constant 1024 : i32
      %mul3A_49 = arith.muli %arg1, %mul3A_48 : i32
      "tpu.region"() ({
        %run_scoped3A = tpu.sem_alloc : memref<!tpu.dma_semaphore, #tpu.memory_space<semaphore_mem>>
        %dma_start3A = tpu.memref_slice %arg4[%add3A, %mul3A_49] : memref<8x16384xi32, #tpu.memory_space<hbm>> -> memref<1x1024xi32, #tpu.memory_space<hbm>>
        %dma_start3A_51 = tpu.memref_squeeze %dma_start3A : memref<1x1024xi32, #tpu.memory_space<hbm>> -> memref<1024xi32, #tpu.memory_space<hbm>>
        %dma_start3A_52 = tpu.memref_slice %arg4[%add3A, %mul3A_49] : memref<8x16384xi32, #tpu.memory_space<hbm>> -> memref<1x1024xi32, #tpu.memory_space<hbm>>
        %dma_start3A_53 = tpu.memref_squeeze %dma_start3A_52 : memref<1x1024xi32, #tpu.memory_space<hbm>> -> memref<1024xi32, #tpu.memory_space<hbm>>
        tpu.enqueue_dma source(%arg10 : memref<1024xi32, #tpu.memory_space<vmem>>) target(%dma_start3A_53 : memref<1024xi32, #tpu.memory_space<hbm>>) target_semaphore(%run_scoped3A : memref<!tpu.dma_semaphore, #tpu.memory_space<semaphore_mem>>)
        %dma_wait3A = tpu.memref_slice %arg4[%add3A, %mul3A_49] : memref<8x16384xi32, #tpu.memory_space<hbm>> -> memref<1x1024xi32, #tpu.memory_space<hbm>>
        %dma_wait3A_54 = tpu.memref_squeeze %dma_wait3A : memref<1x1024xi32, #tpu.memory_space<hbm>> -> memref<1024xi32, #tpu.memory_space<hbm>>
        %dma_wait3A_55 = tpu.memref_slice %arg4[%add3A, %mul3A_49] : memref<8x16384xi32, #tpu.memory_space<hbm>> -> memref<1x1024xi32, #tpu.memory_space<hbm>>
        %dma_wait3A_56 = tpu.memref_squeeze %dma_wait3A_55 : memref<1x1024xi32, #tpu.memory_space<hbm>> -> memref<1024xi32, #tpu.memory_space<hbm>>
        tpu.wait_dma2 semaphore(%run_scoped3A : memref<!tpu.dma_semaphore, #tpu.memory_space<semaphore_mem>>) src(%arg10 : memref<1024xi32, #tpu.memory_space<vmem>>) dst(%dma_wait3A_56 : memref<1024xi32, #tpu.memory_space<hbm>>)
        tpu.yield
      }) : () -> ()
      %scan3A_50 = arith.constant 0 : i32
      scf.yield %scan3A_50 : i32
    }
    %scan3A_26 = arith.constant 4 : i32
    return
  }
}

#map = affine_map<(d0, d1) -> (0)>
#map1 = affine_map<(d0, d1) -> (0, 0)>
module attributes {stable_mosaic.version = 14 : i64} {
  func.func @_gather(%arg0: i32, %arg1: i32, %arg2: memref<131072xi32, #tpu.memory_space<hbm>>, %arg3: memref<8x1024xi32, #tpu.memory_space<hbm>>, %arg4: memref<819200xf32, #tpu.memory_space<hbm>>, %arg5: memref<8x4096xf32, #tpu.memory_space<hbm>>, %arg6: memref<8x1024xi32, #tpu.memory_space<hbm>>, %arg7: memref<256xi32, #tpu.memory_space<vmem>>, %arg8: memref<2x128xi32, #tpu.memory_space<vmem>>, %arg9: memref<2x128xi32, #tpu.memory_space<vmem>>, %arg10: memref<256xi32, #tpu.memory_space<vmem>>, %arg11: memref<256xi32, #tpu.memory_space<vmem>>, %arg12: memref<16x128xi32, #tpu.memory_space<vmem>>, %arg13: memref<16x128xf32, #tpu.memory_space<vmem>>, %arg14: memref<1024xf32, #tpu.memory_space<vmem>>, %arg15: memref<!tpu.dma_semaphore, #tpu.memory_space<semaphore_mem>>) attributes {dimension_semantics = [#tpu.dimension_semantics<core_parallel>, #tpu.dimension_semantics<subcore_parallel>], iteration_bounds = array<i64: 2, 16>, scalar_prefetch = 0 : i64, scratch_operands = 9 : i64, tpu.core_type = #tpu.core_type<sc_vector_subcore>, window_params = [{transform_indices = #map}, {transform_indices = #map1}, {transform_indices = #map}, {transform_indices = #map1}, {transform_indices = #map1}]} {
    %mul3A = arith.constant 2 : i32
    %mul3A_0 = arith.muli %arg1, %mul3A : i32
    %add3A = arith.addi %mul3A_0, %arg0 : i32
    %jit3A = arith.constant 4 : i32
    %div3A = arith.divsi %add3A, %jit3A : i32
    %sign3A = arith.constant 0 : i32
    %sign3A_1 = arith.cmpi sgt, %add3A, %sign3A : i32
    %sign3A_2 = arith.extui %sign3A_1 : i1 to i32
    %sign3A_3 = arith.constant 0 : i32
    %sign3A_4 = arith.cmpi slt, %add3A, %sign3A_3 : i32
    %sign3A_5 = arith.extui %sign3A_4 : i1 to i32
    %sign3A_6 = arith.subi %sign3A_2, %sign3A_5 : i32
    %sign3A_7 = arith.constant 0 : i32
    %sign3A_8 = arith.cmpi sgt, %jit3A, %sign3A_7 : i32
    %sign3A_9 = arith.extui %sign3A_8 : i1 to i32
    %sign3A_10 = arith.constant 0 : i32
    %sign3A_11 = arith.cmpi slt, %jit3A, %sign3A_10 : i32
    %sign3A_12 = arith.extui %sign3A_11 : i1 to i32
    %sign3A_13 = arith.subi %sign3A_9, %sign3A_12 : i32
    %ne3A = arith.cmpi ne, %sign3A_6, %sign3A_13 : i32
    %rem3A = arith.remsi %add3A, %jit3A : i32
    %ne3A_14 = arith.constant 0 : i32
    %ne3A_15 = arith.cmpi ne, %rem3A, %ne3A_14 : i32
    %and3A = arith.andi %ne3A, %ne3A_15 : i1
    %sub3A = arith.constant 1 : i32
    %sub3A_16 = arith.subi %div3A, %sub3A : i32
    %select_n3A = arith.select %and3A, %sub3A_16, %div3A : i32
    %mul3A_17 = arith.constant 4 : i32
    %mul3A_18 = arith.muli %select_n3A, %mul3A_17 : i32
    %sub3A_19 = arith.subi %add3A, %mul3A_18 : i32
    %iota3A = tpu.iota {dimensions = array<i32: 0>} : vector<16xi32>
    %mul3A_20 = arith.constant 256 : i32
    %mul3A_21 = arith.muli %sub3A_19, %mul3A_20 : i32
    "tpu.region"() ({
      %run_scoped3A = tpu.sem_alloc : memref<!tpu.dma_semaphore, #tpu.memory_space<semaphore_mem>>
      %dma_start3A_466 = tpu.memref_slice %arg3[%select_n3A, %mul3A_21] : memref<8x1024xi32, #tpu.memory_space<hbm>> -> memref<1x256xi32, #tpu.memory_space<hbm>>
      %dma_start3A_467 = tpu.memref_squeeze %dma_start3A_466 : memref<1x256xi32, #tpu.memory_space<hbm>> -> memref<256xi32, #tpu.memory_space<hbm>>
      %dma_start3A_468 = tpu.memref_slice %arg3[%select_n3A, %mul3A_21] : memref<8x1024xi32, #tpu.memory_space<hbm>> -> memref<1x256xi32, #tpu.memory_space<hbm>>
      %dma_start3A_469 = tpu.memref_squeeze %dma_start3A_468 : memref<1x256xi32, #tpu.memory_space<hbm>> -> memref<256xi32, #tpu.memory_space<hbm>>
      tpu.enqueue_dma source(%dma_start3A_469 : memref<256xi32, #tpu.memory_space<hbm>>) target(%arg7 : memref<256xi32, #tpu.memory_space<vmem>>) target_semaphore(%run_scoped3A : memref<!tpu.dma_semaphore, #tpu.memory_space<semaphore_mem>>)
      %dma_wait3A_470 = tpu.memref_slice %arg3[%select_n3A, %mul3A_21] : memref<8x1024xi32, #tpu.memory_space<hbm>> -> memref<1x256xi32, #tpu.memory_space<hbm>>
      %dma_wait3A_471 = tpu.memref_squeeze %dma_wait3A_470 : memref<1x256xi32, #tpu.memory_space<hbm>> -> memref<256xi32, #tpu.memory_space<hbm>>
      %dma_wait3A_472 = tpu.memref_slice %arg3[%select_n3A, %mul3A_21] : memref<8x1024xi32, #tpu.memory_space<hbm>> -> memref<1x256xi32, #tpu.memory_space<hbm>>
      %dma_wait3A_473 = tpu.memref_squeeze %dma_wait3A_472 : memref<1x256xi32, #tpu.memory_space<hbm>> -> memref<256xi32, #tpu.memory_space<hbm>>
      tpu.wait_dma2 semaphore(%run_scoped3A : memref<!tpu.dma_semaphore, #tpu.memory_space<semaphore_mem>>) src(%dma_wait3A_473 : memref<256xi32, #tpu.memory_space<hbm>>) dst(%arg7 : memref<256xi32, #tpu.memory_space<vmem>>)
      tpu.yield
    }) : () -> ()
    %scan3A = arith.constant 0 : i32
    %scan3A_22 = arith.constant 0 : i32
    %scan3A_23 = arith.constant 16 : i32
    %scan3A_24 = arith.addi %scan3A_22, %scan3A_23 : i32
    %scan3A_25 = arith.constant 1 : i32
    %scan3A_26 = scf.for %scan3A_466 = %scan3A_22 to %scan3A_24 step %scan3A_25 iter_args(%scan3A_467 = %scan3A) -> (i32)  : i32 {
      %jit3A_468 = arith.constant 8 : i32
      %div3A_469 = arith.divsi %scan3A_466, %jit3A_468 : i32
      %sign3A_470 = arith.constant 0 : i32
      %sign3A_471 = arith.cmpi sgt, %scan3A_466, %sign3A_470 : i32
      %sign3A_472 = arith.extui %sign3A_471 : i1 to i32
      %sign3A_473 = arith.constant 0 : i32
      %sign3A_474 = arith.cmpi slt, %scan3A_466, %sign3A_473 : i32
      %sign3A_475 = arith.extui %sign3A_474 : i1 to i32
      %sign3A_476 = arith.subi %sign3A_472, %sign3A_475 : i32
      %sign3A_477 = arith.constant 0 : i32
      %sign3A_478 = arith.cmpi sgt, %jit3A_468, %sign3A_477 : i32
      %sign3A_479 = arith.extui %sign3A_478 : i1 to i32
      %sign3A_480 = arith.constant 0 : i32
      %sign3A_481 = arith.cmpi slt, %jit3A_468, %sign3A_480 : i32
      %sign3A_482 = arith.extui %sign3A_481 : i1 to i32
      %sign3A_483 = arith.subi %sign3A_479, %sign3A_482 : i32
      %ne3A_484 = arith.cmpi ne, %sign3A_476, %sign3A_483 : i32
      %rem3A_485 = arith.remsi %scan3A_466, %jit3A_468 : i32
      %ne3A_486 = arith.constant 0 : i32
      %ne3A_487 = arith.cmpi ne, %rem3A_485, %ne3A_486 : i32
      %and3A_488 = arith.andi %ne3A_484, %ne3A_487 : i1
      %sub3A_489 = arith.constant 1 : i32
      %sub3A_490 = arith.subi %div3A_469, %sub3A_489 : i32
      %select_n3A_491 = arith.select %and3A_488, %sub3A_490, %div3A_469 : i32
      %mul3A_492 = arith.constant 8 : i32
      %mul3A_493 = arith.muli %select_n3A_491, %mul3A_492 : i32
      %sub3A_494 = arith.subi %scan3A_466, %mul3A_493 : i32
      %mul3A_495 = arith.constant 16 : i32
      %mul3A_496 = arith.muli %sub3A_494, %mul3A_495 : i32
      %mul3A_497 = arith.constant 16 : i32
      %mul3A_498 = arith.muli %scan3A_466, %mul3A_497 : i32
      %get3A = arith.index_cast %mul3A_498 : i32 to index
      %get3A_499 = tpu.vector_load %arg7[%get3A] {strides = array<i32>} : memref<256xi32, #tpu.memory_space<vmem>>, vector<16xi32>,
      %mul3A_500 = arith.constant 16384 : i32
      %mul3A_501 = arith.muli %select_n3A, %mul3A_500 : i32
      %add3A_502 = vector.broadcast %mul3A_501 : i32 to vector<16xi32>
      %add3A_503 = arith.addi %get3A_499, %add3A_502 : vector<16xi32>
      %swap3A = arith.index_cast %select_n3A_491 : i32 to index
      %swap3A_504 = arith.index_cast %mul3A_496 : i32 to index
      %swap3A_505 = tpu.vector_load %arg8[%swap3A, %swap3A_504] {strides = array<i32>} : memref<2x128xi32, #tpu.memory_space<vmem>>, vector<16xi32>,
      tpu.vector_store %arg8[%swap3A, %swap3A_504], %add3A_503 {strides = array<i32>} : memref<2x128xi32, #tpu.memory_space<vmem>>, vector<16xi32>,
      %scan3A_506 = arith.constant 0 : i32
      scf.yield %scan3A_506 : i32
    }
    %scan3A_27 = arith.constant 16 : i32
    %dma_start3A = arith.constant 0 : i32
    %dma_start3A_28 = arith.constant 0 : i32
    %dma_start3A_29 = arith.constant 0 : i32
    %dma_start3A_30 = tpu.memref_slice %arg9[%dma_start3A_28, %dma_start3A_29] : memref<2x128xi32, #tpu.memory_space<vmem>> -> memref<1x128xi32, #tpu.memory_space<vmem>>
    %dma_start3A_31 = tpu.memref_squeeze %dma_start3A_30 : memref<1x128xi32, #tpu.memory_space<vmem>> -> memref<128xi32, #tpu.memory_space<vmem>>
    %dma_start3A_32 = arith.constant 0 : i32
    %dma_start3A_33 = tpu.memref_slice %arg8[%dma_start3A, %dma_start3A_32] : memref<2x128xi32, #tpu.memory_space<vmem>> -> memref<1x128xi32, #tpu.memory_space<vmem>>
    %dma_start3A_34 = tpu.memref_squeeze %dma_start3A_33 : memref<1x128xi32, #tpu.memory_space<vmem>> -> memref<128xi32, #tpu.memory_space<vmem>>
    %dma_start3A_35 = arith.constant 0 : i32
    %dma_start3A_36 = tpu.memref_slice %arg2[%dma_start3A_35] : memref<131072xi32, #tpu.memory_space<hbm>> -> memref<131072xi32, #tpu.memory_space<hbm>>
    tpu.enqueue_indirect_dma source(%dma_start3A_36 : memref<131072xi32, #tpu.memory_space<hbm>>) target(%dma_start3A_31 : memref<128xi32, #tpu.memory_space<vmem>>) offsets(%dma_start3A_34 : memref<128xi32, #tpu.memory_space<vmem>>) semaphore(%arg15 : memref<!tpu.dma_semaphore, #tpu.memory_space<semaphore_mem>>)
    %dma_start3A_37 = arith.constant 1 : i32
    %dma_start3A_38 = arith.constant 1 : i32
    %dma_start3A_39 = arith.constant 0 : i32
    %dma_start3A_40 = tpu.memref_slice %arg9[%dma_start3A_38, %dma_start3A_39] : memref<2x128xi32, #tpu.memory_space<vmem>> -> memref<1x128xi32, #tpu.memory_space<vmem>>
    %dma_start3A_41 = tpu.memref_squeeze %dma_start3A_40 : memref<1x128xi32, #tpu.memory_space<vmem>> -> memref<128xi32, #tpu.memory_space<vmem>>
    %dma_start3A_42 = arith.constant 0 : i32
    %dma_start3A_43 = tpu.memref_slice %arg8[%dma_start3A_37, %dma_start3A_42] : memref<2x128xi32, #tpu.memory_space<vmem>> -> memref<1x128xi32, #tpu.memory_space<vmem>>
    %dma_start3A_44 = tpu.memref_squeeze %dma_start3A_43 : memref<1x128xi32, #tpu.memory_space<vmem>> -> memref<128xi32, #tpu.memory_space<vmem>>
    %dma_start3A_45 = arith.constant 0 : i32
    %dma_start3A_46 = tpu.memref_slice %arg2[%dma_start3A_45] : memref<131072xi32, #tpu.memory_space<hbm>> -> memref<131072xi32, #tpu.memory_space<hbm>>
    tpu.enqueue_indirect_dma source(%dma_start3A_46 : memref<131072xi32, #tpu.memory_space<hbm>>) target(%dma_start3A_41 : memref<128xi32, #tpu.memory_space<vmem>>) offsets(%dma_start3A_44 : memref<128xi32, #tpu.memory_space<vmem>>) semaphore(%arg15 : memref<!tpu.dma_semaphore, #tpu.memory_space<semaphore_mem>>)
    %dma_wait3A = arith.constant 0 : i32
    %dma_wait3A_47 = arith.constant 0 : i32
    %dma_wait3A_48 = arith.constant 0 : i32
    %dma_wait3A_49 = tpu.memref_slice %arg9[%dma_wait3A_47, %dma_wait3A_48] : memref<2x128xi32, #tpu.memory_space<vmem>> -> memref<1x128xi32, #tpu.memory_space<vmem>>
    %dma_wait3A_50 = tpu.memref_squeeze %dma_wait3A_49 : memref<1x128xi32, #tpu.memory_space<vmem>> -> memref<128xi32, #tpu.memory_space<vmem>>
    %dma_wait3A_51 = arith.constant 0 : i32
    %dma_wait3A_52 = tpu.memref_slice %arg8[%dma_wait3A, %dma_wait3A_51] : memref<2x128xi32, #tpu.memory_space<vmem>> -> memref<1x128xi32, #tpu.memory_space<vmem>>
    %dma_wait3A_53 = tpu.memref_squeeze %dma_wait3A_52 : memref<1x128xi32, #tpu.memory_space<vmem>> -> memref<128xi32, #tpu.memory_space<vmem>>
    %dma_wait3A_54 = arith.constant 0 : i32
    %dma_wait3A_55 = tpu.memref_slice %arg2[%dma_wait3A_54] : memref<131072xi32, #tpu.memory_space<hbm>> -> memref<131072xi32, #tpu.memory_space<hbm>>
    tpu.wait_indirect_dma semaphore(%arg15 : memref<!tpu.dma_semaphore, #tpu.memory_space<semaphore_mem>>) src(%dma_wait3A_55 : memref<131072xi32, #tpu.memory_space<hbm>>) dst(%dma_wait3A_50 : memref<128xi32, #tpu.memory_space<vmem>>)
    %dma_wait3A_56 = arith.constant 1 : i32
    %dma_wait3A_57 = arith.constant 1 : i32
    %dma_wait3A_58 = arith.constant 0 : i32
    %dma_wait3A_59 = tpu.memref_slice %arg9[%dma_wait3A_57, %dma_wait3A_58] : memref<2x128xi32, #tpu.memory_space<vmem>> -> memref<1x128xi32, #tpu.memory_space<vmem>>
    %dma_wait3A_60 = tpu.memref_squeeze %dma_wait3A_59 : memref<1x128xi32, #tpu.memory_space<vmem>> -> memref<128xi32, #tpu.memory_space<vmem>>
    %dma_wait3A_61 = arith.constant 0 : i32
    %dma_wait3A_62 = tpu.memref_slice %arg8[%dma_wait3A_56, %dma_wait3A_61] : memref<2x128xi32, #tpu.memory_space<vmem>> -> memref<1x128xi32, #tpu.memory_space<vmem>>
    %dma_wait3A_63 = tpu.memref_squeeze %dma_wait3A_62 : memref<1x128xi32, #tpu.memory_space<vmem>> -> memref<128xi32, #tpu.memory_space<vmem>>
    %dma_wait3A_64 = arith.constant 0 : i32
    %dma_wait3A_65 = tpu.memref_slice %arg2[%dma_wait3A_64] : memref<131072xi32, #tpu.memory_space<hbm>> -> memref<131072xi32, #tpu.memory_space<hbm>>
    tpu.wait_indirect_dma semaphore(%arg15 : memref<!tpu.dma_semaphore, #tpu.memory_space<semaphore_mem>>) src(%dma_wait3A_65 : memref<131072xi32, #tpu.memory_space<hbm>>) dst(%dma_wait3A_60 : memref<128xi32, #tpu.memory_space<vmem>>)
    %scan3A_66 = arith.constant 0 : i32
    %scan3A_67 = arith.constant 0 : i32
    %scan3A_68 = arith.constant 16 : i32
    %scan3A_69 = arith.addi %scan3A_67, %scan3A_68 : i32
    %scan3A_70 = arith.constant 1 : i32
    %scan3A_71 = scf.for %scan3A_466 = %scan3A_67 to %scan3A_69 step %scan3A_70 iter_args(%scan3A_467 = %scan3A_66) -> (i32)  : i32 {
      %jit3A_468 = arith.constant 8 : i32
      %div3A_469 = arith.divsi %scan3A_466, %jit3A_468 : i32
      %sign3A_470 = arith.constant 0 : i32
      %sign3A_471 = arith.cmpi sgt, %scan3A_466, %sign3A_470 : i32
      %sign3A_472 = arith.extui %sign3A_471 : i1 to i32
      %sign3A_473 = arith.constant 0 : i32
      %sign3A_474 = arith.cmpi slt, %scan3A_466, %sign3A_473 : i32
      %sign3A_475 = arith.extui %sign3A_474 : i1 to i32
      %sign3A_476 = arith.subi %sign3A_472, %sign3A_475 : i32
      %sign3A_477 = arith.constant 0 : i32
      %sign3A_478 = arith.cmpi sgt, %jit3A_468, %sign3A_477 : i32
      %sign3A_479 = arith.extui %sign3A_478 : i1 to i32
      %sign3A_480 = arith.constant 0 : i32
      %sign3A_481 = arith.cmpi slt, %jit3A_468, %sign3A_480 : i32
      %sign3A_482 = arith.extui %sign3A_481 : i1 to i32
      %sign3A_483 = arith.subi %sign3A_479, %sign3A_482 : i32
      %ne3A_484 = arith.cmpi ne, %sign3A_476, %sign3A_483 : i32
      %rem3A_485 = arith.remsi %scan3A_466, %jit3A_468 : i32
      %ne3A_486 = arith.constant 0 : i32
      %ne3A_487 = arith.cmpi ne, %rem3A_485, %ne3A_486 : i32
      %and3A_488 = arith.andi %ne3A_484, %ne3A_487 : i1
      %sub3A_489 = arith.constant 1 : i32
      %sub3A_490 = arith.subi %div3A_469, %sub3A_489 : i32
      %select_n3A_491 = arith.select %and3A_488, %sub3A_490, %div3A_469 : i32
      %mul3A_492 = arith.constant 8 : i32
      %mul3A_493 = arith.muli %select_n3A_491, %mul3A_492 : i32
      %sub3A_494 = arith.subi %scan3A_466, %mul3A_493 : i32
      %mul3A_495 = arith.constant 16 : i32
      %mul3A_496 = arith.muli %sub3A_494, %mul3A_495 : i32
      %get3A = arith.index_cast %select_n3A_491 : i32 to index
      %get3A_497 = arith.index_cast %mul3A_496 : i32 to index
      %get3A_498 = tpu.vector_load %arg9[%get3A, %get3A_497] {strides = array<i32>} : memref<2x128xi32, #tpu.memory_space<vmem>>, vector<16xi32>,
      %shift_right_logical3A = arith.constant 7 : i32
      %shift_right_logical3A_499 = vector.broadcast %shift_right_logical3A : i32 to vector<16xi32>
      %shift_right_logical3A_500 = arith.shrui %get3A_498, %shift_right_logical3A_499 : vector<16xi32>
      %mul3A_501 = arith.constant 16 : i32
      %mul3A_502 = arith.muli %scan3A_466, %mul3A_501 : i32
      %swap3A = arith.index_cast %mul3A_502 : i32 to index
      %swap3A_503 = tpu.vector_load %arg10[%swap3A] {strides = array<i32>} : memref<256xi32, #tpu.memory_space<vmem>>, vector<16xi32>,
      tpu.vector_store %arg10[%swap3A], %shift_right_logical3A_500 {strides = array<i32>} : memref<256xi32, #tpu.memory_space<vmem>>, vector<16xi32>,
      %and3A_504 = arith.constant 127 : i32
      %and3A_505 = vector.broadcast %and3A_504 : i32 to vector<16xi32>
      %and3A_506 = arith.andi %get3A_498, %and3A_505 : vector<16xi32>
      %add3A_507 = arith.constant 1 : i32
      %add3A_508 = vector.broadcast %add3A_507 : i32 to vector<16xi32>
      %add3A_509 = arith.addi %and3A_506, %add3A_508 : vector<16xi32>
      %mul3A_510 = arith.constant 16 : i32
      %mul3A_511 = arith.muli %scan3A_466, %mul3A_510 : i32
      %swap3A_512 = arith.index_cast %mul3A_511 : i32 to index
      %swap3A_513 = tpu.vector_load %arg11[%swap3A_512] {strides = array<i32>} : memref<256xi32, #tpu.memory_space<vmem>>, vector<16xi32>,
      tpu.vector_store %arg11[%swap3A_512], %add3A_509 {strides = array<i32>} : memref<256xi32, #tpu.memory_space<vmem>>, vector<16xi32>,
      %scan3A_514 = arith.constant 0 : i32
      scf.yield %scan3A_514 : i32
    }
    %scan3A_72 = arith.constant 16 : i32
    %mul3A_73 = arith.constant 4 : i32
    %mul3A_74 = arith.muli %select_n3A, %mul3A_73 : i32
    %mul3A_75 = arith.constant 16384 : i32
    %mul3A_76 = arith.muli %mul3A_74, %mul3A_75 : i32
    %scan3A_77 = arith.constant 0 : i32
    %scan3A_78 = arith.constant 0 : i32
    %scan3A_79 = arith.constant 16 : i32
    %scan3A_80 = arith.addi %scan3A_78, %scan3A_79 : i32
    %scan3A_81 = arith.constant 1 : i32
    %scan3A_82 = scf.for %scan3A_466 = %scan3A_78 to %scan3A_80 step %scan3A_81 iter_args(%scan3A_467 = %scan3A_77) -> (i32)  : i32 {
      %jit3A_468 = arith.constant 8 : i32
      %div3A_469 = arith.divsi %scan3A_466, %jit3A_468 : i32
      %sign3A_470 = arith.constant 0 : i32
      %sign3A_471 = arith.cmpi sgt, %scan3A_466, %sign3A_470 : i32
      %sign3A_472 = arith.extui %sign3A_471 : i1 to i32
      %sign3A_473 = arith.constant 0 : i32
      %sign3A_474 = arith.cmpi slt, %scan3A_466, %sign3A_473 : i32
      %sign3A_475 = arith.extui %sign3A_474 : i1 to i32
      %sign3A_476 = arith.subi %sign3A_472, %sign3A_475 : i32
      %sign3A_477 = arith.constant 0 : i32
      %sign3A_478 = arith.cmpi sgt, %jit3A_468, %sign3A_477 : i32
      %sign3A_479 = arith.extui %sign3A_478 : i1 to i32
      %sign3A_480 = arith.constant 0 : i32
      %sign3A_481 = arith.cmpi slt, %jit3A_468, %sign3A_480 : i32
      %sign3A_482 = arith.extui %sign3A_481 : i1 to i32
      %sign3A_483 = arith.subi %sign3A_479, %sign3A_482 : i32
      %ne3A_484 = arith.cmpi ne, %sign3A_476, %sign3A_483 : i32
      %rem3A_485 = arith.remsi %scan3A_466, %jit3A_468 : i32
      %ne3A_486 = arith.constant 0 : i32
      %ne3A_487 = arith.cmpi ne, %rem3A_485, %ne3A_486 : i32
      %and3A_488 = arith.andi %ne3A_484, %ne3A_487 : i1
      %sub3A_489 = arith.constant 1 : i32
      %sub3A_490 = arith.subi %div3A_469, %sub3A_489 : i32
      %select_n3A_491 = arith.select %and3A_488, %sub3A_490, %div3A_469 : i32
      %mul3A_492 = arith.constant 8 : i32
      %mul3A_493 = arith.muli %select_n3A_491, %mul3A_492 : i32
      %sub3A_494 = arith.subi %scan3A_466, %mul3A_493 : i32
      %mul3A_495 = arith.constant 16 : i32
      %mul3A_496 = arith.muli %sub3A_494, %mul3A_495 : i32
      %mul3A_497 = arith.constant 16 : i32
      %mul3A_498 = arith.muli %scan3A_466, %mul3A_497 : i32
      %get3A = arith.index_cast %mul3A_498 : i32 to index
      %get3A_499 = tpu.vector_load %arg10[%get3A] {strides = array<i32>} : memref<256xi32, #tpu.memory_space<vmem>>, vector<16xi32>,
      %add3A_500 = vector.broadcast %mul3A_76 : i32 to vector<16xi32>
      %add3A_501 = arith.addi %add3A_500, %get3A_499 : vector<16xi32>
      %add3A_502 = arith.constant 0 : i32
      %add3A_503 = arith.addi %add3A_502, %select_n3A_491 : i32
      %swap3A = arith.index_cast %add3A_503 : i32 to index
      %swap3A_504 = arith.index_cast %mul3A_496 : i32 to index
      %swap3A_505 = tpu.vector_load %arg12[%swap3A, %swap3A_504] {strides = array<i32>} : memref<16x128xi32, #tpu.memory_space<vmem>>, vector<16xi32>,
      tpu.vector_store %arg12[%swap3A, %swap3A_504], %add3A_501 {strides = array<i32>} : memref<16x128xi32, #tpu.memory_space<vmem>>, vector<16xi32>,
      %scan3A_506 = arith.constant 0 : i32
      scf.yield %scan3A_506 : i32
    }
    %scan3A_83 = arith.constant 16 : i32
    %scan3A_84 = arith.constant 0 : i32
    %scan3A_85 = arith.constant 0 : i32
    %scan3A_86 = arith.constant 16 : i32
    %scan3A_87 = arith.addi %scan3A_85, %scan3A_86 : i32
    %scan3A_88 = arith.constant 1 : i32
    %scan3A_89 = scf.for %scan3A_466 = %scan3A_85 to %scan3A_87 step %scan3A_88 iter_args(%scan3A_467 = %scan3A_84) -> (i32)  : i32 {
      %jit3A_468 = arith.constant 8 : i32
      %div3A_469 = arith.divsi %scan3A_466, %jit3A_468 : i32
      %sign3A_470 = arith.constant 0 : i32
      %sign3A_471 = arith.cmpi sgt, %scan3A_466, %sign3A_470 : i32
      %sign3A_472 = arith.extui %sign3A_471 : i1 to i32
      %sign3A_473 = arith.constant 0 : i32
      %sign3A_474 = arith.cmpi slt, %scan3A_466, %sign3A_473 : i32
      %sign3A_475 = arith.extui %sign3A_474 : i1 to i32
      %sign3A_476 = arith.subi %sign3A_472, %sign3A_475 : i32
      %sign3A_477 = arith.constant 0 : i32
      %sign3A_478 = arith.cmpi sgt, %jit3A_468, %sign3A_477 : i32
      %sign3A_479 = arith.extui %sign3A_478 : i1 to i32
      %sign3A_480 = arith.constant 0 : i32
      %sign3A_481 = arith.cmpi slt, %jit3A_468, %sign3A_480 : i32
      %sign3A_482 = arith.extui %sign3A_481 : i1 to i32
      %sign3A_483 = arith.subi %sign3A_479, %sign3A_482 : i32
      %ne3A_484 = arith.cmpi ne, %sign3A_476, %sign3A_483 : i32
      %rem3A_485 = arith.remsi %scan3A_466, %jit3A_468 : i32
      %ne3A_486 = arith.constant 0 : i32
      %ne3A_487 = arith.cmpi ne, %rem3A_485, %ne3A_486 : i32
      %and3A_488 = arith.andi %ne3A_484, %ne3A_487 : i1
      %sub3A_489 = arith.constant 1 : i32
      %sub3A_490 = arith.subi %div3A_469, %sub3A_489 : i32
      %select_n3A_491 = arith.select %and3A_488, %sub3A_490, %div3A_469 : i32
      %mul3A_492 = arith.constant 8 : i32
      %mul3A_493 = arith.muli %select_n3A_491, %mul3A_492 : i32
      %sub3A_494 = arith.subi %scan3A_466, %mul3A_493 : i32
      %mul3A_495 = arith.constant 16 : i32
      %mul3A_496 = arith.muli %sub3A_494, %mul3A_495 : i32
      %mul3A_497 = arith.constant 16 : i32
      %mul3A_498 = arith.muli %scan3A_466, %mul3A_497 : i32
      %get3A = arith.index_cast %mul3A_498 : i32 to index
      %get3A_499 = tpu.vector_load %arg10[%get3A] {strides = array<i32>} : memref<256xi32, #tpu.memory_space<vmem>>, vector<16xi32>,
      %add3A_500 = arith.constant 16384 : i32
      %add3A_501 = arith.addi %mul3A_76, %add3A_500 : i32
      %add3A_502 = vector.broadcast %add3A_501 : i32 to vector<16xi32>
      %add3A_503 = arith.addi %add3A_502, %get3A_499 : vector<16xi32>
      %add3A_504 = arith.constant 2 : i32
      %add3A_505 = arith.addi %add3A_504, %select_n3A_491 : i32
      %swap3A = arith.index_cast %add3A_505 : i32 to index
      %swap3A_506 = arith.index_cast %mul3A_496 : i32 to index
      %swap3A_507 = tpu.vector_load %arg12[%swap3A, %swap3A_506] {strides = array<i32>} : memref<16x128xi32, #tpu.memory_space<vmem>>, vector<16xi32>,
      tpu.vector_store %arg12[%swap3A, %swap3A_506], %add3A_503 {strides = array<i32>} : memref<16x128xi32, #tpu.memory_space<vmem>>, vector<16xi32>,
      %scan3A_508 = arith.constant 0 : i32
      scf.yield %scan3A_508 : i32
    }
    %scan3A_90 = arith.constant 16 : i32
    %scan3A_91 = arith.constant 0 : i32
    %scan3A_92 = arith.constant 0 : i32
    %scan3A_93 = arith.constant 16 : i32
    %scan3A_94 = arith.addi %scan3A_92, %scan3A_93 : i32
    %scan3A_95 = arith.constant 1 : i32
    %scan3A_96 = scf.for %scan3A_466 = %scan3A_92 to %scan3A_94 step %scan3A_95 iter_args(%scan3A_467 = %scan3A_91) -> (i32)  : i32 {
      %jit3A_468 = arith.constant 8 : i32
      %div3A_469 = arith.divsi %scan3A_466, %jit3A_468 : i32
      %sign3A_470 = arith.constant 0 : i32
      %sign3A_471 = arith.cmpi sgt, %scan3A_466, %sign3A_470 : i32
      %sign3A_472 = arith.extui %sign3A_471 : i1 to i32
      %sign3A_473 = arith.constant 0 : i32
      %sign3A_474 = arith.cmpi slt, %scan3A_466, %sign3A_473 : i32
      %sign3A_475 = arith.extui %sign3A_474 : i1 to i32
      %sign3A_476 = arith.subi %sign3A_472, %sign3A_475 : i32
      %sign3A_477 = arith.constant 0 : i32
      %sign3A_478 = arith.cmpi sgt, %jit3A_468, %sign3A_477 : i32
      %sign3A_479 = arith.extui %sign3A_478 : i1 to i32
      %sign3A_480 = arith.constant 0 : i32
      %sign3A_481 = arith.cmpi slt, %jit3A_468, %sign3A_480 : i32
      %sign3A_482 = arith.extui %sign3A_481 : i1 to i32
      %sign3A_483 = arith.subi %sign3A_479, %sign3A_482 : i32
      %ne3A_484 = arith.cmpi ne, %sign3A_476, %sign3A_483 : i32
      %rem3A_485 = arith.remsi %scan3A_466, %jit3A_468 : i32
      %ne3A_486 = arith.constant 0 : i32
      %ne3A_487 = arith.cmpi ne, %rem3A_485, %ne3A_486 : i32
      %and3A_488 = arith.andi %ne3A_484, %ne3A_487 : i1
      %sub3A_489 = arith.constant 1 : i32
      %sub3A_490 = arith.subi %div3A_469, %sub3A_489 : i32
      %select_n3A_491 = arith.select %and3A_488, %sub3A_490, %div3A_469 : i32
      %mul3A_492 = arith.constant 8 : i32
      %mul3A_493 = arith.muli %select_n3A_491, %mul3A_492 : i32
      %sub3A_494 = arith.subi %scan3A_466, %mul3A_493 : i32
      %mul3A_495 = arith.constant 16 : i32
      %mul3A_496 = arith.muli %sub3A_494, %mul3A_495 : i32
      %mul3A_497 = arith.constant 16 : i32
      %mul3A_498 = arith.muli %scan3A_466, %mul3A_497 : i32
      %get3A = arith.index_cast %mul3A_498 : i32 to index
      %get3A_499 = tpu.vector_load %arg10[%get3A] {strides = array<i32>} : memref<256xi32, #tpu.memory_space<vmem>>, vector<16xi32>,
      %add3A_500 = arith.constant 32768 : i32
      %add3A_501 = arith.addi %mul3A_76, %add3A_500 : i32
      %add3A_502 = vector.broadcast %add3A_501 : i32 to vector<16xi32>
      %add3A_503 = arith.addi %add3A_502, %get3A_499 : vector<16xi32>
      %add3A_504 = arith.constant 4 : i32
      %add3A_505 = arith.addi %add3A_504, %select_n3A_491 : i32
      %swap3A = arith.index_cast %add3A_505 : i32 to index
      %swap3A_506 = arith.index_cast %mul3A_496 : i32 to index
      %swap3A_507 = tpu.vector_load %arg12[%swap3A, %swap3A_506] {strides = array<i32>} : memref<16x128xi32, #tpu.memory_space<vmem>>, vector<16xi32>,
      tpu.vector_store %arg12[%swap3A, %swap3A_506], %add3A_503 {strides = array<i32>} : memref<16x128xi32, #tpu.memory_space<vmem>>, vector<16xi32>,
      %scan3A_508 = arith.constant 0 : i32
      scf.yield %scan3A_508 : i32
    }
    %scan3A_97 = arith.constant 16 : i32
    %scan3A_98 = arith.constant 0 : i32
    %scan3A_99 = arith.constant 0 : i32
    %scan3A_100 = arith.constant 16 : i32
    %scan3A_101 = arith.addi %scan3A_99, %scan3A_100 : i32
    %scan3A_102 = arith.constant 1 : i32
    %scan3A_103 = scf.for %scan3A_466 = %scan3A_99 to %scan3A_101 step %scan3A_102 iter_args(%scan3A_467 = %scan3A_98) -> (i32)  : i32 {
      %jit3A_468 = arith.constant 8 : i32
      %div3A_469 = arith.divsi %scan3A_466, %jit3A_468 : i32
      %sign3A_470 = arith.constant 0 : i32
      %sign3A_471 = arith.cmpi sgt, %scan3A_466, %sign3A_470 : i32
      %sign3A_472 = arith.extui %sign3A_471 : i1 to i32
      %sign3A_473 = arith.constant 0 : i32
      %sign3A_474 = arith.cmpi slt, %scan3A_466, %sign3A_473 : i32
      %sign3A_475 = arith.extui %sign3A_474 : i1 to i32
      %sign3A_476 = arith.subi %sign3A_472, %sign3A_475 : i32
      %sign3A_477 = arith.constant 0 : i32
      %sign3A_478 = arith.cmpi sgt, %jit3A_468, %sign3A_477 : i32
      %sign3A_479 = arith.extui %sign3A_478 : i1 to i32
      %sign3A_480 = arith.constant 0 : i32
      %sign3A_481 = arith.cmpi slt, %jit3A_468, %sign3A_480 : i32
      %sign3A_482 = arith.extui %sign3A_481 : i1 to i32
      %sign3A_483 = arith.subi %sign3A_479, %sign3A_482 : i32
      %ne3A_484 = arith.cmpi ne, %sign3A_476, %sign3A_483 : i32
      %rem3A_485 = arith.remsi %scan3A_466, %jit3A_468 : i32
      %ne3A_486 = arith.constant 0 : i32
      %ne3A_487 = arith.cmpi ne, %rem3A_485, %ne3A_486 : i32
      %and3A_488 = arith.andi %ne3A_484, %ne3A_487 : i1
      %sub3A_489 = arith.constant 1 : i32
      %sub3A_490 = arith.subi %div3A_469, %sub3A_489 : i32
      %select_n3A_491 = arith.select %and3A_488, %sub3A_490, %div3A_469 : i32
      %mul3A_492 = arith.constant 8 : i32
      %mul3A_493 = arith.muli %select_n3A_491, %mul3A_492 : i32
      %sub3A_494 = arith.subi %scan3A_466, %mul3A_493 : i32
      %mul3A_495 = arith.constant 16 : i32
      %mul3A_496 = arith.muli %sub3A_494, %mul3A_495 : i32
      %mul3A_497 = arith.constant 16 : i32
      %mul3A_498 = arith.muli %scan3A_466, %mul3A_497 : i32
      %get3A = arith.index_cast %mul3A_498 : i32 to index
      %get3A_499 = tpu.vector_load %arg10[%get3A] {strides = array<i32>} : memref<256xi32, #tpu.memory_space<vmem>>, vector<16xi32>,
      %add3A_500 = arith.constant 49152 : i32
      %add3A_501 = arith.addi %mul3A_76, %add3A_500 : i32
      %add3A_502 = vector.broadcast %add3A_501 : i32 to vector<16xi32>
      %add3A_503 = arith.addi %add3A_502, %get3A_499 : vector<16xi32>
      %add3A_504 = arith.constant 6 : i32
      %add3A_505 = arith.addi %add3A_504, %select_n3A_491 : i32
      %swap3A = arith.index_cast %add3A_505 : i32 to index
      %swap3A_506 = arith.index_cast %mul3A_496 : i32 to index
      %swap3A_507 = tpu.vector_load %arg12[%swap3A, %swap3A_506] {strides = array<i32>} : memref<16x128xi32, #tpu.memory_space<vmem>>, vector<16xi32>,
      tpu.vector_store %arg12[%swap3A, %swap3A_506], %add3A_503 {strides = array<i32>} : memref<16x128xi32, #tpu.memory_space<vmem>>, vector<16xi32>,
      %scan3A_508 = arith.constant 0 : i32
      scf.yield %scan3A_508 : i32
    }
    %scan3A_104 = arith.constant 16 : i32
    %scan3A_105 = arith.constant 0 : i32
    %scan3A_106 = arith.constant 0 : i32
    %scan3A_107 = arith.constant 16 : i32
    %scan3A_108 = arith.addi %scan3A_106, %scan3A_107 : i32
    %scan3A_109 = arith.constant 1 : i32
    %scan3A_110 = scf.for %scan3A_466 = %scan3A_106 to %scan3A_108 step %scan3A_109 iter_args(%scan3A_467 = %scan3A_105) -> (i32)  : i32 {
      %jit3A_468 = arith.constant 8 : i32
      %div3A_469 = arith.divsi %scan3A_466, %jit3A_468 : i32
      %sign3A_470 = arith.constant 0 : i32
      %sign3A_471 = arith.cmpi sgt, %scan3A_466, %sign3A_470 : i32
      %sign3A_472 = arith.extui %sign3A_471 : i1 to i32
      %sign3A_473 = arith.constant 0 : i32
      %sign3A_474 = arith.cmpi slt, %scan3A_466, %sign3A_473 : i32
      %sign3A_475 = arith.extui %sign3A_474 : i1 to i32
      %sign3A_476 = arith.subi %sign3A_472, %sign3A_475 : i32
      %sign3A_477 = arith.constant 0 : i32
      %sign3A_478 = arith.cmpi sgt, %jit3A_468, %sign3A_477 : i32
      %sign3A_479 = arith.extui %sign3A_478 : i1 to i32
      %sign3A_480 = arith.constant 0 : i32
      %sign3A_481 = arith.cmpi slt, %jit3A_468, %sign3A_480 : i32
      %sign3A_482 = arith.extui %sign3A_481 : i1 to i32
      %sign3A_483 = arith.subi %sign3A_479, %sign3A_482 : i32
      %ne3A_484 = arith.cmpi ne, %sign3A_476, %sign3A_483 : i32
      %rem3A_485 = arith.remsi %scan3A_466, %jit3A_468 : i32
      %ne3A_486 = arith.constant 0 : i32
      %ne3A_487 = arith.cmpi ne, %rem3A_485, %ne3A_486 : i32
      %and3A_488 = arith.andi %ne3A_484, %ne3A_487 : i1
      %sub3A_489 = arith.constant 1 : i32
      %sub3A_490 = arith.subi %div3A_469, %sub3A_489 : i32
      %select_n3A_491 = arith.select %and3A_488, %sub3A_490, %div3A_469 : i32
      %mul3A_492 = arith.constant 8 : i32
      %mul3A_493 = arith.muli %select_n3A_491, %mul3A_492 : i32
      %sub3A_494 = arith.subi %scan3A_466, %mul3A_493 : i32
      %mul3A_495 = arith.constant 16 : i32
      %mul3A_496 = arith.muli %sub3A_494, %mul3A_495 : i32
      %mul3A_497 = arith.constant 16 : i32
      %mul3A_498 = arith.muli %scan3A_466, %mul3A_497 : i32
      %get3A = arith.index_cast %mul3A_498 : i32 to index
      %get3A_499 = tpu.vector_load %arg10[%get3A] {strides = array<i32>} : memref<256xi32, #tpu.memory_space<vmem>>, vector<16xi32>,
      %mul3A_500 = arith.constant 2 : i32
      %mul3A_501 = vector.broadcast %mul3A_500 : i32 to vector<16xi32>
      %mul3A_502 = arith.muli %get3A_499, %mul3A_501 : vector<16xi32>
      %add3A_503 = arith.constant 524288 : i32
      %add3A_504 = vector.broadcast %add3A_503 : i32 to vector<16xi32>
      %add3A_505 = arith.addi %add3A_504, %mul3A_502 : vector<16xi32>
      %add3A_506 = arith.constant 8 : i32
      %add3A_507 = arith.addi %add3A_506, %select_n3A_491 : i32
      %swap3A = arith.index_cast %add3A_507 : i32 to index
      %swap3A_508 = arith.index_cast %mul3A_496 : i32 to index
      %swap3A_509 = tpu.vector_load %arg12[%swap3A, %swap3A_508] {strides = array<i32>} : memref<16x128xi32, #tpu.memory_space<vmem>>, vector<16xi32>,
      tpu.vector_store %arg12[%swap3A, %swap3A_508], %add3A_505 {strides = array<i32>} : memref<16x128xi32, #tpu.memory_space<vmem>>, vector<16xi32>,
      %scan3A_510 = arith.constant 0 : i32
      scf.yield %scan3A_510 : i32
    }
    %scan3A_111 = arith.constant 16 : i32
    %scan3A_112 = arith.constant 0 : i32
    %scan3A_113 = arith.constant 0 : i32
    %scan3A_114 = arith.constant 16 : i32
    %scan3A_115 = arith.addi %scan3A_113, %scan3A_114 : i32
    %scan3A_116 = arith.constant 1 : i32
    %scan3A_117 = scf.for %scan3A_466 = %scan3A_113 to %scan3A_115 step %scan3A_116 iter_args(%scan3A_467 = %scan3A_112) -> (i32)  : i32 {
      %jit3A_468 = arith.constant 8 : i32
      %div3A_469 = arith.divsi %scan3A_466, %jit3A_468 : i32
      %sign3A_470 = arith.constant 0 : i32
      %sign3A_471 = arith.cmpi sgt, %scan3A_466, %sign3A_470 : i32
      %sign3A_472 = arith.extui %sign3A_471 : i1 to i32
      %sign3A_473 = arith.constant 0 : i32
      %sign3A_474 = arith.cmpi slt, %scan3A_466, %sign3A_473 : i32
      %sign3A_475 = arith.extui %sign3A_474 : i1 to i32
      %sign3A_476 = arith.subi %sign3A_472, %sign3A_475 : i32
      %sign3A_477 = arith.constant 0 : i32
      %sign3A_478 = arith.cmpi sgt, %jit3A_468, %sign3A_477 : i32
      %sign3A_479 = arith.extui %sign3A_478 : i1 to i32
      %sign3A_480 = arith.constant 0 : i32
      %sign3A_481 = arith.cmpi slt, %jit3A_468, %sign3A_480 : i32
      %sign3A_482 = arith.extui %sign3A_481 : i1 to i32
      %sign3A_483 = arith.subi %sign3A_479, %sign3A_482 : i32
      %ne3A_484 = arith.cmpi ne, %sign3A_476, %sign3A_483 : i32
      %rem3A_485 = arith.remsi %scan3A_466, %jit3A_468 : i32
      %ne3A_486 = arith.constant 0 : i32
      %ne3A_487 = arith.cmpi ne, %rem3A_485, %ne3A_486 : i32
      %and3A_488 = arith.andi %ne3A_484, %ne3A_487 : i1
      %sub3A_489 = arith.constant 1 : i32
      %sub3A_490 = arith.subi %div3A_469, %sub3A_489 : i32
      %select_n3A_491 = arith.select %and3A_488, %sub3A_490, %div3A_469 : i32
      %mul3A_492 = arith.constant 8 : i32
      %mul3A_493 = arith.muli %select_n3A_491, %mul3A_492 : i32
      %sub3A_494 = arith.subi %scan3A_466, %mul3A_493 : i32
      %mul3A_495 = arith.constant 16 : i32
      %mul3A_496 = arith.muli %sub3A_494, %mul3A_495 : i32
      %mul3A_497 = arith.constant 16 : i32
      %mul3A_498 = arith.muli %scan3A_466, %mul3A_497 : i32
      %get3A = arith.index_cast %mul3A_498 : i32 to index
      %get3A_499 = tpu.vector_load %arg10[%get3A] {strides = array<i32>} : memref<256xi32, #tpu.memory_space<vmem>>, vector<16xi32>,
      %mul3A_500 = arith.constant 2 : i32
      %mul3A_501 = vector.broadcast %mul3A_500 : i32 to vector<16xi32>
      %mul3A_502 = arith.muli %get3A_499, %mul3A_501 : vector<16xi32>
      %add3A_503 = arith.constant 524288 : i32
      %add3A_504 = vector.broadcast %add3A_503 : i32 to vector<16xi32>
      %add3A_505 = arith.addi %add3A_504, %mul3A_502 : vector<16xi32>
      %add3A_506 = arith.constant 1 : i32
      %add3A_507 = vector.broadcast %add3A_506 : i32 to vector<16xi32>
      %add3A_508 = arith.addi %add3A_505, %add3A_507 : vector<16xi32>
      %add3A_509 = arith.constant 10 : i32
      %add3A_510 = arith.addi %add3A_509, %select_n3A_491 : i32
      %swap3A = arith.index_cast %add3A_510 : i32 to index
      %swap3A_511 = arith.index_cast %mul3A_496 : i32 to index
      %swap3A_512 = tpu.vector_load %arg12[%swap3A, %swap3A_511] {strides = array<i32>} : memref<16x128xi32, #tpu.memory_space<vmem>>, vector<16xi32>,
      tpu.vector_store %arg12[%swap3A, %swap3A_511], %add3A_508 {strides = array<i32>} : memref<16x128xi32, #tpu.memory_space<vmem>>, vector<16xi32>,
      %scan3A_513 = arith.constant 0 : i32
      scf.yield %scan3A_513 : i32
    }
    %scan3A_118 = arith.constant 16 : i32
    %scan3A_119 = arith.constant 0 : i32
    %scan3A_120 = arith.constant 0 : i32
    %scan3A_121 = arith.constant 16 : i32
    %scan3A_122 = arith.addi %scan3A_120, %scan3A_121 : i32
    %scan3A_123 = arith.constant 1 : i32
    %scan3A_124 = scf.for %scan3A_466 = %scan3A_120 to %scan3A_122 step %scan3A_123 iter_args(%scan3A_467 = %scan3A_119) -> (i32)  : i32 {
      %jit3A_468 = arith.constant 8 : i32
      %div3A_469 = arith.divsi %scan3A_466, %jit3A_468 : i32
      %sign3A_470 = arith.constant 0 : i32
      %sign3A_471 = arith.cmpi sgt, %scan3A_466, %sign3A_470 : i32
      %sign3A_472 = arith.extui %sign3A_471 : i1 to i32
      %sign3A_473 = arith.constant 0 : i32
      %sign3A_474 = arith.cmpi slt, %scan3A_466, %sign3A_473 : i32
      %sign3A_475 = arith.extui %sign3A_474 : i1 to i32
      %sign3A_476 = arith.subi %sign3A_472, %sign3A_475 : i32
      %sign3A_477 = arith.constant 0 : i32
      %sign3A_478 = arith.cmpi sgt, %jit3A_468, %sign3A_477 : i32
      %sign3A_479 = arith.extui %sign3A_478 : i1 to i32
      %sign3A_480 = arith.constant 0 : i32
      %sign3A_481 = arith.cmpi slt, %jit3A_468, %sign3A_480 : i32
      %sign3A_482 = arith.extui %sign3A_481 : i1 to i32
      %sign3A_483 = arith.subi %sign3A_479, %sign3A_482 : i32
      %ne3A_484 = arith.cmpi ne, %sign3A_476, %sign3A_483 : i32
      %rem3A_485 = arith.remsi %scan3A_466, %jit3A_468 : i32
      %ne3A_486 = arith.constant 0 : i32
      %ne3A_487 = arith.cmpi ne, %rem3A_485, %ne3A_486 : i32
      %and3A_488 = arith.andi %ne3A_484, %ne3A_487 : i1
      %sub3A_489 = arith.constant 1 : i32
      %sub3A_490 = arith.subi %div3A_469, %sub3A_489 : i32
      %select_n3A_491 = arith.select %and3A_488, %sub3A_490, %div3A_469 : i32
      %mul3A_492 = arith.constant 8 : i32
      %mul3A_493 = arith.muli %select_n3A_491, %mul3A_492 : i32
      %sub3A_494 = arith.subi %scan3A_466, %mul3A_493 : i32
      %mul3A_495 = arith.constant 16 : i32
      %mul3A_496 = arith.muli %sub3A_494, %mul3A_495 : i32
      %mul3A_497 = arith.constant 16 : i32
      %mul3A_498 = arith.muli %scan3A_466, %mul3A_497 : i32
      %get3A = arith.index_cast %mul3A_498 : i32 to index
      %get3A_499 = tpu.vector_load %arg10[%get3A] {strides = array<i32>} : memref<256xi32, #tpu.memory_space<vmem>>, vector<16xi32>,
      %mul3A_500 = arith.constant 16384 : i32
      %mul3A_501 = arith.muli %select_n3A, %mul3A_500 : i32
      %add3A_502 = vector.broadcast %mul3A_501 : i32 to vector<16xi32>
      %add3A_503 = arith.addi %add3A_502, %get3A_499 : vector<16xi32>
      %mul3A_504 = arith.constant 2 : i32
      %mul3A_505 = vector.broadcast %mul3A_504 : i32 to vector<16xi32>
      %mul3A_506 = arith.muli %add3A_503, %mul3A_505 : vector<16xi32>
      %add3A_507 = arith.constant 557056 : i32
      %add3A_508 = vector.broadcast %add3A_507 : i32 to vector<16xi32>
      %add3A_509 = arith.addi %add3A_508, %mul3A_506 : vector<16xi32>
      %add3A_510 = arith.constant 12 : i32
      %add3A_511 = arith.addi %add3A_510, %select_n3A_491 : i32
      %swap3A = arith.index_cast %add3A_511 : i32 to index
      %swap3A_512 = arith.index_cast %mul3A_496 : i32 to index
      %swap3A_513 = tpu.vector_load %arg12[%swap3A, %swap3A_512] {strides = array<i32>} : memref<16x128xi32, #tpu.memory_space<vmem>>, vector<16xi32>,
      tpu.vector_store %arg12[%swap3A, %swap3A_512], %add3A_509 {strides = array<i32>} : memref<16x128xi32, #tpu.memory_space<vmem>>, vector<16xi32>,
      %scan3A_514 = arith.constant 0 : i32
      scf.yield %scan3A_514 : i32
    }
    %scan3A_125 = arith.constant 16 : i32
    %scan3A_126 = arith.constant 0 : i32
    %scan3A_127 = arith.constant 0 : i32
    %scan3A_128 = arith.constant 16 : i32
    %scan3A_129 = arith.addi %scan3A_127, %scan3A_128 : i32
    %scan3A_130 = arith.constant 1 : i32
    %scan3A_131 = scf.for %scan3A_466 = %scan3A_127 to %scan3A_129 step %scan3A_130 iter_args(%scan3A_467 = %scan3A_126) -> (i32)  : i32 {
      %jit3A_468 = arith.constant 8 : i32
      %div3A_469 = arith.divsi %scan3A_466, %jit3A_468 : i32
      %sign3A_470 = arith.constant 0 : i32
      %sign3A_471 = arith.cmpi sgt, %scan3A_466, %sign3A_470 : i32
      %sign3A_472 = arith.extui %sign3A_471 : i1 to i32
      %sign3A_473 = arith.constant 0 : i32
      %sign3A_474 = arith.cmpi slt, %scan3A_466, %sign3A_473 : i32
      %sign3A_475 = arith.extui %sign3A_474 : i1 to i32
      %sign3A_476 = arith.subi %sign3A_472, %sign3A_475 : i32
      %sign3A_477 = arith.constant 0 : i32
      %sign3A_478 = arith.cmpi sgt, %jit3A_468, %sign3A_477 : i32
      %sign3A_479 = arith.extui %sign3A_478 : i1 to i32
      %sign3A_480 = arith.constant 0 : i32
      %sign3A_481 = arith.cmpi slt, %jit3A_468, %sign3A_480 : i32
      %sign3A_482 = arith.extui %sign3A_481 : i1 to i32
      %sign3A_483 = arith.subi %sign3A_479, %sign3A_482 : i32
      %ne3A_484 = arith.cmpi ne, %sign3A_476, %sign3A_483 : i32
      %rem3A_485 = arith.remsi %scan3A_466, %jit3A_468 : i32
      %ne3A_486 = arith.constant 0 : i32
      %ne3A_487 = arith.cmpi ne, %rem3A_485, %ne3A_486 : i32
      %and3A_488 = arith.andi %ne3A_484, %ne3A_487 : i1
      %sub3A_489 = arith.constant 1 : i32
      %sub3A_490 = arith.subi %div3A_469, %sub3A_489 : i32
      %select_n3A_491 = arith.select %and3A_488, %sub3A_490, %div3A_469 : i32
      %mul3A_492 = arith.constant 8 : i32
      %mul3A_493 = arith.muli %select_n3A_491, %mul3A_492 : i32
      %sub3A_494 = arith.subi %scan3A_466, %mul3A_493 : i32
      %mul3A_495 = arith.constant 16 : i32
      %mul3A_496 = arith.muli %sub3A_494, %mul3A_495 : i32
      %mul3A_497 = arith.constant 16 : i32
      %mul3A_498 = arith.muli %scan3A_466, %mul3A_497 : i32
      %get3A = arith.index_cast %mul3A_498 : i32 to index
      %get3A_499 = tpu.vector_load %arg10[%get3A] {strides = array<i32>} : memref<256xi32, #tpu.memory_space<vmem>>, vector<16xi32>,
      %mul3A_500 = arith.constant 16384 : i32
      %mul3A_501 = arith.muli %select_n3A, %mul3A_500 : i32
      %add3A_502 = vector.broadcast %mul3A_501 : i32 to vector<16xi32>
      %add3A_503 = arith.addi %add3A_502, %get3A_499 : vector<16xi32>
      %mul3A_504 = arith.constant 2 : i32
      %mul3A_505 = vector.broadcast %mul3A_504 : i32 to vector<16xi32>
      %mul3A_506 = arith.muli %add3A_503, %mul3A_505 : vector<16xi32>
      %add3A_507 = arith.constant 557056 : i32
      %add3A_508 = vector.broadcast %add3A_507 : i32 to vector<16xi32>
      %add3A_509 = arith.addi %add3A_508, %mul3A_506 : vector<16xi32>
      %add3A_510 = arith.constant 1 : i32
      %add3A_511 = vector.broadcast %add3A_510 : i32 to vector<16xi32>
      %add3A_512 = arith.addi %add3A_509, %add3A_511 : vector<16xi32>
      %add3A_513 = arith.constant 14 : i32
      %add3A_514 = arith.addi %add3A_513, %select_n3A_491 : i32
      %swap3A = arith.index_cast %add3A_514 : i32 to index
      %swap3A_515 = arith.index_cast %mul3A_496 : i32 to index
      %swap3A_516 = tpu.vector_load %arg12[%swap3A, %swap3A_515] {strides = array<i32>} : memref<16x128xi32, #tpu.memory_space<vmem>>, vector<16xi32>,
      tpu.vector_store %arg12[%swap3A, %swap3A_515], %add3A_512 {strides = array<i32>} : memref<16x128xi32, #tpu.memory_space<vmem>>, vector<16xi32>,
      %scan3A_517 = arith.constant 0 : i32
      scf.yield %scan3A_517 : i32
    }
    %scan3A_132 = arith.constant 16 : i32
    %dma_start3A_133 = arith.constant 0 : i32
    %dma_start3A_134 = arith.constant 0 : i32
    %dma_start3A_135 = arith.constant 0 : i32
    %dma_start3A_136 = tpu.memref_slice %arg13[%dma_start3A_134, %dma_start3A_135] : memref<16x128xf32, #tpu.memory_space<vmem>> -> memref<1x128xf32, #tpu.memory_space<vmem>>
    %dma_start3A_137 = tpu.memref_squeeze %dma_start3A_136 : memref<1x128xf32, #tpu.memory_space<vmem>> -> memref<128xf32, #tpu.memory_space<vmem>>
    %dma_start3A_138 = arith.constant 0 : i32
    %dma_start3A_139 = tpu.memref_slice %arg12[%dma_start3A_133, %dma_start3A_138] : memref<16x128xi32, #tpu.memory_space<vmem>> -> memref<1x128xi32, #tpu.memory_space<vmem>>
    %dma_start3A_140 = tpu.memref_squeeze %dma_start3A_139 : memref<1x128xi32, #tpu.memory_space<vmem>> -> memref<128xi32, #tpu.memory_space<vmem>>
    %dma_start3A_141 = arith.constant 0 : i32
    %dma_start3A_142 = tpu.memref_slice %arg4[%dma_start3A_141] : memref<819200xf32, #tpu.memory_space<hbm>> -> memref<819200xf32, #tpu.memory_space<hbm>>
    tpu.enqueue_indirect_dma source(%dma_start3A_142 : memref<819200xf32, #tpu.memory_space<hbm>>) target(%dma_start3A_137 : memref<128xf32, #tpu.memory_space<vmem>>) offsets(%dma_start3A_140 : memref<128xi32, #tpu.memory_space<vmem>>) semaphore(%arg15 : memref<!tpu.dma_semaphore, #tpu.memory_space<semaphore_mem>>)
    %dma_start3A_143 = arith.constant 1 : i32
    %dma_start3A_144 = arith.constant 1 : i32
    %dma_start3A_145 = arith.constant 0 : i32
    %dma_start3A_146 = tpu.memref_slice %arg13[%dma_start3A_144, %dma_start3A_145] : memref<16x128xf32, #tpu.memory_space<vmem>> -> memref<1x128xf32, #tpu.memory_space<vmem>>
    %dma_start3A_147 = tpu.memref_squeeze %dma_start3A_146 : memref<1x128xf32, #tpu.memory_space<vmem>> -> memref<128xf32, #tpu.memory_space<vmem>>
    %dma_start3A_148 = arith.constant 0 : i32
    %dma_start3A_149 = tpu.memref_slice %arg12[%dma_start3A_143, %dma_start3A_148] : memref<16x128xi32, #tpu.memory_space<vmem>> -> memref<1x128xi32, #tpu.memory_space<vmem>>
    %dma_start3A_150 = tpu.memref_squeeze %dma_start3A_149 : memref<1x128xi32, #tpu.memory_space<vmem>> -> memref<128xi32, #tpu.memory_space<vmem>>
    %dma_start3A_151 = arith.constant 0 : i32
    %dma_start3A_152 = tpu.memref_slice %arg4[%dma_start3A_151] : memref<819200xf32, #tpu.memory_space<hbm>> -> memref<819200xf32, #tpu.memory_space<hbm>>
    tpu.enqueue_indirect_dma source(%dma_start3A_152 : memref<819200xf32, #tpu.memory_space<hbm>>) target(%dma_start3A_147 : memref<128xf32, #tpu.memory_space<vmem>>) offsets(%dma_start3A_150 : memref<128xi32, #tpu.memory_space<vmem>>) semaphore(%arg15 : memref<!tpu.dma_semaphore, #tpu.memory_space<semaphore_mem>>)
    %dma_start3A_153 = arith.constant 2 : i32
    %dma_start3A_154 = arith.constant 2 : i32
    %dma_start3A_155 = arith.constant 0 : i32
    %dma_start3A_156 = tpu.memref_slice %arg13[%dma_start3A_154, %dma_start3A_155] : memref<16x128xf32, #tpu.memory_space<vmem>> -> memref<1x128xf32, #tpu.memory_space<vmem>>
    %dma_start3A_157 = tpu.memref_squeeze %dma_start3A_156 : memref<1x128xf32, #tpu.memory_space<vmem>> -> memref<128xf32, #tpu.memory_space<vmem>>
    %dma_start3A_158 = arith.constant 0 : i32
    %dma_start3A_159 = tpu.memref_slice %arg12[%dma_start3A_153, %dma_start3A_158] : memref<16x128xi32, #tpu.memory_space<vmem>> -> memref<1x128xi32, #tpu.memory_space<vmem>>
    %dma_start3A_160 = tpu.memref_squeeze %dma_start3A_159 : memref<1x128xi32, #tpu.memory_space<vmem>> -> memref<128xi32, #tpu.memory_space<vmem>>
    %dma_start3A_161 = arith.constant 0 : i32
    %dma_start3A_162 = tpu.memref_slice %arg4[%dma_start3A_161] : memref<819200xf32, #tpu.memory_space<hbm>> -> memref<819200xf32, #tpu.memory_space<hbm>>
    tpu.enqueue_indirect_dma source(%dma_start3A_162 : memref<819200xf32, #tpu.memory_space<hbm>>) target(%dma_start3A_157 : memref<128xf32, #tpu.memory_space<vmem>>) offsets(%dma_start3A_160 : memref<128xi32, #tpu.memory_space<vmem>>) semaphore(%arg15 : memref<!tpu.dma_semaphore, #tpu.memory_space<semaphore_mem>>)
    %dma_start3A_163 = arith.constant 3 : i32
    %dma_start3A_164 = arith.constant 3 : i32
    %dma_start3A_165 = arith.constant 0 : i32
    %dma_start3A_166 = tpu.memref_slice %arg13[%dma_start3A_164, %dma_start3A_165] : memref<16x128xf32, #tpu.memory_space<vmem>> -> memref<1x128xf32, #tpu.memory_space<vmem>>
    %dma_start3A_167 = tpu.memref_squeeze %dma_start3A_166 : memref<1x128xf32, #tpu.memory_space<vmem>> -> memref<128xf32, #tpu.memory_space<vmem>>
    %dma_start3A_168 = arith.constant 0 : i32
    %dma_start3A_169 = tpu.memref_slice %arg12[%dma_start3A_163, %dma_start3A_168] : memref<16x128xi32, #tpu.memory_space<vmem>> -> memref<1x128xi32, #tpu.memory_space<vmem>>
    %dma_start3A_170 = tpu.memref_squeeze %dma_start3A_169 : memref<1x128xi32, #tpu.memory_space<vmem>> -> memref<128xi32, #tpu.memory_space<vmem>>
    %dma_start3A_171 = arith.constant 0 : i32
    %dma_start3A_172 = tpu.memref_slice %arg4[%dma_start3A_171] : memref<819200xf32, #tpu.memory_space<hbm>> -> memref<819200xf32, #tpu.memory_space<hbm>>
    tpu.enqueue_indirect_dma source(%dma_start3A_172 : memref<819200xf32, #tpu.memory_space<hbm>>) target(%dma_start3A_167 : memref<128xf32, #tpu.memory_space<vmem>>) offsets(%dma_start3A_170 : memref<128xi32, #tpu.memory_space<vmem>>) semaphore(%arg15 : memref<!tpu.dma_semaphore, #tpu.memory_space<semaphore_mem>>)
    %dma_start3A_173 = arith.constant 4 : i32
    %dma_start3A_174 = arith.constant 4 : i32
    %dma_start3A_175 = arith.constant 0 : i32
    %dma_start3A_176 = tpu.memref_slice %arg13[%dma_start3A_174, %dma_start3A_175] : memref<16x128xf32, #tpu.memory_space<vmem>> -> memref<1x128xf32, #tpu.memory_space<vmem>>
    %dma_start3A_177 = tpu.memref_squeeze %dma_start3A_176 : memref<1x128xf32, #tpu.memory_space<vmem>> -> memref<128xf32, #tpu.memory_space<vmem>>
    %dma_start3A_178 = arith.constant 0 : i32
    %dma_start3A_179 = tpu.memref_slice %arg12[%dma_start3A_173, %dma_start3A_178] : memref<16x128xi32, #tpu.memory_space<vmem>> -> memref<1x128xi32, #tpu.memory_space<vmem>>
    %dma_start3A_180 = tpu.memref_squeeze %dma_start3A_179 : memref<1x128xi32, #tpu.memory_space<vmem>> -> memref<128xi32, #tpu.memory_space<vmem>>
    %dma_start3A_181 = arith.constant 0 : i32
    %dma_start3A_182 = tpu.memref_slice %arg4[%dma_start3A_181] : memref<819200xf32, #tpu.memory_space<hbm>> -> memref<819200xf32, #tpu.memory_space<hbm>>
    tpu.enqueue_indirect_dma source(%dma_start3A_182 : memref<819200xf32, #tpu.memory_space<hbm>>) target(%dma_start3A_177 : memref<128xf32, #tpu.memory_space<vmem>>) offsets(%dma_start3A_180 : memref<128xi32, #tpu.memory_space<vmem>>) semaphore(%arg15 : memref<!tpu.dma_semaphore, #tpu.memory_space<semaphore_mem>>)
    %dma_start3A_183 = arith.constant 5 : i32
    %dma_start3A_184 = arith.constant 5 : i32
    %dma_start3A_185 = arith.constant 0 : i32
    %dma_start3A_186 = tpu.memref_slice %arg13[%dma_start3A_184, %dma_start3A_185] : memref<16x128xf32, #tpu.memory_space<vmem>> -> memref<1x128xf32, #tpu.memory_space<vmem>>
    %dma_start3A_187 = tpu.memref_squeeze %dma_start3A_186 : memref<1x128xf32, #tpu.memory_space<vmem>> -> memref<128xf32, #tpu.memory_space<vmem>>
    %dma_start3A_188 = arith.constant 0 : i32
    %dma_start3A_189 = tpu.memref_slice %arg12[%dma_start3A_183, %dma_start3A_188] : memref<16x128xi32, #tpu.memory_space<vmem>> -> memref<1x128xi32, #tpu.memory_space<vmem>>
    %dma_start3A_190 = tpu.memref_squeeze %dma_start3A_189 : memref<1x128xi32, #tpu.memory_space<vmem>> -> memref<128xi32, #tpu.memory_space<vmem>>
    %dma_start3A_191 = arith.constant 0 : i32
    %dma_start3A_192 = tpu.memref_slice %arg4[%dma_start3A_191] : memref<819200xf32, #tpu.memory_space<hbm>> -> memref<819200xf32, #tpu.memory_space<hbm>>
    tpu.enqueue_indirect_dma source(%dma_start3A_192 : memref<819200xf32, #tpu.memory_space<hbm>>) target(%dma_start3A_187 : memref<128xf32, #tpu.memory_space<vmem>>) offsets(%dma_start3A_190 : memref<128xi32, #tpu.memory_space<vmem>>) semaphore(%arg15 : memref<!tpu.dma_semaphore, #tpu.memory_space<semaphore_mem>>)
    %dma_start3A_193 = arith.constant 6 : i32
    %dma_start3A_194 = arith.constant 6 : i32
    %dma_start3A_195 = arith.constant 0 : i32
    %dma_start3A_196 = tpu.memref_slice %arg13[%dma_start3A_194, %dma_start3A_195] : memref<16x128xf32, #tpu.memory_space<vmem>> -> memref<1x128xf32, #tpu.memory_space<vmem>>
    %dma_start3A_197 = tpu.memref_squeeze %dma_start3A_196 : memref<1x128xf32, #tpu.memory_space<vmem>> -> memref<128xf32, #tpu.memory_space<vmem>>
    %dma_start3A_198 = arith.constant 0 : i32
    %dma_start3A_199 = tpu.memref_slice %arg12[%dma_start3A_193, %dma_start3A_198] : memref<16x128xi32, #tpu.memory_space<vmem>> -> memref<1x128xi32, #tpu.memory_space<vmem>>
    %dma_start3A_200 = tpu.memref_squeeze %dma_start3A_199 : memref<1x128xi32, #tpu.memory_space<vmem>> -> memref<128xi32, #tpu.memory_space<vmem>>
    %dma_start3A_201 = arith.constant 0 : i32
    %dma_start3A_202 = tpu.memref_slice %arg4[%dma_start3A_201] : memref<819200xf32, #tpu.memory_space<hbm>> -> memref<819200xf32, #tpu.memory_space<hbm>>
    tpu.enqueue_indirect_dma source(%dma_start3A_202 : memref<819200xf32, #tpu.memory_space<hbm>>) target(%dma_start3A_197 : memref<128xf32, #tpu.memory_space<vmem>>) offsets(%dma_start3A_200 : memref<128xi32, #tpu.memory_space<vmem>>) semaphore(%arg15 : memref<!tpu.dma_semaphore, #tpu.memory_space<semaphore_mem>>)
    %dma_start3A_203 = arith.constant 7 : i32
    %dma_start3A_204 = arith.constant 7 : i32
    %dma_start3A_205 = arith.constant 0 : i32
    %dma_start3A_206 = tpu.memref_slice %arg13[%dma_start3A_204, %dma_start3A_205] : memref<16x128xf32, #tpu.memory_space<vmem>> -> memref<1x128xf32, #tpu.memory_space<vmem>>
    %dma_start3A_207 = tpu.memref_squeeze %dma_start3A_206 : memref<1x128xf32, #tpu.memory_space<vmem>> -> memref<128xf32, #tpu.memory_space<vmem>>
    %dma_start3A_208 = arith.constant 0 : i32
    %dma_start3A_209 = tpu.memref_slice %arg12[%dma_start3A_203, %dma_start3A_208] : memref<16x128xi32, #tpu.memory_space<vmem>> -> memref<1x128xi32, #tpu.memory_space<vmem>>
    %dma_start3A_210 = tpu.memref_squeeze %dma_start3A_209 : memref<1x128xi32, #tpu.memory_space<vmem>> -> memref<128xi32, #tpu.memory_space<vmem>>
    %dma_start3A_211 = arith.constant 0 : i32
    %dma_start3A_212 = tpu.memref_slice %arg4[%dma_start3A_211] : memref<819200xf32, #tpu.memory_space<hbm>> -> memref<819200xf32, #tpu.memory_space<hbm>>
    tpu.enqueue_indirect_dma source(%dma_start3A_212 : memref<819200xf32, #tpu.memory_space<hbm>>) target(%dma_start3A_207 : memref<128xf32, #tpu.memory_space<vmem>>) offsets(%dma_start3A_210 : memref<128xi32, #tpu.memory_space<vmem>>) semaphore(%arg15 : memref<!tpu.dma_semaphore, #tpu.memory_space<semaphore_mem>>)
    %dma_start3A_213 = arith.constant 8 : i32
    %dma_start3A_214 = arith.constant 8 : i32
    %dma_start3A_215 = arith.constant 0 : i32
    %dma_start3A_216 = tpu.memref_slice %arg13[%dma_start3A_214, %dma_start3A_215] : memref<16x128xf32, #tpu.memory_space<vmem>> -> memref<1x128xf32, #tpu.memory_space<vmem>>
    %dma_start3A_217 = tpu.memref_squeeze %dma_start3A_216 : memref<1x128xf32, #tpu.memory_space<vmem>> -> memref<128xf32, #tpu.memory_space<vmem>>
    %dma_start3A_218 = arith.constant 0 : i32
    %dma_start3A_219 = tpu.memref_slice %arg12[%dma_start3A_213, %dma_start3A_218] : memref<16x128xi32, #tpu.memory_space<vmem>> -> memref<1x128xi32, #tpu.memory_space<vmem>>
    %dma_start3A_220 = tpu.memref_squeeze %dma_start3A_219 : memref<1x128xi32, #tpu.memory_space<vmem>> -> memref<128xi32, #tpu.memory_space<vmem>>
    %dma_start3A_221 = arith.constant 0 : i32
    %dma_start3A_222 = tpu.memref_slice %arg4[%dma_start3A_221] : memref<819200xf32, #tpu.memory_space<hbm>> -> memref<819200xf32, #tpu.memory_space<hbm>>
    tpu.enqueue_indirect_dma source(%dma_start3A_222 : memref<819200xf32, #tpu.memory_space<hbm>>) target(%dma_start3A_217 : memref<128xf32, #tpu.memory_space<vmem>>) offsets(%dma_start3A_220 : memref<128xi32, #tpu.memory_space<vmem>>) semaphore(%arg15 : memref<!tpu.dma_semaphore, #tpu.memory_space<semaphore_mem>>)
    %dma_start3A_223 = arith.constant 9 : i32
    %dma_start3A_224 = arith.constant 9 : i32
    %dma_start3A_225 = arith.constant 0 : i32
    %dma_start3A_226 = tpu.memref_slice %arg13[%dma_start3A_224, %dma_start3A_225] : memref<16x128xf32, #tpu.memory_space<vmem>> -> memref<1x128xf32, #tpu.memory_space<vmem>>
    %dma_start3A_227 = tpu.memref_squeeze %dma_start3A_226 : memref<1x128xf32, #tpu.memory_space<vmem>> -> memref<128xf32, #tpu.memory_space<vmem>>
    %dma_start3A_228 = arith.constant 0 : i32
    %dma_start3A_229 = tpu.memref_slice %arg12[%dma_start3A_223, %dma_start3A_228] : memref<16x128xi32, #tpu.memory_space<vmem>> -> memref<1x128xi32, #tpu.memory_space<vmem>>
    %dma_start3A_230 = tpu.memref_squeeze %dma_start3A_229 : memref<1x128xi32, #tpu.memory_space<vmem>> -> memref<128xi32, #tpu.memory_space<vmem>>
    %dma_start3A_231 = arith.constant 0 : i32
    %dma_start3A_232 = tpu.memref_slice %arg4[%dma_start3A_231] : memref<819200xf32, #tpu.memory_space<hbm>> -> memref<819200xf32, #tpu.memory_space<hbm>>
    tpu.enqueue_indirect_dma source(%dma_start3A_232 : memref<819200xf32, #tpu.memory_space<hbm>>) target(%dma_start3A_227 : memref<128xf32, #tpu.memory_space<vmem>>) offsets(%dma_start3A_230 : memref<128xi32, #tpu.memory_space<vmem>>) semaphore(%arg15 : memref<!tpu.dma_semaphore, #tpu.memory_space<semaphore_mem>>)
    %dma_start3A_233 = arith.constant 10 : i32
    %dma_start3A_234 = arith.constant 10 : i32
    %dma_start3A_235 = arith.constant 0 : i32
    %dma_start3A_236 = tpu.memref_slice %arg13[%dma_start3A_234, %dma_start3A_235] : memref<16x128xf32, #tpu.memory_space<vmem>> -> memref<1x128xf32, #tpu.memory_space<vmem>>
    %dma_start3A_237 = tpu.memref_squeeze %dma_start3A_236 : memref<1x128xf32, #tpu.memory_space<vmem>> -> memref<128xf32, #tpu.memory_space<vmem>>
    %dma_start3A_238 = arith.constant 0 : i32
    %dma_start3A_239 = tpu.memref_slice %arg12[%dma_start3A_233, %dma_start3A_238] : memref<16x128xi32, #tpu.memory_space<vmem>> -> memref<1x128xi32, #tpu.memory_space<vmem>>
    %dma_start3A_240 = tpu.memref_squeeze %dma_start3A_239 : memref<1x128xi32, #tpu.memory_space<vmem>> -> memref<128xi32, #tpu.memory_space<vmem>>
    %dma_start3A_241 = arith.constant 0 : i32
    %dma_start3A_242 = tpu.memref_slice %arg4[%dma_start3A_241] : memref<819200xf32, #tpu.memory_space<hbm>> -> memref<819200xf32, #tpu.memory_space<hbm>>
    tpu.enqueue_indirect_dma source(%dma_start3A_242 : memref<819200xf32, #tpu.memory_space<hbm>>) target(%dma_start3A_237 : memref<128xf32, #tpu.memory_space<vmem>>) offsets(%dma_start3A_240 : memref<128xi32, #tpu.memory_space<vmem>>) semaphore(%arg15 : memref<!tpu.dma_semaphore, #tpu.memory_space<semaphore_mem>>)
    %dma_start3A_243 = arith.constant 11 : i32
    %dma_start3A_244 = arith.constant 11 : i32
    %dma_start3A_245 = arith.constant 0 : i32
    %dma_start3A_246 = tpu.memref_slice %arg13[%dma_start3A_244, %dma_start3A_245] : memref<16x128xf32, #tpu.memory_space<vmem>> -> memref<1x128xf32, #tpu.memory_space<vmem>>
    %dma_start3A_247 = tpu.memref_squeeze %dma_start3A_246 : memref<1x128xf32, #tpu.memory_space<vmem>> -> memref<128xf32, #tpu.memory_space<vmem>>
    %dma_start3A_248 = arith.constant 0 : i32
    %dma_start3A_249 = tpu.memref_slice %arg12[%dma_start3A_243, %dma_start3A_248] : memref<16x128xi32, #tpu.memory_space<vmem>> -> memref<1x128xi32, #tpu.memory_space<vmem>>
    %dma_start3A_250 = tpu.memref_squeeze %dma_start3A_249 : memref<1x128xi32, #tpu.memory_space<vmem>> -> memref<128xi32, #tpu.memory_space<vmem>>
    %dma_start3A_251 = arith.constant 0 : i32
    %dma_start3A_252 = tpu.memref_slice %arg4[%dma_start3A_251] : memref<819200xf32, #tpu.memory_space<hbm>> -> memref<819200xf32, #tpu.memory_space<hbm>>
    tpu.enqueue_indirect_dma source(%dma_start3A_252 : memref<819200xf32, #tpu.memory_space<hbm>>) target(%dma_start3A_247 : memref<128xf32, #tpu.memory_space<vmem>>) offsets(%dma_start3A_250 : memref<128xi32, #tpu.memory_space<vmem>>) semaphore(%arg15 : memref<!tpu.dma_semaphore, #tpu.memory_space<semaphore_mem>>)
    %dma_start3A_253 = arith.constant 12 : i32
    %dma_start3A_254 = arith.constant 12 : i32
    %dma_start3A_255 = arith.constant 0 : i32
    %dma_start3A_256 = tpu.memref_slice %arg13[%dma_start3A_254, %dma_start3A_255] : memref<16x128xf32, #tpu.memory_space<vmem>> -> memref<1x128xf32, #tpu.memory_space<vmem>>
    %dma_start3A_257 = tpu.memref_squeeze %dma_start3A_256 : memref<1x128xf32, #tpu.memory_space<vmem>> -> memref<128xf32, #tpu.memory_space<vmem>>
    %dma_start3A_258 = arith.constant 0 : i32
    %dma_start3A_259 = tpu.memref_slice %arg12[%dma_start3A_253, %dma_start3A_258] : memref<16x128xi32, #tpu.memory_space<vmem>> -> memref<1x128xi32, #tpu.memory_space<vmem>>
    %dma_start3A_260 = tpu.memref_squeeze %dma_start3A_259 : memref<1x128xi32, #tpu.memory_space<vmem>> -> memref<128xi32, #tpu.memory_space<vmem>>
    %dma_start3A_261 = arith.constant 0 : i32
    %dma_start3A_262 = tpu.memref_slice %arg4[%dma_start3A_261] : memref<819200xf32, #tpu.memory_space<hbm>> -> memref<819200xf32, #tpu.memory_space<hbm>>
    tpu.enqueue_indirect_dma source(%dma_start3A_262 : memref<819200xf32, #tpu.memory_space<hbm>>) target(%dma_start3A_257 : memref<128xf32, #tpu.memory_space<vmem>>) offsets(%dma_start3A_260 : memref<128xi32, #tpu.memory_space<vmem>>) semaphore(%arg15 : memref<!tpu.dma_semaphore, #tpu.memory_space<semaphore_mem>>)
    %dma_start3A_263 = arith.constant 13 : i32
    %dma_start3A_264 = arith.constant 13 : i32
    %dma_start3A_265 = arith.constant 0 : i32
    %dma_start3A_266 = tpu.memref_slice %arg13[%dma_start3A_264, %dma_start3A_265] : memref<16x128xf32, #tpu.memory_space<vmem>> -> memref<1x128xf32, #tpu.memory_space<vmem>>
    %dma_start3A_267 = tpu.memref_squeeze %dma_start3A_266 : memref<1x128xf32, #tpu.memory_space<vmem>> -> memref<128xf32, #tpu.memory_space<vmem>>
    %dma_start3A_268 = arith.constant 0 : i32
    %dma_start3A_269 = tpu.memref_slice %arg12[%dma_start3A_263, %dma_start3A_268] : memref<16x128xi32, #tpu.memory_space<vmem>> -> memref<1x128xi32, #tpu.memory_space<vmem>>
    %dma_start3A_270 = tpu.memref_squeeze %dma_start3A_269 : memref<1x128xi32, #tpu.memory_space<vmem>> -> memref<128xi32, #tpu.memory_space<vmem>>
    %dma_start3A_271 = arith.constant 0 : i32
    %dma_start3A_272 = tpu.memref_slice %arg4[%dma_start3A_271] : memref<819200xf32, #tpu.memory_space<hbm>> -> memref<819200xf32, #tpu.memory_space<hbm>>
    tpu.enqueue_indirect_dma source(%dma_start3A_272 : memref<819200xf32, #tpu.memory_space<hbm>>) target(%dma_start3A_267 : memref<128xf32, #tpu.memory_space<vmem>>) offsets(%dma_start3A_270 : memref<128xi32, #tpu.memory_space<vmem>>) semaphore(%arg15 : memref<!tpu.dma_semaphore, #tpu.memory_space<semaphore_mem>>)
    %dma_start3A_273 = arith.constant 14 : i32
    %dma_start3A_274 = arith.constant 14 : i32
    %dma_start3A_275 = arith.constant 0 : i32
    %dma_start3A_276 = tpu.memref_slice %arg13[%dma_start3A_274, %dma_start3A_275] : memref<16x128xf32, #tpu.memory_space<vmem>> -> memref<1x128xf32, #tpu.memory_space<vmem>>
    %dma_start3A_277 = tpu.memref_squeeze %dma_start3A_276 : memref<1x128xf32, #tpu.memory_space<vmem>> -> memref<128xf32, #tpu.memory_space<vmem>>
    %dma_start3A_278 = arith.constant 0 : i32
    %dma_start3A_279 = tpu.memref_slice %arg12[%dma_start3A_273, %dma_start3A_278] : memref<16x128xi32, #tpu.memory_space<vmem>> -> memref<1x128xi32, #tpu.memory_space<vmem>>
    %dma_start3A_280 = tpu.memref_squeeze %dma_start3A_279 : memref<1x128xi32, #tpu.memory_space<vmem>> -> memref<128xi32, #tpu.memory_space<vmem>>
    %dma_start3A_281 = arith.constant 0 : i32
    %dma_start3A_282 = tpu.memref_slice %arg4[%dma_start3A_281] : memref<819200xf32, #tpu.memory_space<hbm>> -> memref<819200xf32, #tpu.memory_space<hbm>>
    tpu.enqueue_indirect_dma source(%dma_start3A_282 : memref<819200xf32, #tpu.memory_space<hbm>>) target(%dma_start3A_277 : memref<128xf32, #tpu.memory_space<vmem>>) offsets(%dma_start3A_280 : memref<128xi32, #tpu.memory_space<vmem>>) semaphore(%arg15 : memref<!tpu.dma_semaphore, #tpu.memory_space<semaphore_mem>>)
    %dma_start3A_283 = arith.constant 15 : i32
    %dma_start3A_284 = arith.constant 15 : i32
    %dma_start3A_285 = arith.constant 0 : i32
    %dma_start3A_286 = tpu.memref_slice %arg13[%dma_start3A_284, %dma_start3A_285] : memref<16x128xf32, #tpu.memory_space<vmem>> -> memref<1x128xf32, #tpu.memory_space<vmem>>
    %dma_start3A_287 = tpu.memref_squeeze %dma_start3A_286 : memref<1x128xf32, #tpu.memory_space<vmem>> -> memref<128xf32, #tpu.memory_space<vmem>>
    %dma_start3A_288 = arith.constant 0 : i32
    %dma_start3A_289 = tpu.memref_slice %arg12[%dma_start3A_283, %dma_start3A_288] : memref<16x128xi32, #tpu.memory_space<vmem>> -> memref<1x128xi32, #tpu.memory_space<vmem>>
    %dma_start3A_290 = tpu.memref_squeeze %dma_start3A_289 : memref<1x128xi32, #tpu.memory_space<vmem>> -> memref<128xi32, #tpu.memory_space<vmem>>
    %dma_start3A_291 = arith.constant 0 : i32
    %dma_start3A_292 = tpu.memref_slice %arg4[%dma_start3A_291] : memref<819200xf32, #tpu.memory_space<hbm>> -> memref<819200xf32, #tpu.memory_space<hbm>>
    tpu.enqueue_indirect_dma source(%dma_start3A_292 : memref<819200xf32, #tpu.memory_space<hbm>>) target(%dma_start3A_287 : memref<128xf32, #tpu.memory_space<vmem>>) offsets(%dma_start3A_290 : memref<128xi32, #tpu.memory_space<vmem>>) semaphore(%arg15 : memref<!tpu.dma_semaphore, #tpu.memory_space<semaphore_mem>>)
    %dma_wait3A_293 = arith.constant 0 : i32
    %dma_wait3A_294 = arith.constant 0 : i32
    %dma_wait3A_295 = arith.constant 0 : i32
    %dma_wait3A_296 = tpu.memref_slice %arg13[%dma_wait3A_294, %dma_wait3A_295] : memref<16x128xf32, #tpu.memory_space<vmem>> -> memref<1x128xf32, #tpu.memory_space<vmem>>
    %dma_wait3A_297 = tpu.memref_squeeze %dma_wait3A_296 : memref<1x128xf32, #tpu.memory_space<vmem>> -> memref<128xf32, #tpu.memory_space<vmem>>
    %dma_wait3A_298 = arith.constant 0 : i32
    %dma_wait3A_299 = tpu.memref_slice %arg12[%dma_wait3A_293, %dma_wait3A_298] : memref<16x128xi32, #tpu.memory_space<vmem>> -> memref<1x128xi32, #tpu.memory_space<vmem>>
    %dma_wait3A_300 = tpu.memref_squeeze %dma_wait3A_299 : memref<1x128xi32, #tpu.memory_space<vmem>> -> memref<128xi32, #tpu.memory_space<vmem>>
    %dma_wait3A_301 = arith.constant 0 : i32
    %dma_wait3A_302 = tpu.memref_slice %arg4[%dma_wait3A_301] : memref<819200xf32, #tpu.memory_space<hbm>> -> memref<819200xf32, #tpu.memory_space<hbm>>
    tpu.wait_indirect_dma semaphore(%arg15 : memref<!tpu.dma_semaphore, #tpu.memory_space<semaphore_mem>>) src(%dma_wait3A_302 : memref<819200xf32, #tpu.memory_space<hbm>>) dst(%dma_wait3A_297 : memref<128xf32, #tpu.memory_space<vmem>>)
    %dma_wait3A_303 = arith.constant 1 : i32
    %dma_wait3A_304 = arith.constant 1 : i32
    %dma_wait3A_305 = arith.constant 0 : i32
    %dma_wait3A_306 = tpu.memref_slice %arg13[%dma_wait3A_304, %dma_wait3A_305] : memref<16x128xf32, #tpu.memory_space<vmem>> -> memref<1x128xf32, #tpu.memory_space<vmem>>
    %dma_wait3A_307 = tpu.memref_squeeze %dma_wait3A_306 : memref<1x128xf32, #tpu.memory_space<vmem>> -> memref<128xf32, #tpu.memory_space<vmem>>
    %dma_wait3A_308 = arith.constant 0 : i32
    %dma_wait3A_309 = tpu.memref_slice %arg12[%dma_wait3A_303, %dma_wait3A_308] : memref<16x128xi32, #tpu.memory_space<vmem>> -> memref<1x128xi32, #tpu.memory_space<vmem>>
    %dma_wait3A_310 = tpu.memref_squeeze %dma_wait3A_309 : memref<1x128xi32, #tpu.memory_space<vmem>> -> memref<128xi32, #tpu.memory_space<vmem>>
    %dma_wait3A_311 = arith.constant 0 : i32
    %dma_wait3A_312 = tpu.memref_slice %arg4[%dma_wait3A_311] : memref<819200xf32, #tpu.memory_space<hbm>> -> memref<819200xf32, #tpu.memory_space<hbm>>
    tpu.wait_indirect_dma semaphore(%arg15 : memref<!tpu.dma_semaphore, #tpu.memory_space<semaphore_mem>>) src(%dma_wait3A_312 : memref<819200xf32, #tpu.memory_space<hbm>>) dst(%dma_wait3A_307 : memref<128xf32, #tpu.memory_space<vmem>>)
    %dma_wait3A_313 = arith.constant 2 : i32
    %dma_wait3A_314 = arith.constant 2 : i32
    %dma_wait3A_315 = arith.constant 0 : i32
    %dma_wait3A_316 = tpu.memref_slice %arg13[%dma_wait3A_314, %dma_wait3A_315] : memref<16x128xf32, #tpu.memory_space<vmem>> -> memref<1x128xf32, #tpu.memory_space<vmem>>
    %dma_wait3A_317 = tpu.memref_squeeze %dma_wait3A_316 : memref<1x128xf32, #tpu.memory_space<vmem>> -> memref<128xf32, #tpu.memory_space<vmem>>
    %dma_wait3A_318 = arith.constant 0 : i32
    %dma_wait3A_319 = tpu.memref_slice %arg12[%dma_wait3A_313, %dma_wait3A_318] : memref<16x128xi32, #tpu.memory_space<vmem>> -> memref<1x128xi32, #tpu.memory_space<vmem>>
    %dma_wait3A_320 = tpu.memref_squeeze %dma_wait3A_319 : memref<1x128xi32, #tpu.memory_space<vmem>> -> memref<128xi32, #tpu.memory_space<vmem>>
    %dma_wait3A_321 = arith.constant 0 : i32
    %dma_wait3A_322 = tpu.memref_slice %arg4[%dma_wait3A_321] : memref<819200xf32, #tpu.memory_space<hbm>> -> memref<819200xf32, #tpu.memory_space<hbm>>
    tpu.wait_indirect_dma semaphore(%arg15 : memref<!tpu.dma_semaphore, #tpu.memory_space<semaphore_mem>>) src(%dma_wait3A_322 : memref<819200xf32, #tpu.memory_space<hbm>>) dst(%dma_wait3A_317 : memref<128xf32, #tpu.memory_space<vmem>>)
    %dma_wait3A_323 = arith.constant 3 : i32
    %dma_wait3A_324 = arith.constant 3 : i32
    %dma_wait3A_325 = arith.constant 0 : i32
    %dma_wait3A_326 = tpu.memref_slice %arg13[%dma_wait3A_324, %dma_wait3A_325] : memref<16x128xf32, #tpu.memory_space<vmem>> -> memref<1x128xf32, #tpu.memory_space<vmem>>
    %dma_wait3A_327 = tpu.memref_squeeze %dma_wait3A_326 : memref<1x128xf32, #tpu.memory_space<vmem>> -> memref<128xf32, #tpu.memory_space<vmem>>
    %dma_wait3A_328 = arith.constant 0 : i32
    %dma_wait3A_329 = tpu.memref_slice %arg12[%dma_wait3A_323, %dma_wait3A_328] : memref<16x128xi32, #tpu.memory_space<vmem>> -> memref<1x128xi32, #tpu.memory_space<vmem>>
    %dma_wait3A_330 = tpu.memref_squeeze %dma_wait3A_329 : memref<1x128xi32, #tpu.memory_space<vmem>> -> memref<128xi32, #tpu.memory_space<vmem>>
    %dma_wait3A_331 = arith.constant 0 : i32
    %dma_wait3A_332 = tpu.memref_slice %arg4[%dma_wait3A_331] : memref<819200xf32, #tpu.memory_space<hbm>> -> memref<819200xf32, #tpu.memory_space<hbm>>
    tpu.wait_indirect_dma semaphore(%arg15 : memref<!tpu.dma_semaphore, #tpu.memory_space<semaphore_mem>>) src(%dma_wait3A_332 : memref<819200xf32, #tpu.memory_space<hbm>>) dst(%dma_wait3A_327 : memref<128xf32, #tpu.memory_space<vmem>>)
    %dma_wait3A_333 = arith.constant 4 : i32
    %dma_wait3A_334 = arith.constant 4 : i32
    %dma_wait3A_335 = arith.constant 0 : i32
    %dma_wait3A_336 = tpu.memref_slice %arg13[%dma_wait3A_334, %dma_wait3A_335] : memref<16x128xf32, #tpu.memory_space<vmem>> -> memref<1x128xf32, #tpu.memory_space<vmem>>
    %dma_wait3A_337 = tpu.memref_squeeze %dma_wait3A_336 : memref<1x128xf32, #tpu.memory_space<vmem>> -> memref<128xf32, #tpu.memory_space<vmem>>
    %dma_wait3A_338 = arith.constant 0 : i32
    %dma_wait3A_339 = tpu.memref_slice %arg12[%dma_wait3A_333, %dma_wait3A_338] : memref<16x128xi32, #tpu.memory_space<vmem>> -> memref<1x128xi32, #tpu.memory_space<vmem>>
    %dma_wait3A_340 = tpu.memref_squeeze %dma_wait3A_339 : memref<1x128xi32, #tpu.memory_space<vmem>> -> memref<128xi32, #tpu.memory_space<vmem>>
    %dma_wait3A_341 = arith.constant 0 : i32
    %dma_wait3A_342 = tpu.memref_slice %arg4[%dma_wait3A_341] : memref<819200xf32, #tpu.memory_space<hbm>> -> memref<819200xf32, #tpu.memory_space<hbm>>
    tpu.wait_indirect_dma semaphore(%arg15 : memref<!tpu.dma_semaphore, #tpu.memory_space<semaphore_mem>>) src(%dma_wait3A_342 : memref<819200xf32, #tpu.memory_space<hbm>>) dst(%dma_wait3A_337 : memref<128xf32, #tpu.memory_space<vmem>>)
    %dma_wait3A_343 = arith.constant 5 : i32
    %dma_wait3A_344 = arith.constant 5 : i32
    %dma_wait3A_345 = arith.constant 0 : i32
    %dma_wait3A_346 = tpu.memref_slice %arg13[%dma_wait3A_344, %dma_wait3A_345] : memref<16x128xf32, #tpu.memory_space<vmem>> -> memref<1x128xf32, #tpu.memory_space<vmem>>
    %dma_wait3A_347 = tpu.memref_squeeze %dma_wait3A_346 : memref<1x128xf32, #tpu.memory_space<vmem>> -> memref<128xf32, #tpu.memory_space<vmem>>
    %dma_wait3A_348 = arith.constant 0 : i32
    %dma_wait3A_349 = tpu.memref_slice %arg12[%dma_wait3A_343, %dma_wait3A_348] : memref<16x128xi32, #tpu.memory_space<vmem>> -> memref<1x128xi32, #tpu.memory_space<vmem>>
    %dma_wait3A_350 = tpu.memref_squeeze %dma_wait3A_349 : memref<1x128xi32, #tpu.memory_space<vmem>> -> memref<128xi32, #tpu.memory_space<vmem>>
    %dma_wait3A_351 = arith.constant 0 : i32
    %dma_wait3A_352 = tpu.memref_slice %arg4[%dma_wait3A_351] : memref<819200xf32, #tpu.memory_space<hbm>> -> memref<819200xf32, #tpu.memory_space<hbm>>
    tpu.wait_indirect_dma semaphore(%arg15 : memref<!tpu.dma_semaphore, #tpu.memory_space<semaphore_mem>>) src(%dma_wait3A_352 : memref<819200xf32, #tpu.memory_space<hbm>>) dst(%dma_wait3A_347 : memref<128xf32, #tpu.memory_space<vmem>>)
    %dma_wait3A_353 = arith.constant 6 : i32
    %dma_wait3A_354 = arith.constant 6 : i32
    %dma_wait3A_355 = arith.constant 0 : i32
    %dma_wait3A_356 = tpu.memref_slice %arg13[%dma_wait3A_354, %dma_wait3A_355] : memref<16x128xf32, #tpu.memory_space<vmem>> -> memref<1x128xf32, #tpu.memory_space<vmem>>
    %dma_wait3A_357 = tpu.memref_squeeze %dma_wait3A_356 : memref<1x128xf32, #tpu.memory_space<vmem>> -> memref<128xf32, #tpu.memory_space<vmem>>
    %dma_wait3A_358 = arith.constant 0 : i32
    %dma_wait3A_359 = tpu.memref_slice %arg12[%dma_wait3A_353, %dma_wait3A_358] : memref<16x128xi32, #tpu.memory_space<vmem>> -> memref<1x128xi32, #tpu.memory_space<vmem>>
    %dma_wait3A_360 = tpu.memref_squeeze %dma_wait3A_359 : memref<1x128xi32, #tpu.memory_space<vmem>> -> memref<128xi32, #tpu.memory_space<vmem>>
    %dma_wait3A_361 = arith.constant 0 : i32
    %dma_wait3A_362 = tpu.memref_slice %arg4[%dma_wait3A_361] : memref<819200xf32, #tpu.memory_space<hbm>> -> memref<819200xf32, #tpu.memory_space<hbm>>
    tpu.wait_indirect_dma semaphore(%arg15 : memref<!tpu.dma_semaphore, #tpu.memory_space<semaphore_mem>>) src(%dma_wait3A_362 : memref<819200xf32, #tpu.memory_space<hbm>>) dst(%dma_wait3A_357 : memref<128xf32, #tpu.memory_space<vmem>>)
    %dma_wait3A_363 = arith.constant 7 : i32
    %dma_wait3A_364 = arith.constant 7 : i32
    %dma_wait3A_365 = arith.constant 0 : i32
    %dma_wait3A_366 = tpu.memref_slice %arg13[%dma_wait3A_364, %dma_wait3A_365] : memref<16x128xf32, #tpu.memory_space<vmem>> -> memref<1x128xf32, #tpu.memory_space<vmem>>
    %dma_wait3A_367 = tpu.memref_squeeze %dma_wait3A_366 : memref<1x128xf32, #tpu.memory_space<vmem>> -> memref<128xf32, #tpu.memory_space<vmem>>
    %dma_wait3A_368 = arith.constant 0 : i32
    %dma_wait3A_369 = tpu.memref_slice %arg12[%dma_wait3A_363, %dma_wait3A_368] : memref<16x128xi32, #tpu.memory_space<vmem>> -> memref<1x128xi32, #tpu.memory_space<vmem>>
    %dma_wait3A_370 = tpu.memref_squeeze %dma_wait3A_369 : memref<1x128xi32, #tpu.memory_space<vmem>> -> memref<128xi32, #tpu.memory_space<vmem>>
    %dma_wait3A_371 = arith.constant 0 : i32
    %dma_wait3A_372 = tpu.memref_slice %arg4[%dma_wait3A_371] : memref<819200xf32, #tpu.memory_space<hbm>> -> memref<819200xf32, #tpu.memory_space<hbm>>
    tpu.wait_indirect_dma semaphore(%arg15 : memref<!tpu.dma_semaphore, #tpu.memory_space<semaphore_mem>>) src(%dma_wait3A_372 : memref<819200xf32, #tpu.memory_space<hbm>>) dst(%dma_wait3A_367 : memref<128xf32, #tpu.memory_space<vmem>>)
    %dma_wait3A_373 = arith.constant 8 : i32
    %dma_wait3A_374 = arith.constant 8 : i32
    %dma_wait3A_375 = arith.constant 0 : i32
    %dma_wait3A_376 = tpu.memref_slice %arg13[%dma_wait3A_374, %dma_wait3A_375] : memref<16x128xf32, #tpu.memory_space<vmem>> -> memref<1x128xf32, #tpu.memory_space<vmem>>
    %dma_wait3A_377 = tpu.memref_squeeze %dma_wait3A_376 : memref<1x128xf32, #tpu.memory_space<vmem>> -> memref<128xf32, #tpu.memory_space<vmem>>
    %dma_wait3A_378 = arith.constant 0 : i32
    %dma_wait3A_379 = tpu.memref_slice %arg12[%dma_wait3A_373, %dma_wait3A_378] : memref<16x128xi32, #tpu.memory_space<vmem>> -> memref<1x128xi32, #tpu.memory_space<vmem>>
    %dma_wait3A_380 = tpu.memref_squeeze %dma_wait3A_379 : memref<1x128xi32, #tpu.memory_space<vmem>> -> memref<128xi32, #tpu.memory_space<vmem>>
    %dma_wait3A_381 = arith.constant 0 : i32
    %dma_wait3A_382 = tpu.memref_slice %arg4[%dma_wait3A_381] : memref<819200xf32, #tpu.memory_space<hbm>> -> memref<819200xf32, #tpu.memory_space<hbm>>
    tpu.wait_indirect_dma semaphore(%arg15 : memref<!tpu.dma_semaphore, #tpu.memory_space<semaphore_mem>>) src(%dma_wait3A_382 : memref<819200xf32, #tpu.memory_space<hbm>>) dst(%dma_wait3A_377 : memref<128xf32, #tpu.memory_space<vmem>>)
    %dma_wait3A_383 = arith.constant 9 : i32
    %dma_wait3A_384 = arith.constant 9 : i32
    %dma_wait3A_385 = arith.constant 0 : i32
    %dma_wait3A_386 = tpu.memref_slice %arg13[%dma_wait3A_384, %dma_wait3A_385] : memref<16x128xf32, #tpu.memory_space<vmem>> -> memref<1x128xf32, #tpu.memory_space<vmem>>
    %dma_wait3A_387 = tpu.memref_squeeze %dma_wait3A_386 : memref<1x128xf32, #tpu.memory_space<vmem>> -> memref<128xf32, #tpu.memory_space<vmem>>
    %dma_wait3A_388 = arith.constant 0 : i32
    %dma_wait3A_389 = tpu.memref_slice %arg12[%dma_wait3A_383, %dma_wait3A_388] : memref<16x128xi32, #tpu.memory_space<vmem>> -> memref<1x128xi32, #tpu.memory_space<vmem>>
    %dma_wait3A_390 = tpu.memref_squeeze %dma_wait3A_389 : memref<1x128xi32, #tpu.memory_space<vmem>> -> memref<128xi32, #tpu.memory_space<vmem>>
    %dma_wait3A_391 = arith.constant 0 : i32
    %dma_wait3A_392 = tpu.memref_slice %arg4[%dma_wait3A_391] : memref<819200xf32, #tpu.memory_space<hbm>> -> memref<819200xf32, #tpu.memory_space<hbm>>
    tpu.wait_indirect_dma semaphore(%arg15 : memref<!tpu.dma_semaphore, #tpu.memory_space<semaphore_mem>>) src(%dma_wait3A_392 : memref<819200xf32, #tpu.memory_space<hbm>>) dst(%dma_wait3A_387 : memref<128xf32, #tpu.memory_space<vmem>>)
    %dma_wait3A_393 = arith.constant 10 : i32
    %dma_wait3A_394 = arith.constant 10 : i32
    %dma_wait3A_395 = arith.constant 0 : i32
    %dma_wait3A_396 = tpu.memref_slice %arg13[%dma_wait3A_394, %dma_wait3A_395] : memref<16x128xf32, #tpu.memory_space<vmem>> -> memref<1x128xf32, #tpu.memory_space<vmem>>
    %dma_wait3A_397 = tpu.memref_squeeze %dma_wait3A_396 : memref<1x128xf32, #tpu.memory_space<vmem>> -> memref<128xf32, #tpu.memory_space<vmem>>
    %dma_wait3A_398 = arith.constant 0 : i32
    %dma_wait3A_399 = tpu.memref_slice %arg12[%dma_wait3A_393, %dma_wait3A_398] : memref<16x128xi32, #tpu.memory_space<vmem>> -> memref<1x128xi32, #tpu.memory_space<vmem>>
    %dma_wait3A_400 = tpu.memref_squeeze %dma_wait3A_399 : memref<1x128xi32, #tpu.memory_space<vmem>> -> memref<128xi32, #tpu.memory_space<vmem>>
    %dma_wait3A_401 = arith.constant 0 : i32
    %dma_wait3A_402 = tpu.memref_slice %arg4[%dma_wait3A_401] : memref<819200xf32, #tpu.memory_space<hbm>> -> memref<819200xf32, #tpu.memory_space<hbm>>
    tpu.wait_indirect_dma semaphore(%arg15 : memref<!tpu.dma_semaphore, #tpu.memory_space<semaphore_mem>>) src(%dma_wait3A_402 : memref<819200xf32, #tpu.memory_space<hbm>>) dst(%dma_wait3A_397 : memref<128xf32, #tpu.memory_space<vmem>>)
    %dma_wait3A_403 = arith.constant 11 : i32
    %dma_wait3A_404 = arith.constant 11 : i32
    %dma_wait3A_405 = arith.constant 0 : i32
    %dma_wait3A_406 = tpu.memref_slice %arg13[%dma_wait3A_404, %dma_wait3A_405] : memref<16x128xf32, #tpu.memory_space<vmem>> -> memref<1x128xf32, #tpu.memory_space<vmem>>
    %dma_wait3A_407 = tpu.memref_squeeze %dma_wait3A_406 : memref<1x128xf32, #tpu.memory_space<vmem>> -> memref<128xf32, #tpu.memory_space<vmem>>
    %dma_wait3A_408 = arith.constant 0 : i32
    %dma_wait3A_409 = tpu.memref_slice %arg12[%dma_wait3A_403, %dma_wait3A_408] : memref<16x128xi32, #tpu.memory_space<vmem>> -> memref<1x128xi32, #tpu.memory_space<vmem>>
    %dma_wait3A_410 = tpu.memref_squeeze %dma_wait3A_409 : memref<1x128xi32, #tpu.memory_space<vmem>> -> memref<128xi32, #tpu.memory_space<vmem>>
    %dma_wait3A_411 = arith.constant 0 : i32
    %dma_wait3A_412 = tpu.memref_slice %arg4[%dma_wait3A_411] : memref<819200xf32, #tpu.memory_space<hbm>> -> memref<819200xf32, #tpu.memory_space<hbm>>
    tpu.wait_indirect_dma semaphore(%arg15 : memref<!tpu.dma_semaphore, #tpu.memory_space<semaphore_mem>>) src(%dma_wait3A_412 : memref<819200xf32, #tpu.memory_space<hbm>>) dst(%dma_wait3A_407 : memref<128xf32, #tpu.memory_space<vmem>>)
    %dma_wait3A_413 = arith.constant 12 : i32
    %dma_wait3A_414 = arith.constant 12 : i32
    %dma_wait3A_415 = arith.constant 0 : i32
    %dma_wait3A_416 = tpu.memref_slice %arg13[%dma_wait3A_414, %dma_wait3A_415] : memref<16x128xf32, #tpu.memory_space<vmem>> -> memref<1x128xf32, #tpu.memory_space<vmem>>
    %dma_wait3A_417 = tpu.memref_squeeze %dma_wait3A_416 : memref<1x128xf32, #tpu.memory_space<vmem>> -> memref<128xf32, #tpu.memory_space<vmem>>
    %dma_wait3A_418 = arith.constant 0 : i32
    %dma_wait3A_419 = tpu.memref_slice %arg12[%dma_wait3A_413, %dma_wait3A_418] : memref<16x128xi32, #tpu.memory_space<vmem>> -> memref<1x128xi32, #tpu.memory_space<vmem>>
    %dma_wait3A_420 = tpu.memref_squeeze %dma_wait3A_419 : memref<1x128xi32, #tpu.memory_space<vmem>> -> memref<128xi32, #tpu.memory_space<vmem>>
    %dma_wait3A_421 = arith.constant 0 : i32
    %dma_wait3A_422 = tpu.memref_slice %arg4[%dma_wait3A_421] : memref<819200xf32, #tpu.memory_space<hbm>> -> memref<819200xf32, #tpu.memory_space<hbm>>
    tpu.wait_indirect_dma semaphore(%arg15 : memref<!tpu.dma_semaphore, #tpu.memory_space<semaphore_mem>>) src(%dma_wait3A_422 : memref<819200xf32, #tpu.memory_space<hbm>>) dst(%dma_wait3A_417 : memref<128xf32, #tpu.memory_space<vmem>>)
    %dma_wait3A_423 = arith.constant 13 : i32
    %dma_wait3A_424 = arith.constant 13 : i32
    %dma_wait3A_425 = arith.constant 0 : i32
    %dma_wait3A_426 = tpu.memref_slice %arg13[%dma_wait3A_424, %dma_wait3A_425] : memref<16x128xf32, #tpu.memory_space<vmem>> -> memref<1x128xf32, #tpu.memory_space<vmem>>
    %dma_wait3A_427 = tpu.memref_squeeze %dma_wait3A_426 : memref<1x128xf32, #tpu.memory_space<vmem>> -> memref<128xf32, #tpu.memory_space<vmem>>
    %dma_wait3A_428 = arith.constant 0 : i32
    %dma_wait3A_429 = tpu.memref_slice %arg12[%dma_wait3A_423, %dma_wait3A_428] : memref<16x128xi32, #tpu.memory_space<vmem>> -> memref<1x128xi32, #tpu.memory_space<vmem>>
    %dma_wait3A_430 = tpu.memref_squeeze %dma_wait3A_429 : memref<1x128xi32, #tpu.memory_space<vmem>> -> memref<128xi32, #tpu.memory_space<vmem>>
    %dma_wait3A_431 = arith.constant 0 : i32
    %dma_wait3A_432 = tpu.memref_slice %arg4[%dma_wait3A_431] : memref<819200xf32, #tpu.memory_space<hbm>> -> memref<819200xf32, #tpu.memory_space<hbm>>
    tpu.wait_indirect_dma semaphore(%arg15 : memref<!tpu.dma_semaphore, #tpu.memory_space<semaphore_mem>>) src(%dma_wait3A_432 : memref<819200xf32, #tpu.memory_space<hbm>>) dst(%dma_wait3A_427 : memref<128xf32, #tpu.memory_space<vmem>>)
    %dma_wait3A_433 = arith.constant 14 : i32
    %dma_wait3A_434 = arith.constant 14 : i32
    %dma_wait3A_435 = arith.constant 0 : i32
    %dma_wait3A_436 = tpu.memref_slice %arg13[%dma_wait3A_434, %dma_wait3A_435] : memref<16x128xf32, #tpu.memory_space<vmem>> -> memref<1x128xf32, #tpu.memory_space<vmem>>
    %dma_wait3A_437 = tpu.memref_squeeze %dma_wait3A_436 : memref<1x128xf32, #tpu.memory_space<vmem>> -> memref<128xf32, #tpu.memory_space<vmem>>
    %dma_wait3A_438 = arith.constant 0 : i32
    %dma_wait3A_439 = tpu.memref_slice %arg12[%dma_wait3A_433, %dma_wait3A_438] : memref<16x128xi32, #tpu.memory_space<vmem>> -> memref<1x128xi32, #tpu.memory_space<vmem>>
    %dma_wait3A_440 = tpu.memref_squeeze %dma_wait3A_439 : memref<1x128xi32, #tpu.memory_space<vmem>> -> memref<128xi32, #tpu.memory_space<vmem>>
    %dma_wait3A_441 = arith.constant 0 : i32
    %dma_wait3A_442 = tpu.memref_slice %arg4[%dma_wait3A_441] : memref<819200xf32, #tpu.memory_space<hbm>> -> memref<819200xf32, #tpu.memory_space<hbm>>
    tpu.wait_indirect_dma semaphore(%arg15 : memref<!tpu.dma_semaphore, #tpu.memory_space<semaphore_mem>>) src(%dma_wait3A_442 : memref<819200xf32, #tpu.memory_space<hbm>>) dst(%dma_wait3A_437 : memref<128xf32, #tpu.memory_space<vmem>>)
    %dma_wait3A_443 = arith.constant 15 : i32
    %dma_wait3A_444 = arith.constant 15 : i32
    %dma_wait3A_445 = arith.constant 0 : i32
    %dma_wait3A_446 = tpu.memref_slice %arg13[%dma_wait3A_444, %dma_wait3A_445] : memref<16x128xf32, #tpu.memory_space<vmem>> -> memref<1x128xf32, #tpu.memory_space<vmem>>
    %dma_wait3A_447 = tpu.memref_squeeze %dma_wait3A_446 : memref<1x128xf32, #tpu.memory_space<vmem>> -> memref<128xf32, #tpu.memory_space<vmem>>
    %dma_wait3A_448 = arith.constant 0 : i32
    %dma_wait3A_449 = tpu.memref_slice %arg12[%dma_wait3A_443, %dma_wait3A_448] : memref<16x128xi32, #tpu.memory_space<vmem>> -> memref<1x128xi32, #tpu.memory_space<vmem>>
    %dma_wait3A_450 = tpu.memref_squeeze %dma_wait3A_449 : memref<1x128xi32, #tpu.memory_space<vmem>> -> memref<128xi32, #tpu.memory_space<vmem>>
    %dma_wait3A_451 = arith.constant 0 : i32
    %dma_wait3A_452 = tpu.memref_slice %arg4[%dma_wait3A_451] : memref<819200xf32, #tpu.memory_space<hbm>> -> memref<819200xf32, #tpu.memory_space<hbm>>
    tpu.wait_indirect_dma semaphore(%arg15 : memref<!tpu.dma_semaphore, #tpu.memory_space<semaphore_mem>>) src(%dma_wait3A_452 : memref<819200xf32, #tpu.memory_space<hbm>>) dst(%dma_wait3A_447 : memref<128xf32, #tpu.memory_space<vmem>>)
    %scan3A_453 = arith.constant 0 : i32
    %scan3A_454 = arith.constant 0 : i32
    %scan3A_455 = arith.constant 16 : i32
    %scan3A_456 = arith.addi %scan3A_454, %scan3A_455 : i32
    %scan3A_457 = arith.constant 1 : i32
    %scan3A_458 = scf.for %scan3A_466 = %scan3A_454 to %scan3A_456 step %scan3A_457 iter_args(%scan3A_467 = %scan3A_453) -> (i32)  : i32 {
      %jit3A_468 = arith.constant 8 : i32
      %div3A_469 = arith.divsi %scan3A_466, %jit3A_468 : i32
      %sign3A_470 = arith.constant 0 : i32
      %sign3A_471 = arith.cmpi sgt, %scan3A_466, %sign3A_470 : i32
      %sign3A_472 = arith.extui %sign3A_471 : i1 to i32
      %sign3A_473 = arith.constant 0 : i32
      %sign3A_474 = arith.cmpi slt, %scan3A_466, %sign3A_473 : i32
      %sign3A_475 = arith.extui %sign3A_474 : i1 to i32
      %sign3A_476 = arith.subi %sign3A_472, %sign3A_475 : i32
      %sign3A_477 = arith.constant 0 : i32
      %sign3A_478 = arith.cmpi sgt, %jit3A_468, %sign3A_477 : i32
      %sign3A_479 = arith.extui %sign3A_478 : i1 to i32
      %sign3A_480 = arith.constant 0 : i32
      %sign3A_481 = arith.cmpi slt, %jit3A_468, %sign3A_480 : i32
      %sign3A_482 = arith.extui %sign3A_481 : i1 to i32
      %sign3A_483 = arith.subi %sign3A_479, %sign3A_482 : i32
      %ne3A_484 = arith.cmpi ne, %sign3A_476, %sign3A_483 : i32
      %rem3A_485 = arith.remsi %scan3A_466, %jit3A_468 : i32
      %ne3A_486 = arith.constant 0 : i32
      %ne3A_487 = arith.cmpi ne, %rem3A_485, %ne3A_486 : i32
      %and3A_488 = arith.andi %ne3A_484, %ne3A_487 : i1
      %sub3A_489 = arith.constant 1 : i32
      %sub3A_490 = arith.subi %div3A_469, %sub3A_489 : i32
      %select_n3A_491 = arith.select %and3A_488, %sub3A_490, %div3A_469 : i32
      %mul3A_492 = arith.constant 8 : i32
      %mul3A_493 = arith.muli %select_n3A_491, %mul3A_492 : i32
      %sub3A_494 = arith.subi %scan3A_466, %mul3A_493 : i32
      %mul3A_495 = arith.constant 16 : i32
      %mul3A_496 = arith.muli %sub3A_494, %mul3A_495 : i32
      %add3A_497 = arith.constant 0 : i32
      %add3A_498 = arith.addi %add3A_497, %select_n3A_491 : i32
      %get3A = arith.index_cast %add3A_498 : i32 to index
      %get3A_499 = arith.index_cast %mul3A_496 : i32 to index
      %get3A_500 = tpu.vector_load %arg13[%get3A, %get3A_499] {strides = array<i32>} : memref<16x128xf32, #tpu.memory_space<vmem>>, vector<16xf32>,
      %add3A_501 = arith.constant 2 : i32
      %add3A_502 = arith.addi %add3A_501, %select_n3A_491 : i32
      %get3A_503 = arith.index_cast %add3A_502 : i32 to index
      %get3A_504 = arith.index_cast %mul3A_496 : i32 to index
      %get3A_505 = tpu.vector_load %arg13[%get3A_503, %get3A_504] {strides = array<i32>} : memref<16x128xf32, #tpu.memory_space<vmem>>, vector<16xf32>,
      %add3A_506 = arith.constant 4 : i32
      %add3A_507 = arith.addi %add3A_506, %select_n3A_491 : i32
      %get3A_508 = arith.index_cast %add3A_507 : i32 to index
      %get3A_509 = arith.index_cast %mul3A_496 : i32 to index
      %get3A_510 = tpu.vector_load %arg13[%get3A_508, %get3A_509] {strides = array<i32>} : memref<16x128xf32, #tpu.memory_space<vmem>>, vector<16xf32>,
      %add3A_511 = arith.constant 6 : i32
      %add3A_512 = arith.addi %add3A_511, %select_n3A_491 : i32
      %get3A_513 = arith.index_cast %add3A_512 : i32 to index
      %get3A_514 = arith.index_cast %mul3A_496 : i32 to index
      %get3A_515 = tpu.vector_load %arg13[%get3A_513, %get3A_514] {strides = array<i32>} : memref<16x128xf32, #tpu.memory_space<vmem>>, vector<16xf32>,
      %add3A_516 = arith.constant 8 : i32
      %add3A_517 = arith.addi %add3A_516, %select_n3A_491 : i32
      %get3A_518 = arith.index_cast %add3A_517 : i32 to index
      %get3A_519 = arith.index_cast %mul3A_496 : i32 to index
      %get3A_520 = tpu.vector_load %arg13[%get3A_518, %get3A_519] {strides = array<i32>} : memref<16x128xf32, #tpu.memory_space<vmem>>, vector<16xf32>,
      %add3A_521 = arith.constant 12 : i32
      %add3A_522 = arith.addi %add3A_521, %select_n3A_491 : i32
      %get3A_523 = arith.index_cast %add3A_522 : i32 to index
      %get3A_524 = arith.index_cast %mul3A_496 : i32 to index
      %get3A_525 = tpu.vector_load %arg13[%get3A_523, %get3A_524] {strides = array<i32>} : memref<16x128xf32, #tpu.memory_space<vmem>>, vector<16xf32>,
      %add3A_526 = arith.addf %get3A_520, %get3A_525 : vector<16xf32>
      %add3A_527 = arith.constant 10 : i32
      %add3A_528 = arith.addi %add3A_527, %select_n3A_491 : i32
      %get3A_529 = arith.index_cast %add3A_528 : i32 to index
      %get3A_530 = arith.index_cast %mul3A_496 : i32 to index
      %get3A_531 = tpu.vector_load %arg13[%get3A_529, %get3A_530] {strides = array<i32>} : memref<16x128xf32, #tpu.memory_space<vmem>>, vector<16xf32>,
      %add3A_532 = arith.constant 14 : i32
      %add3A_533 = arith.addi %add3A_532, %select_n3A_491 : i32
      %get3A_534 = arith.index_cast %add3A_533 : i32 to index
      %get3A_535 = arith.index_cast %mul3A_496 : i32 to index
      %get3A_536 = tpu.vector_load %arg13[%get3A_534, %get3A_535] {strides = array<i32>} : memref<16x128xf32, #tpu.memory_space<vmem>>, vector<16xf32>,
      %add3A_537 = arith.addf %get3A_531, %get3A_536 : vector<16xf32>
      %mul3A_538 = arith.constant 16 : i32
      %mul3A_539 = arith.muli %scan3A_466, %mul3A_538 : i32
      %add3A_540 = vector.broadcast %mul3A_539 : i32 to vector<16xi32>
      %add3A_541 = arith.addi %add3A_540, %iota3A : vector<16xi32>
      %mul3A_542 = arith.constant 4 : i32
      %mul3A_543 = vector.broadcast %mul3A_542 : i32 to vector<16xi32>
      %mul3A_544 = arith.muli %add3A_541, %mul3A_543 : vector<16xi32>
      %sub3A_545 = arith.subf %add3A_526, %get3A_500 : vector<16xf32>
      tpu.vector_store_idx %arg14[%mul3A_544], %sub3A_545 : memref<1024xf32, #tpu.memory_space<vmem>>[vector<16xi32>], vector<16xf32>,
      %add3A_546 = arith.constant 1 : i32
      %add3A_547 = vector.broadcast %add3A_546 : i32 to vector<16xi32>
      %add3A_548 = arith.addi %mul3A_544, %add3A_547 : vector<16xi32>
      %sub3A_549 = arith.subf %add3A_537, %get3A_505 : vector<16xf32>
      tpu.vector_store_idx %arg14[%add3A_548], %sub3A_549 : memref<1024xf32, #tpu.memory_space<vmem>>[vector<16xi32>], vector<16xf32>,
      %add3A_550 = arith.constant 2 : i32
      %add3A_551 = vector.broadcast %add3A_550 : i32 to vector<16xi32>
      %add3A_552 = arith.addi %mul3A_544, %add3A_551 : vector<16xi32>
      %add3A_553 = arith.addf %add3A_526, %get3A_510 : vector<16xf32>
      tpu.vector_store_idx %arg14[%add3A_552], %add3A_553 : memref<1024xf32, #tpu.memory_space<vmem>>[vector<16xi32>], vector<16xf32>,
      %add3A_554 = arith.constant 3 : i32
      %add3A_555 = vector.broadcast %add3A_554 : i32 to vector<16xi32>
      %add3A_556 = arith.addi %mul3A_544, %add3A_555 : vector<16xi32>
      %add3A_557 = arith.addf %add3A_537, %get3A_515 : vector<16xf32>
      tpu.vector_store_idx %arg14[%add3A_556], %add3A_557 : memref<1024xf32, #tpu.memory_space<vmem>>[vector<16xi32>], vector<16xf32>,
      %scan3A_558 = arith.constant 0 : i32
      scf.yield %scan3A_558 : i32
    }
    %scan3A_459 = arith.constant 16 : i32
    %mul3A_460 = arith.constant 256 : i32
    %mul3A_461 = arith.muli %sub3A_19, %mul3A_460 : i32
    %mul3A_462 = arith.constant 4 : i32
    %mul3A_463 = arith.muli %mul3A_461, %mul3A_462 : i32
    "tpu.region"() ({
      %run_scoped3A = tpu.sem_alloc : memref<!tpu.dma_semaphore, #tpu.memory_space<semaphore_mem>>
      %dma_start3A_466 = tpu.memref_slice %arg5[%select_n3A, %mul3A_463] : memref<8x4096xf32, #tpu.memory_space<hbm>> -> memref<1x1024xf32, #tpu.memory_space<hbm>>
      %dma_start3A_467 = tpu.memref_squeeze %dma_start3A_466 : memref<1x1024xf32, #tpu.memory_space<hbm>> -> memref<1024xf32, #tpu.memory_space<hbm>>
      %dma_start3A_468 = tpu.memref_slice %arg5[%select_n3A, %mul3A_463] : memref<8x4096xf32, #tpu.memory_space<hbm>> -> memref<1x1024xf32, #tpu.memory_space<hbm>>
      %dma_start3A_469 = tpu.memref_squeeze %dma_start3A_468 : memref<1x1024xf32, #tpu.memory_space<hbm>> -> memref<1024xf32, #tpu.memory_space<hbm>>
      tpu.enqueue_dma source(%arg14 : memref<1024xf32, #tpu.memory_space<vmem>>) target(%dma_start3A_469 : memref<1024xf32, #tpu.memory_space<hbm>>) target_semaphore(%run_scoped3A : memref<!tpu.dma_semaphore, #tpu.memory_space<semaphore_mem>>)
      %dma_wait3A_470 = tpu.memref_slice %arg5[%select_n3A, %mul3A_463] : memref<8x4096xf32, #tpu.memory_space<hbm>> -> memref<1x1024xf32, #tpu.memory_space<hbm>>
      %dma_wait3A_471 = tpu.memref_squeeze %dma_wait3A_470 : memref<1x1024xf32, #tpu.memory_space<hbm>> -> memref<1024xf32, #tpu.memory_space<hbm>>
      %dma_wait3A_472 = tpu.memref_slice %arg5[%select_n3A, %mul3A_463] : memref<8x4096xf32, #tpu.memory_space<hbm>> -> memref<1x1024xf32, #tpu.memory_space<hbm>>
      %dma_wait3A_473 = tpu.memref_squeeze %dma_wait3A_472 : memref<1x1024xf32, #tpu.memory_space<hbm>> -> memref<1024xf32, #tpu.memory_space<hbm>>
      tpu.wait_dma2 semaphore(%run_scoped3A : memref<!tpu.dma_semaphore, #tpu.memory_space<semaphore_mem>>) src(%arg14 : memref<1024xf32, #tpu.memory_space<vmem>>) dst(%dma_wait3A_473 : memref<1024xf32, #tpu.memory_space<hbm>>)
      tpu.yield
    }) : () -> ()
    %mul3A_464 = arith.constant 256 : i32
    %mul3A_465 = arith.muli %sub3A_19, %mul3A_464 : i32
    "tpu.region"() ({
      %run_scoped3A = tpu.sem_alloc : memref<!tpu.dma_semaphore, #tpu.memory_space<semaphore_mem>>
      %dma_start3A_466 = tpu.memref_slice %arg6[%select_n3A, %mul3A_465] : memref<8x1024xi32, #tpu.memory_space<hbm>> -> memref<1x256xi32, #tpu.memory_space<hbm>>
      %dma_start3A_467 = tpu.memref_squeeze %dma_start3A_466 : memref<1x256xi32, #tpu.memory_space<hbm>> -> memref<256xi32, #tpu.memory_space<hbm>>
      %dma_start3A_468 = tpu.memref_slice %arg6[%select_n3A, %mul3A_465] : memref<8x1024xi32, #tpu.memory_space<hbm>> -> memref<1x256xi32, #tpu.memory_space<hbm>>
      %dma_start3A_469 = tpu.memref_squeeze %dma_start3A_468 : memref<1x256xi32, #tpu.memory_space<hbm>> -> memref<256xi32, #tpu.memory_space<hbm>>
      tpu.enqueue_dma source(%arg11 : memref<256xi32, #tpu.memory_space<vmem>>) target(%dma_start3A_469 : memref<256xi32, #tpu.memory_space<hbm>>) target_semaphore(%run_scoped3A : memref<!tpu.dma_semaphore, #tpu.memory_space<semaphore_mem>>)
      %dma_wait3A_470 = tpu.memref_slice %arg6[%select_n3A, %mul3A_465] : memref<8x1024xi32, #tpu.memory_space<hbm>> -> memref<1x256xi32, #tpu.memory_space<hbm>>
      %dma_wait3A_471 = tpu.memref_squeeze %dma_wait3A_470 : memref<1x256xi32, #tpu.memory_space<hbm>> -> memref<256xi32, #tpu.memory_space<hbm>>
      %dma_wait3A_472 = tpu.memref_slice %arg6[%select_n3A, %mul3A_465] : memref<8x1024xi32, #tpu.memory_space<hbm>> -> memref<1x256xi32, #tpu.memory_space<hbm>>
      %dma_wait3A_473 = tpu.memref_squeeze %dma_wait3A_472 : memref<1x256xi32, #tpu.memory_space<hbm>> -> memref<256xi32, #tpu.memory_space<hbm>>
      tpu.wait_dma2 semaphore(%run_scoped3A : memref<!tpu.dma_semaphore, #tpu.memory_space<semaphore_mem>>) src(%arg11 : memref<256xi32, #tpu.memory_space<vmem>>) dst(%dma_wait3A_473 : memref<256xi32, #tpu.memory_space<hbm>>)
      tpu.yield
    }) : () -> ()
    return
  }
}

module attributes {stable_mosaic.version = 14 : i64} {
  func.func @_scores_body(%arg0: i32, %arg1: i32, %arg2: memref<1x80x2048xf32, #tpu.memory_space<vmem>>, %arg3: memref<1x2048x1xf32, #tpu.memory_space<vmem>>, %arg4: memref<1x2048x128xf32, #tpu.memory_space<vmem>>) attributes {dimension_semantics = [#tpu.dimension_semantics<arbitrary>, #tpu.dimension_semantics<arbitrary>], iteration_bounds = array<i64: 8, 8>, scalar_prefetch = 0 : i64, scratch_operands = 0 : i64, tpu.core_type = #tpu.core_type<tc>, window_params = [{transform_indices = @transform_0, window_bounds = array<i64: 1, 80, 2048>}, {transform_indices = @transform_1, window_bounds = array<i64: 1, 2048, 1>}, {transform_indices = @transform_2, window_bounds = array<i64: 1, 2048, 128>}]} {
    %get3A = arith.constant 0 : index
    %get3A_0 = arith.constant 0 : index
    %get3A_1 = arith.constant 0 : index
    %get3A_2 = vector.load %arg2[%get3A, %get3A_0, %get3A_1] : memref<1x80x2048xf32, #tpu.memory_space<vmem>>, vector<1x80x2048xf32>
    %get3A_3 = vector.shape_cast %get3A_2 : vector<1x80x2048xf32> to vector<80x2048xf32>
    %neg3A = arith.constant 0.000000e+00 : f32
    %neg3A_4 = vector.broadcast %neg3A : f32 to vector<80x2048xf32>
    %neg3A_5 = arith.subf %neg3A_4, %get3A_3 : vector<80x2048xf32>
    %exp3A = math.exp %neg3A_5 : vector<80x2048xf32>
    %add3A = arith.constant 1.000000e+00 : f32
    %add3A_6 = vector.broadcast %add3A : f32 to vector<80x2048xf32>
    %add3A_7 = arith.addf %add3A_6, %exp3A : vector<80x2048xf32>
    %div3A = arith.constant 1.000000e+00 : f32
    %div3A_8 = vector.broadcast %div3A : f32 to vector<80x2048xf32>
    %div3A_9 = arith.divf %div3A_8, %add3A_7 : vector<80x2048xf32>
    %iota3A = tpu.iota {dimensions = array<i32: 0>} : vector<80x128xi32>
    %iota3A_10 = tpu.iota {dimensions = array<i32: 1>} : vector<80x128xi32>
    %eq3A = arith.cmpi eq, %iota3A, %iota3A_10 : vector<80x128xi32>
    %convert_element_type3A = arith.extui %eq3A : vector<80x128xi1> to vector<80x128xi32>
    %convert_element_type3A_11 = arith.sitofp %convert_element_type3A : vector<80x128xi32> to vector<80x128xf32>
    %dot_general3A = arith.constant dense<0.000000e+00> : vector<2048x128xf32>
    %dot_general3A_12 = tpu.matmul %div3A_9, %convert_element_type3A_11, %dot_general3A {dimension_numbers = #tpu.dot_dimension_numbers<[0], [0], [1], [1], [0, 1, 1, 1], [], []>, precision = #tpu.contract_precision<fp32>, transpose_lhs_hint = false} : vector<80x2048xf32>, vector<80x128xf32>, vector<2048x128xf32> -> vector<2048x128xf32>
    %get3A_13 = arith.constant 0 : index
    %get3A_14 = arith.constant 0 : index
    %get3A_15 = arith.constant 0 : index
    %get3A_16 = vector.load %arg3[%get3A_13, %get3A_14, %get3A_15] : memref<1x2048x1xf32, #tpu.memory_space<vmem>>, vector<1x2048x1xf32>
    %get3A_17 = vector.shape_cast %get3A_16 : vector<1x2048x1xf32> to vector<2048x1xf32>
    %neg3A_18 = arith.constant 0.000000e+00 : f32
    %neg3A_19 = vector.broadcast %neg3A_18 : f32 to vector<2048x1xf32>
    %neg3A_20 = arith.subf %neg3A_19, %get3A_17 : vector<2048x1xf32>
    %exp3A_21 = math.exp %neg3A_20 : vector<2048x1xf32>
    %add3A_22 = arith.constant 1.000000e+00 : f32
    %add3A_23 = vector.broadcast %add3A_22 : f32 to vector<2048x1xf32>
    %add3A_24 = arith.addf %add3A_23, %exp3A_21 : vector<2048x1xf32>
    %div3A_25 = arith.constant 1.000000e+00 : f32
    %div3A_26 = vector.broadcast %div3A_25 : f32 to vector<2048x1xf32>
    %div3A_27 = arith.divf %div3A_26, %add3A_24 : vector<2048x1xf32>
    %gt3A = arith.constant 5.000000e-02 : f32
    %gt3A_28 = vector.broadcast %gt3A : f32 to vector<2048x128xf32>
    %gt3A_29 = arith.cmpf ogt, %dot_general3A_12, %gt3A_28 : vector<2048x128xf32>
    %mul3A = vector.broadcast %div3A_27 : vector<2048x1xf32> to vector<2048x128xf32>
    %mul3A_30 = arith.mulf %dot_general3A_12, %mul3A : vector<2048x128xf32>
    %jit3A = arith.constant 0.000000e+00 : f32
    %broadcast_in_dim3A = vector.broadcast %jit3A : f32 to vector<2048x128xf32>
    %select_n3A = arith.select %gt3A_29, %mul3A_30, %broadcast_in_dim3A : vector<2048x128xi1>, vector<2048x128xf32>
    %swap3A = arith.constant 0 : index
    %swap3A_31 = arith.constant 0 : index
    %swap3A_32 = arith.constant 0 : index
    %swap3A_33 = vector.load %arg4[%swap3A, %swap3A_31, %swap3A_32] : memref<1x2048x128xf32, #tpu.memory_space<vmem>>, vector<1x2048x128xf32>
    %swap3A_34 = vector.shape_cast %swap3A_33 : vector<1x2048x128xf32> to vector<2048x128xf32>
    %swap3A_35 = vector.shape_cast %select_n3A : vector<2048x128xf32> to vector<1x2048x128xf32>
    tpu.vector_store %arg4[%swap3A, %swap3A_31, %swap3A_32], %swap3A_35 {strides = array<i32>} : memref<1x2048x128xf32, #tpu.memory_space<vmem>>, vector<1x2048x128xf32>,
    return
  }
  func.func @transform_0(%arg0: i32, %arg1: i32) -> (i32, i32, i32) {
    %c0_i32 = arith.constant 0 : i32
    %c0_i32_0 = arith.constant 0 : i32
    return %arg0, %c0_i32, %arg1 : i32, i32, i32
  }
  func.func @transform_1(%arg0: i32, %arg1: i32) -> (i32, i32, i32) {
    %c0_i32 = arith.constant 0 : i32
    %c0_i32_0 = arith.constant 0 : i32
    return %arg0, %arg1, %c0_i32 : i32, i32, i32
  }
  func.func @transform_2(%arg0: i32, %arg1: i32) -> (i32, i32, i32) {
    %c0_i32 = arith.constant 0 : i32
    %c0_i32_0 = arith.constant 0 : i32
    return %arg0, %arg1, %c0_i32 : i32, i32, i32
  }
}

</mosaic_0001>

<sc_bundles>
// kernel: kernel.5.cloned.1.call-start
scs
__scs_entry_jumppad:
0x0: {  	(pc) =	sbr.rel $0x88, $3  }
0x1: {  	(tag) =	ssettag $0x0;
	lr =	simm.s32 $0x1  }
0x2: {  	[smem:$0x3F9C] =	sst lr;
	_ =	strace $0xD0000000  }
0x3: {  	_ = 	snop  }
0x4: {  	_ = 	snop  }
0x5: {  	_ = 	snop  }
0x6: {  	_ = 	snop  }
0x7: {  	_ = 	snop  }
__scs_overlays_trampoline_lowered:
0x8: {  	[smem:$0x3FAB] =	sst s0  }
0x9: {  	[smem:$0x3FAC] =	sst s1  }
0xa: {  	[smem:$0x3FAD] =	sst s2  }
0xb: {  	[smem:$0x3FAE] =	sst s3  }
0xc: {  	[smem:$0x3FAF] =	sst s4  }
0xd: {  	[smem:$0x3FB0] =	sst s5  }
0xe: {  	[smem:$0x3FB1] =	sst s6  }
0xf: {  	[smem:$0x3FB2] =	sst s7  }
0x10: {  	[smem:$0x3FB3] =	sst s8  }
0x11: {  	[smem:$0x3FB4] =	sst s9;
	s0 =	simm.s32 @!p0 $0x0  }
0x12: {  	s1 =	sld [smem:$0x3F9A];
	s0 =	simm.s32 @p0 $0x1  }
0x13: {  	[smem:$0x3FB5] =	sst s0;
	s0 =	simm.s32 @!p1 $0x0  }
0x14: {  	s2 =	sld [smem:$0x3F99];
	s0 =	simm.s32 @p1 $0x1  }
0x15: {  	[smem:$0x3FB6] =	sst s0;
	s0 =	simm.s32 @!p2 $0x0  }
0x16: {  	s3 =	sld [smem:$0x3FDB];
	s0 =	simm.s32 @p2 $0x1  }
0x17: {  	s4 =	simm.s32 $0x1BF5;
	[smem:$0x3FB8] =	sst s0  }
0x18: {  	s0 =	sld [smem:$0x3F9B];
	_ =	swait.ge [sflag:s4], $0x0  }
0x19: {  	s7 =	sld [smem:$0x3F9C]  }
0x1a: {  	s8 =	sadd.s32 $0xFFFFE003, lr  }
0x1b: {  	s9 =	sadd.s32 $0xFFFFFEF7, lr;
	s5 =	simm.s32 $0xFFFFFFFF;
	p2 =	slt.u32 s8, $0xFFFFF086  }
0x1c: {  	p1 =	slt.u32 s9, $0xF7A;
	s5 =	simm.s32 @!p2 $0x0  }
0x1d: {  	s5 =	simm.s32 @p1 $0x1;
	p0 =	seq.s32 s7, s2  }
0x1e: {  	s7 =	smul.u32 @!p0 $0xF7A, s2;
	p2 =	seq.s32 @!p0 s5, $0x0  }
0x1f: {  	s9 =	smul.u32 $0xF7A, s1;
	s8 =	simm.s32 @!p0 $0x1BF5;
	p2 =	por !p2, p0  }
0x20: {  	[sflag:s8] =	ssyncset.s32 @!p0 $0xFFFFF086;
	s6 =	sadd.s32 @!p0 s3, s7;
	s7 =	simm.s32 @!p0 $0x108  }
0x21: {  	s3 =	sadd.s32 s3, s9;
	s6 =	sadd.s32 @!p0 $0x88, s6;
	s7 =	simm.s32 @p2 $0x1082  }
0x22: {  	[simem:s7], [sflag:s8] =	dma.local @!p0 [hbm:s6], $0xF7A  }
0x23: {  	s9 =	sor.u32 $0xD0000000, s2;
	s6 =	simm.s32 $0x108;
	_ =	swait.ge @!p0 [sflag:s8], $0x0  }
0x24: {  	s3 =	sadd.s32 $0x88, s3;
	s6 =	simm.s32 @!p1 $0x1082;
	[sflag:s4] =	ssyncset.s32 $0xFFFFF086  }
0x25: {  	[simem:s6], [sflag:s4] =	dma.local [hbm:s3], $0xF7A  }
0x26: {  	[smem:$0x3F9C] =	sst s1;
	(tag) =	ssettag s2;
	_ =	strace s9  }
0x27: {  	s1 =	sld [smem:$0x3FAC]  }
0x28: {  	s2 =	sld [smem:$0x3FAD]  }
0x29: {  	s4 =	sld [smem:$0x3FAF]  }
0x2a: {  	p0 =	seq.s32 s5, $0x0;
	s5 =	sld [smem:$0x3FB0]  }
0x2b: {  	s6 =	sld [smem:$0x3FB1]  }
0x2c: {  	s7 =	sld [smem:$0x3FB2]  }
0x2d: {  	s3 =	simm.s32 $0x108;
	s8 =	sld [smem:$0x3FB3]  }
0x2e: {  	s3 =	simm.s32 @!p0 $0x1082;
	s9 =	sld [smem:$0x3FB4]  }
0x2f: {  	lr =	sadd.s32 s0, s3;
	s0 =	sld [smem:$0x3FAB]  }
0x30: {  	s3 =	sld [smem:$0x3FAE]  }
0x31: {  	[smem:$0x3FB7] =	sst s10  }
0x32: {  	s10 =	sld [smem:$0x3FB5];
	_ =	sdelay $0x3  }
0x33: {  	p0 =	seq.s32 s10, $0x1;
	s10 =	sld [smem:$0x3FB7];
	_ =	sdelay $0x3  }
0x34: {  	[smem:$0x3FB7] =	sst s10  }
0x35: {  	s10 =	sld [smem:$0x3FB6];
	_ =	sdelay $0x3  }
0x36: {  	p1 =	seq.s32 s10, $0x1;
	s10 =	sld [smem:$0x3FB7];
	_ =	sdelay $0x3  }
0x37: {  	[smem:$0x3FB7] =	sst s10  }
0x38: {  	s10 =	sld [smem:$0x3FB8]  }
0x39: {  	_ = 	snop;
	(pc) =	sbr.ind lr, $3  }
0x3a: {  	_ = 	snop  }
0x3b: {  	_ = 	snop  }
0x3c: {  	p2 =	seq.s32 s10, $0x1;
	s10 =	sld [smem:$0x3FB7]  }
0x3d: {  	_ =	shalt  }
0x3e: {  	_ =	shalt  }
0x3f: {  	_ =	shalt  }
0x40: {  	_ =	shalt  }
0x41: {  	_ =	shalt  }
0x42: {  	_ =	shalt  }
0x43: {  	_ =	shalt  }
0x44: {  	_ =	shalt  }
0x45: {  	_ =	shalt  }
0x46: {  	_ =	shalt  }
0x47: {  	_ =	shalt  }
0x48: {  	_ =	shalt  }
0x49: {  	_ =	shalt  }
0x4a: {  	_ =	shalt  }
0x4b: {  	_ =	shalt  }
0x4c: {  	_ =	shalt  }
0x4d: {  	_ =	shalt  }
0x4e: {  	_ =	shalt  }
0x4f: {  	_ =	shalt  }
0x50: {  	_ =	shalt  }
0x51: {  	_ =	shalt  }
0x52: {  	_ =	shalt  }
0x53: {  	_ =	shalt  }
0x54: {  	_ =	shalt  }
0x55: {  	_ =	shalt  }
0x56: {  	_ =	shalt  }
0x57: {  	_ =	shalt  }
0x58: {  	_ =	shalt  }
0x59: {  	_ =	shalt  }
0x5a: {  	_ =	shalt  }
0x5b: {  	_ =	shalt  }
0x5c: {  	_ =	shalt  }
0x5d: {  	_ =	shalt  }
0x5e: {  	_ =	shalt  }
0x5f: {  	_ =	shalt  }
0x60: {  	_ =	shalt  }
0x61: {  	_ =	shalt  }
0x62: {  	_ =	shalt  }
0x63: {  	_ =	shalt  }
0x64: {  	_ =	shalt  }
0x65: {  	_ =	shalt  }
0x66: {  	_ =	shalt  }
0x67: {  	_ =	shalt  }
0x68: {  	_ =	shalt  }
0x69: {  	_ =	shalt  }
0x6a: {  	_ =	shalt  }
0x6b: {  	_ =	shalt  }
0x6c: {  	_ =	shalt  }
0x6d: {  	_ =	shalt  }
0x6e: {  	_ =	shalt  }
0x6f: {  	_ =	shalt  }
0x70: {  	_ =	shalt  }
0x71: {  	_ =	shalt  }
0x72: {  	_ =	shalt  }
0x73: {  	_ =	shalt  }
0x74: {  	_ =	shalt  }
0x75: {  	_ =	shalt  }
0x76: {  	_ =	shalt  }
0x77: {  	_ =	shalt  }
0x78: {  	_ =	shalt  }
0x79: {  	_ =	shalt  }
0x7a: {  	_ =	shalt  }
0x7b: {  	_ =	shalt  }
0x7c: {  	_ =	shalt  }
0x7d: {  	_ =	shalt  }
0x7e: {  	_ =	shalt  }
0x7f: {  	_ =	shalt  }
0x80: {  	_ =	shalt  }
0x81: {  	_ =	shalt  }
0x82: {  	_ =	shalt  }
0x83: {  	_ =	shalt  }
0x84: {  	_ =	shalt  }
0x85: {  	_ =	shalt  }
0x86: {  	_ =	shalt  }
0x87: {  	_ =	shalt  }
.Lfunc_end0:
.L_simem_size_0:
called_computation.1_lowered:
.L_overlay_start_0:
0x88: {  	s2 =	sld [smem:$0x3FD9]  }
0x89: {  	s3 =	sld [smem:$0x3FFE];
	_ =	sdelay $0x1  }
0x8a: {  	s1 =	srdreg.scid  }
0x8b: {  	s0 =	sand.u32 $0x1, s1  }
0x8c: {  	s16 =	sshll.u32 s0, $0xA;
	s2 =	sadd.s32 s3, s2  }
0x8d: {  	s2 =	sadd.s32 s2, s16  }
0x8e: {  	[smem:$0x3FC3] =	sst s2  }
0x8f: {  	_ = 	snop  }
0x90: {  	(tm) =	ssettm $0x1  }
0x91: {  	s17 =	sld [smem:$0x3FFB];
	_ =	sdelay $0x3  }
0x92: {  	_ =	strace s17  }
0x93: {  	s2 =	sld [smem:$0x3FFC];
	_ =	sdelay $0x3  }
0x94: {  	_ =	strace s2  }
0x95: {  	s2 =	sld [smem:$0x3FFD];
	_ =	sdelay $0x3  }
0x96: {  	_ =	strace s2  }
0x97: {  	_ =	strace $0x8FFFFFFF  }
0x98: {  	s18 =	sld [smem:$0x3FDB];
	_ =	sdelay $0x1  }
0x99: {  	s19 =	simm.s32 $_scs_section_size  }
0x9a: {  	s4 =	simm.s32 $_size__tile_overlayer_lowered;
	s5 =	simm.s32 $_tile_overlayer_lowered  }
0x9b: {  	s22 =	simm.s32 $0x1BFF;
	s21 =	sshll.u32 s5, $0x1;
	s2 =	sadd.s32 s19, s18  }
0x9c: {  	s6 =	simm.s32 $0x0;
	s20 =	sshll.u32 s4, $0x1;
	s4 =	sadd.s32 s21, s2  }
0x9d: {  	[timem:s6], [sflag:s22] =	dma.local [hbm:s4], s20  }
0x9e: {  	_ =	swait.ge [sflag:s22], s20  }
0x9f: {  	s3 =	ssub.s32 $0x0, s20;
	[sflag:s22] =	ssyncset.done $0x0  }
0xa0: {  	[sflag:s22] =	ssyncadd.s32 s3;
	_ =	sdelay $0x1  }
0xa1: {  	s23 =	simm.s32 $0x1B8B  }
0xa2: {  	_ =	swait.ge [sflag:s23], $0x1  }
0xa3: {  	[sflag:s23] =	ssyncset.done $0x0  }
0xa4: {  	s25 =	simm.s32 $0x1B8E;
	s24 =	sld [smem:$0x3FFE];
	[sflag:s23] =	ssyncadd.s32 $0xFFFFFFFF  }
0xa5: {  	s26 =	simm.s32 $execute0_lowered;
	[smem:$0x3FD2] =	sst s25  }
0xa6: {  	s4 =	sshll.u32 s26, $0x1;
	_ =	strace $0x80000049;
	[dreg:$0x1] =	wrdreg $0xFFFFFFFF  }
0xa7: {  	s28 =	simm.s32 $_size_execute0_lowered;
	s2 =	sadd.s32 s2, s4;
	[dreg:$0x0] =	wrdreg $0x0  }
0xa8: {  	s4 =	sshll.u32 s28, $0x1;
	[dreg:$0x2] =	wrdreg s2  }
0xa9: {  	[dreg:$0x3] =	wrdreg s4  }
0xaa: {  	[dreg:$0x4] =	wrdreg $0xC0  }
0xab: {  	_ =	task [dreg:s6], $0x5FFFF  }
0xac: {  	[dreg:$0x1] =	wrdreg $0xFFFFFFFF  }
0xad: {  	[dreg:$0x0] =	wrdreg $0x60  }
0xae: {  	[dreg:$0x2] =	wrdreg s24  }
0xaf: {  	[dreg:$0x3] =	wrdreg $0xAC800  }
0xb0: {  	[dreg:$0x4] =	wrdreg $0xB4800  }
0xb1: {  	[dreg:$0x5] =	wrdreg $0x9  }
0xb2: {  	_ =	task.clear_ibuf [dreg:s6], $0x6FFFF;
	_ =	strace $0x90000049  }
0xb3: {  	s29 =	simm.s32 $0x9;
	_ =	strace $0x8000004B  }
0xb4: {  	_ =	swait.ge [sflag:s29], $0x1  }
0xb5: {  	[sflag:s29] =	ssyncadd.s32 $0xFFFFFFFF  }
0xb6: {  	_ =	strace $0x9000004B  }
0xb7: {  	_ =	sfence  }
0xb8: {  	s30 =	sld [smem:$0x0];
	_ =	sdelay $0x2  }
0xb9: {  	s31 =	sshll.u32 s1, $0xD;
	s1 =	sshrl.u32 s1, $0x2  }
0xba: {  	s3 =	sand.u32 $0x4000, s31;
	s1 =	sadd.s32 s1, s30  }
0xbb: {  	s0 =	sor.u32 s3, s0;
	s1 =	sshll.u32 s1, $0x11  }
0xbc: {  	s0 =	sor.u32 s1, s0  }
0xbd: {  	s0 =	sadd.s32 $0x8F2B, s0  }
0xbe: {  	[sflag:s0] =	ssyncadd.remote.s32 $0x1  }
0xbf: {  	_ =	sfence.sel $0xFFFF  }
0xc0: {  	[dreg:$0x0] =	wrdreg $0xFFFFFFFF;
	(pc) =	sbr.abs _section_cstart, $3  }
0xc1: {  	[dreg:$0x1] =	wrdreg $0xFFFFFFFF  }
0xc2: {  	_ =	task.clear_ibuf [dreg:s6], $0x2FFFF;
	_ =	strace $0x9FFFFFFF  }
0xc3: {  	(tm) =	ssettm $0x7FFFFFFF  }
tec
execute0_lowered:
.L_overlay_start_1:
0x0: {  	(tag) =	ssettag $0x1  }
0x1: {  	s11 =	rddreg [dreg:$0x0]  }
0x2: {  	s0 =	rddreg [dreg:$0x1]  }
0x3: {  	s30 =	rddreg [dreg:$0x2];
	s31 =	simm.s32 $0x0;
	s3 =	srdreg.scid  }
0x4: {  	s1 =	stileid.u32;
	s15 =	simm.s32 $0x80;
	s16 =	simm.s32 $0x400  }
0x5: {  	s17 =	simm.s32 $0x1;
	s18 =	simm.s32 $0x8000;
	s19 =	simm.s32 $0x200  }
0x6: {  	s20 =	simm.s32 $0xA000;
	s22 =	simm.s32 $0xAC00;
	s23 =	simm.s32 $0xA400  }
0x7: {  	s24 =	simm.s32 $0xA800;
	[smem:$0x7FF] =	sst s31;
	s3 =	sand.u32 $0x1, s3  }
0x8: {  	s5 =	sadd.s32 $0x204000, s11;
	s6 =	sadd.s32 $0x200000, s11;
	s8 =	sshll.u32 s1, $0x11  }
0x9: {  	s10 =	sshll.u32 s1, $0xB;
	s26 =	sshll.u32 s1, $0x7;
	s13 =	sshll.u32 s1, $0xA  }
0xa: {  	_ =	strace $0x8000004A;
	s4 =	ssub.s32 $0x2, s3;
	s10 =	sadd.s32 s10, s0  }
0xb: {  	s0 =	sadd.s32 s26, s0;
	s28 =	sadd.s32 s26, s30;
	s7 =	sshrl.u32 s4, $0x1  }
0xc: {  	[dreg:$0x5] =	wrdreg s0;
	s4 =	ssub.s32 s4, s7;
	s7 =	sshll.u32 s3, $0x6  }
0xd: {  	v1 =	vlaneseq.u32;
	[dreg:$0x6] =	wrdreg s28;
	s3 =	sadd.s32 s11, s7;
	s29 =	smax.u32 s4, $0x1  }
0xe: {  	v0 =	vimm.s32 $0x0;
	v2 =	vimm.f32 $-1.000000000e+00;
	p0 =	sgt.u32 s1, $0x3;
	v1 =	vmul.u32 $0x200, v1;
	s9 =	sadd.s32 s8, s3;
	[dreg:$0x7] =	wrdreg s29  }
.LBB2_1:
0xf: {  	s25 =	simm.s32 $0x0  }
.LBB2_2:
0x10: {  	s0 =	simm.s32 $0x40;
	s3 =	simm.s32 $0x0  }
.LBB2_3:
0x11: {  	p1 =	seq.s32 s0, $0x7FC0;
	[tilespmem:s3+$0x8000] =	vst v0;
	s3 =	smov.u32 s0;
	s0 =	sadd.s32 $0x40, s0  }
.Ltmp0:
0x12: {  	(pc) =	sbr.rel @!p1 .LBB2_3-.Ltmp0, $2  }
0x13: {  	_ =	sdelay $0x2  }
0x14: {  	s3 =	sshra.s32 s3, $0x2  }
0x15: {  	s0 =	sshll.u32 s25, $0x4  }
0x16: {  	[tilespmem:s3+$0x8000] =	vst v0;
	s29 =	simm.s32 $0x0;
	s26 =	sadd.s32 s0, s9  }
0x17: {  	[tilespmem:s29], [sflag:$0x1] =	stream.strided.gather [hbm4b:s26+s15], $0x8000, s16, s15, $0x38;
	[tilespmem:$0xB4A0] =	vst v63  }
0x18: {  	_ =	swait.ge [sflag:s17], $0x8000  }
0x19: {  	[sflag:s17] =	ssyncset.done $0x0  }
0x1a: {  	s3 =	simm.s32 $0x0;
	s0 =	simm.s32 $0x40;
	[sflag:s17] =	ssyncadd.s32 $0xFFFF8000  }
.LBB2_5:
0x1b: {  	p1 =	sne.s32 s0, $0x1FFC0;
	v3 =	vld [tilespmem:s3+$0x0];
	_ =	sdelay $0x4  }
0x1c: {  	v3 =	vmul.f32 $5.120000000e+02, v3;
	_ =	sdelay $0x1  }
0x1d: {  	v3 =	vtrunc.f32 v3  }
0x1e: {  	v3 =	vcvt.f32.s32 v3;
	_ =	sdelay $0x1  }
0x1f: {  	vm0 =	vlt.s32 v3, $0x1FF  }
0x20: {  	v3 =	vnsel vm0, $0x1FF, v3  }
0x21: {  	v3 =	vadd.s32 v1, v3;
	_ =	sdelay $0x4  }
0x22: {  	v4 =	vld.idx.msk [tilespmem:v3+s18+$0x0], $0xffff;
	_ =	sdelay $0x2  }
.Ltmp1:
0x23: {  	(pc) =	sbr.rel @p1 .LBB2_5-.Ltmp1, $3  }
0x24: {  	_ =	sdelay $0x1  }
0x25: {  	v4 =	vadd.s32 $0x1, v4  }
0x26: {  	s3 =	sshra.s32 s0, $0x2;
	s0 =	sadd.s32 $0x40, s0;
	[tilespmem:v3+s18+$0x0] =	vst.idx.msk $0xffff, v4  }
0x27: {  	v3 =	vld [tilespmem:s3+$0x0];
	_ =	sdelay $0x4  }
0x28: {  	v3 =	vmul.f32 $5.120000000e+02, v3;
	_ =	sdelay $0x1  }
0x29: {  	v3 =	vtrunc.f32 v3  }
0x2a: {  	v3 =	vcvt.f32.s32 v3;
	_ =	sdelay $0x1  }
0x2b: {  	vm0 =	vlt.s32 v3, $0x1FF  }
0x2c: {  	v3 =	vnsel vm0, $0x1FF, v3  }
0x2d: {  	v3 =	vadd.s32 v1, v3;
	_ =	sdelay $0x4  }
0x2e: {  	v4 =	vld.idx.msk [tilespmem:v3+s18+$0x0], $0xffff;
	_ =	sdelay $0x4  }
0x2f: {  	v4 =	vadd.s32 $0x1, v4  }
0x30: {  	s0 =	sadd.s32 $0x8000, s26;
	s29 =	simm.s32 $0x0;
	[tilespmem:v3+s18+$0x0] =	vst.idx.msk $0xffff, v4  }
0x31: {  	[tilespmem:s29], [sflag:$0x1] =	stream.strided.gather [hbm4b:s0+s15], $0x8000, s16, s15, $0x38;
	[tilespmem:$0xB4A0] =	vst v63  }
0x32: {  	_ =	swait.ge [sflag:s17], $0x8000  }
0x33: {  	[sflag:s17] =	ssyncset.done $0x0  }
0x34: {  	s3 =	simm.s32 $0x0;
	s0 =	simm.s32 $0x40;
	[sflag:s17] =	ssyncadd.s32 $0xFFFF8000  }
.LBB2_7:
0x35: {  	p1 =	sne.s32 s0, $0x1FFC0;
	v3 =	vld [tilespmem:s3+$0x0];
	_ =	sdelay $0x4  }
0x36: {  	v3 =	vmul.f32 $5.120000000e+02, v3;
	_ =	sdelay $0x1  }
0x37: {  	v3 =	vtrunc.f32 v3  }
0x38: {  	v3 =	vcvt.f32.s32 v3;
	_ =	sdelay $0x1  }
0x39: {  	vm0 =	vlt.s32 v3, $0x1FF  }
0x3a: {  	v3 =	vnsel vm0, $0x1FF, v3  }
0x3b: {  	v3 =	vadd.s32 v1, v3;
	_ =	sdelay $0x4  }
0x3c: {  	v4 =	vld.idx.msk [tilespmem:v3+s18+$0x0], $0xffff;
	_ =	sdelay $0x2  }
.Ltmp2:
0x3d: {  	(pc) =	sbr.rel @p1 .LBB2_7-.Ltmp2, $3  }
0x3e: {  	_ =	sdelay $0x1  }
0x3f: {  	v4 =	vadd.s32 $0x1, v4  }
0x40: {  	s3 =	sshra.s32 s0, $0x2;
	s0 =	sadd.s32 $0x40, s0;
	[tilespmem:v3+s18+$0x0] =	vst.idx.msk $0xffff, v4  }
0x41: {  	v3 =	vld [tilespmem:s3+$0x0];
	_ =	sdelay $0x4  }
0x42: {  	v3 =	vmul.f32 $5.120000000e+02, v3;
	_ =	sdelay $0x1  }
0x43: {  	v3 =	vtrunc.f32 v3  }
0x44: {  	v3 =	vcvt.f32.s32 v3;
	_ =	sdelay $0x1  }
0x45: {  	vm0 =	vlt.s32 v3, $0x1FF  }
0x46: {  	v3 =	vnsel vm0, $0x1FF, v3  }
0x47: {  	v3 =	vadd.s32 v1, v3;
	_ =	sdelay $0x4  }
0x48: {  	v4 =	vld.idx.msk [tilespmem:v3+s18+$0x0], $0xffff;
	_ =	sdelay $0x4  }
0x49: {  	v4 =	vadd.s32 $0x1, v4  }
0x4a: {  	s0 =	sadd.s32 $0x10000, s26;
	s29 =	simm.s32 $0x0;
	[tilespmem:v3+s18+$0x0] =	vst.idx.msk $0xffff, v4  }
0x4b: {  	[tilespmem:s29], [sflag:$0x1] =	stream.strided.gather [hbm4b:s0+s15], $0x8000, s16, s15, $0x38;
	[tilespmem:$0xB4A0] =	vst v63  }
0x4c: {  	_ =	swait.ge [sflag:s17], $0x8000  }
0x4d: {  	[sflag:s17] =	ssyncset.done $0x0  }
0x4e: {  	s3 =	simm.s32 $0x0;
	s0 =	simm.s32 $0x40;
	[sflag:s17] =	ssyncadd.s32 $0xFFFF8000  }
.LBB2_9:
0x4f: {  	p1 =	sne.s32 s0, $0x1FFC0;
	v3 =	vld [tilespmem:s3+$0x0];
	_ =	sdelay $0x4  }
0x50: {  	v3 =	vmul.f32 $5.120000000e+02, v3;
	_ =	sdelay $0x1  }
0x51: {  	v3 =	vtrunc.f32 v3  }
0x52: {  	v3 =	vcvt.f32.s32 v3;
	_ =	sdelay $0x1  }
0x53: {  	vm0 =	vlt.s32 v3, $0x1FF  }
0x54: {  	v3 =	vnsel vm0, $0x1FF, v3  }
0x55: {  	v3 =	vadd.s32 v1, v3;
	_ =	sdelay $0x4  }
0x56: {  	v4 =	vld.idx.msk [tilespmem:v3+s18+$0x0], $0xffff;
	_ =	sdelay $0x2  }
.Ltmp3:
0x57: {  	(pc) =	sbr.rel @p1 .LBB2_9-.Ltmp3, $3  }
0x58: {  	_ =	sdelay $0x1  }
0x59: {  	v4 =	vadd.s32 $0x1, v4  }
0x5a: {  	s3 =	sshra.s32 s0, $0x2;
	s0 =	sadd.s32 $0x40, s0;
	[tilespmem:v3+s18+$0x0] =	vst.idx.msk $0xffff, v4  }
0x5b: {  	v3 =	vld [tilespmem:s3+$0x0];
	_ =	sdelay $0x4  }
0x5c: {  	v3 =	vmul.f32 $5.120000000e+02, v3;
	_ =	sdelay $0x1  }
0x5d: {  	v3 =	vtrunc.f32 v3  }
0x5e: {  	v3 =	vcvt.f32.s32 v3;
	_ =	sdelay $0x1  }
0x5f: {  	vm0 =	vlt.s32 v3, $0x1FF  }
0x60: {  	v3 =	vnsel vm0, $0x1FF, v3  }
0x61: {  	v3 =	vadd.s32 v1, v3;
	_ =	sdelay $0x4  }
0x62: {  	v4 =	vld.idx.msk [tilespmem:v3+s18+$0x0], $0xffff;
	_ =	sdelay $0x4  }
0x63: {  	v4 =	vadd.s32 $0x1, v4  }
0x64: {  	s29 =	sadd.s32 $0x18000, s26;
	s0 =	simm.s32 $0x0;
	[tilespmem:v3+s18+$0x0] =	vst.idx.msk $0xffff, v4  }
0x65: {  	[tilespmem:s0], [sflag:$0x1] =	stream.strided.gather [hbm4b:s29+s15], $0x8000, s16, s15, $0x38;
	[tilespmem:$0xB4A0] =	vst v63  }
0x66: {  	_ =	swait.ge [sflag:s17], $0x8000  }
0x67: {  	[sflag:s17] =	ssyncset.done $0x0  }
0x68: {  	s3 =	simm.s32 $0x0;
	[sflag:s17] =	ssyncadd.s32 $0xFFFF8000  }
.LBB2_11:
0x69: {  	s4 =	sshra.s32 s3, $0x2  }
0x6a: {  	v3 =	vld [tilespmem:s4+$0x0];
	_ =	sdelay $0x4  }
0x6b: {  	v3 =	vmul.f32 $5.120000000e+02, v3;
	_ =	sdelay $0x1  }
0x6c: {  	v3 =	vtrunc.f32 v3  }
0x6d: {  	v3 =	vcvt.f32.s32 v3;
	_ =	sdelay $0x1  }
0x6e: {  	vm0 =	vlt.s32 v3, $0x1FF  }
0x6f: {  	v3 =	vnsel vm0, $0x1FF, v3  }
0x70: {  	v3 =	vadd.s32 v1, v3;
	_ =	sdelay $0x3  }
0x71: {  	s4 =	simm.s32 $0x8000  }
0x72: {  	v4 =	vld.idx.msk [tilespmem:v3+s4+$0x0], $0xffff  }
0x73: {  	p1 =	sne.s32 s3, $0x1FFC0  }
.Ltmp4:
0x74: {  	_ = 	snop;
	(pc) =	sbr.rel @p1 .LBB2_11-.Ltmp4, $3  }
0x75: {  	_ =	sdelay $0x1  }
0x76: {  	v4 =	vadd.s32 $0x1, v4  }
0x77: {  	s3 =	sadd.s32 $0x40, s3;
	[tilespmem:v3+s4+$0x0] =	vst.idx.msk $0xffff, v4  }
0x78: {  	s0 =	sand.u32 $0x1F0, s0;
	v4 =	vld [tilespmem:s4+$0x0]  }
0x79: {  	v3 =	vld [tilespmem:s0+$0x8200]  }
0x7a: {  	v5 =	vld [tilespmem:s0+$0x8400]  }
0x7b: {  	v6 =	vld [tilespmem:s0+$0x8600]  }
0x7c: {  	v7 =	vld [tilespmem:s0+$0x8800]  }
0x7d: {  	v8 =	vld [tilespmem:s0+$0x8A00]  }
0x7e: {  	v3 =	vadd.s32 v4, v3;
	v4 =	vld [tilespmem:s0+$0x8C00]  }
0x7f: {  	v3 =	vadd.s32 v5, v3;
	v5 =	vld [tilespmem:s0+$0x8E00]  }
0x80: {  	v58 =	vld [tilespmem:s0+$0x9000];
	v3 =	vadd.s32 v6, v3  }
0x81: {  	v59 =	vld [tilespmem:s0+$0x9200];
	v3 =	vadd.s32 v7, v3  }
0x82: {  	v60 =	vld [tilespmem:s0+$0x9400];
	v3 =	vadd.s32 v8, v3  }
0x83: {  	v3 =	vadd.s32 v4, v3;
	v4 =	vld [tilespmem:s0+$0x9600]  }
0x84: {  	v3 =	vadd.s32 v5, v3;
	v5 =	vld [tilespmem:s0+$0x9800]  }
0x85: {  	v61 =	vld [tilespmem:s0+$0x9A00];
	v3 =	vadd.s32 v58, v3  }
0x86: {  	v62 =	vld [tilespmem:s0+$0x9C00];
	v3 =	vadd.s32 v59, v3  }
0x87: {  	v63 =	vld [tilespmem:s0+$0x9E00];
	v3 =	vadd.s32 v60, v3  }
0x88: {  	v3 =	vadd.s32 v4, v3  }
0x89: {  	v3 =	vadd.s32 v5, v3  }
0x8a: {  	v3 =	vadd.s32 v61, v3  }
0x8b: {  	v3 =	vadd.s32 v62, v3  }
0x8c: {  	s3 =	simm.s32 $0x10;
	s0 =	simm.s32 $0xA000;
	v3 =	vadd.s32 v63, v3  }
0x8d: {  	s4 =	sand.u32 $0x1F0, s3;
	[tilespmem:s0+$0x0] =	vst v3  }
0x8e: {  	s14 =	simm.s32 $0x20;
	s12 =	simm.s32 $0x8010;
	v3 =	vld [tilespmem:s4+$0x8200]  }
.LBB2_13:
0x8f: {  	p1 =	sne.s32 s14, $0x1F0;
	v4 =	vld [tilespmem:s12+$0x0]  }
0x90: {  	v5 =	vld [tilespmem:s4+$0x8400]  }
0x91: {  	v6 =	vld [tilespmem:s4+$0x8600]  }
0x92: {  	v7 =	vld [tilespmem:s4+$0x8800]  }
0x93: {  	v8 =	vld [tilespmem:s4+$0x8A00]  }
0x94: {  	v3 =	vadd.s32 v4, v3;
	v4 =	vld [tilespmem:s4+$0x8C00]  }
0x95: {  	v3 =	vadd.s32 v5, v3;
	v5 =	vld [tilespmem:s4+$0x8E00]  }
0x96: {  	v3 =	vadd.s32 v6, v3;
	v6 =	vld [tilespmem:s4+$0x9000]  }
0x97: {  	v3 =	vadd.s32 v7, v3;
	v7 =	vld [tilespmem:s4+$0x9200]  }
0x98: {  	v3 =	vadd.s32 v8, v3;
	v8 =	vld [tilespmem:s4+$0x9400]  }
0x99: {  	v3 =	vadd.s32 v4, v3;
	v4 =	vld [tilespmem:s4+$0x9600]  }
0x9a: {  	v3 =	vadd.s32 v5, v3;
	v5 =	vld [tilespmem:s4+$0x9800]  }
0x9b: {  	v3 =	vadd.s32 v6, v3;
	v6 =	vld [tilespmem:s4+$0x9A00]  }
0x9c: {  	v3 =	vadd.s32 v7, v3;
	v7 =	vld [tilespmem:s4+$0x9C00]  }
0x9d: {  	v3 =	vadd.s32 v8, v3;
	v8 =	vld [tilespmem:s4+$0x9E00]  }
0x9e: {  	v3 =	vadd.s32 v4, v3  }
0x9f: {  	v3 =	vadd.s32 v5, v3  }
.Ltmp5:
0xa0: {  	v3 =	vadd.s32 v6, v3;
	(pc) =	sbr.rel @p1 .LBB2_13-.Ltmp5, $4  }
0xa1: {  	v3 =	vadd.s32 v7, v3  }
0xa2: {  	s0 =	sadd.s32 $0x10, s0;
	v3 =	vadd.s32 v8, v3  }
0xa3: {  	s4 =	sand.u32 $0x1F0, s14;
	[tilespmem:s0+$0x0] =	vst v3  }
0xa4: {  	s12 =	sadd.s32 $0x10, s12;
	s14 =	sadd.s32 $0x10, s14;
	v3 =	vld [tilespmem:s4+$0x8200]  }
0xa5: {  	v4 =	vld [tilespmem:s12+$0x0]  }
0xa6: {  	v5 =	vld [tilespmem:s4+$0x8400]  }
0xa7: {  	v6 =	vld [tilespmem:s4+$0x8600]  }
0xa8: {  	v7 =	vld [tilespmem:s4+$0x8800]  }
0xa9: {  	v8 =	vld [tilespmem:s4+$0x8A00]  }
0xaa: {  	v54 =	vld [tilespmem:s4+$0x8C00];
	v3 =	vadd.s32 v4, v3  }
0xab: {  	v55 =	vld [tilespmem:s4+$0x8E00];
	v3 =	vadd.s32 v5, v3  }
0xac: {  	v56 =	vld [tilespmem:s4+$0x9000];
	v3 =	vadd.s32 v6, v3  }
0xad: {  	v57 =	vld [tilespmem:s4+$0x9200];
	v3 =	vadd.s32 v7, v3  }
0xae: {  	v58 =	vld [tilespmem:s4+$0x9400];
	v3 =	vadd.s32 v8, v3  }
0xaf: {  	v59 =	vld [tilespmem:s4+$0x9600];
	v3 =	vadd.s32 v54, v3  }
0xb0: {  	v60 =	vld [tilespmem:s4+$0x9800];
	v3 =	vadd.s32 v55, v3  }
0xb1: {  	v61 =	vld [tilespmem:s4+$0x9A00];
	v3 =	vadd.s32 v56, v3  }
0xb2: {  	v62 =	vld [tilespmem:s4+$0x9C00];
	v3 =	vadd.s32 v57, v3  }
0xb3: {  	v63 =	vld [tilespmem:s4+$0x9E00];
	v3 =	vadd.s32 v58, v3  }
0xb4: {  	v3 =	vadd.s32 v59, v3  }
0xb5: {  	v3 =	vadd.s32 v60, v3  }
0xb6: {  	v3 =	vadd.s32 v61, v3  }
0xb7: {  	s3 =	sshll.u32 s25, $0x7;
	s25 =	sadd.s32 $0x1, s25;
	v3 =	vadd.s32 v62, v3  }
0xb8: {  	s0 =	sadd.s32 $0x10, s0;
	s3 =	sand.u32 $0x3FFFFF80, s3;
	p1 =	sne.s32 s25, $0x4;
	v3 =	vadd.s32 v63, v3  }
.Ltmp6:
0xb9: {  	s29 =	sadd.s32 s3, s10;
	[tilespmem:s0+$0x0] =	vst v3;
	(pc) =	sbr.rel @p1 .LBB2_2-.Ltmp6, $4  }
0xba: {  	[spmem:s29] =	stream.strided.scatter [tilespmem:s20], [sflag:$0x1], $0x200, s19, s15, $0x38;
	[tilespmem:$0xB4A0] =	vst v63  }
0xbb: {  	_ =	swait.ge [sflag:s17], $0x200  }
0xbc: {  	[sflag:s17] =	ssyncset.done $0x0  }
0xbd: {  	[sflag:s17] =	ssyncadd.s32 $0xFFFFFE00  }
.Ltmp7:
0xbe: {  	(pc) =	sbr.rel @p0 .LBB2_23-.Ltmp7, $2  }
0xbf: {  	_ =	sdelay $0x1  }
0xc0: {  	[bflag:$0x0] =	sbarrier.arrive $0xFFFF;
	_ =	sdelay $0x1  }
0xc1: {  	[tilespmem:$0xA000] =	vst v0  }
0xc2: {  	[tilespmem:$0xA010] =	vst v0  }
0xc3: {  	[tilespmem:$0xA020] =	vst v0  }
0xc4: {  	[tilespmem:$0xA030] =	vst v0  }
0xc5: {  	[tilespmem:$0xA040] =	vst v0  }
0xc6: {  	[tilespmem:$0xA050] =	vst v0  }
0xc7: {  	[tilespmem:$0xA060] =	vst v0  }
0xc8: {  	[tilespmem:$0xA070] =	vst v0  }
0xc9: {  	[tilespmem:$0xA080] =	vst v0  }
0xca: {  	[tilespmem:$0xA090] =	vst v0  }
0xcb: {  	[tilespmem:$0xA0A0] =	vst v0  }
0xcc: {  	[tilespmem:$0xA0B0] =	vst v0  }
0xcd: {  	[tilespmem:$0xA0C0] =	vst v0  }
0xce: {  	[tilespmem:$0xA0D0] =	vst v0  }
0xcf: {  	[tilespmem:$0xA0E0] =	vst v0  }
0xd0: {  	[tilespmem:$0xA0F0] =	vst v0  }
0xd1: {  	[tilespmem:$0xA100] =	vst v0  }
0xd2: {  	[tilespmem:$0xA110] =	vst v0  }
0xd3: {  	[tilespmem:$0xA120] =	vst v0  }
0xd4: {  	[tilespmem:$0xA130] =	vst v0  }
0xd5: {  	[tilespmem:$0xA140] =	vst v0  }
0xd6: {  	[tilespmem:$0xA150] =	vst v0  }
0xd7: {  	[tilespmem:$0xA160] =	vst v0  }
0xd8: {  	[tilespmem:$0xA170] =	vst v0  }
0xd9: {  	[tilespmem:$0xA180] =	vst v0  }
0xda: {  	[tilespmem:$0xA190] =	vst v0  }
0xdb: {  	[tilespmem:$0xA1A0] =	vst v0  }
0xdc: {  	[tilespmem:$0xA1B0] =	vst v0  }
0xdd: {  	[tilespmem:$0xA1C0] =	vst v0  }
0xde: {  	[tilespmem:$0xA1D0] =	vst v0  }
0xdf: {  	[tilespmem:$0xA1E0] =	vst v0  }
0xe0: {  	[tilespmem:$0xA1F0] =	vst v0;
	s0 =	simm.s32 $0x0;
	s1 =	rddreg [dreg:$0x5];
	s2 =	simm.s32 $0xA200  }
.LBB2_17:
0xe1: {  	s3 =	sshll.u32 s0, $0xB  }
0xe2: {  	s3 =	sand.u32 $0x3FFFF800, s3  }
0xe3: {  	s3 =	sadd.s32 s3, s1  }
0xe4: {  	[tilespmem:s2], [sflag:$0x1] =	stream.strided.gather [spmem:s3], $0x200, s19, s15, $0x38;
	[tilespmem:$0xB4A0] =	vst v63  }
0xe5: {  	_ =	swait.ge [sflag:s17], $0x200  }
0xe6: {  	[sflag:s17] =	ssyncset.done $0x0  }
0xe7: {  	s3 =	simm.s32 $0x0;
	[sflag:s17] =	ssyncadd.s32 $0xFFFFFE00  }
0xe8: {  	s4 =	simm.s32 $0x40;
	v3 =	vld [tilespmem:s3+$0xA200]  }
.LBB2_18:
0xe9: {  	p1 =	sne.s32 s4, $0x7C0;
	v4 =	vld [tilespmem:s3+$0xA000];
	_ =	sdelay $0x1  }
.Ltmp8:
0xea: {  	(pc) =	sbr.rel @p1 .LBB2_18-.Ltmp8, $3  }
0xeb: {  	_ =	sdelay $0x1  }
0xec: {  	s12 =	sshra.s32 s4, $0x2;
	v4 =	vadd.s32 v4, v3  }
0xed: {  	s4 =	sadd.s32 $0x40, s4;
	v3 =	vld [tilespmem:s12+$0xA200];
	[tilespmem:s3+$0xA000] =	vst v4;
	s3 =	smov.u32 s12  }
0xee: {  	v4 =	vld [tilespmem:s3+$0xA000];
	s0 =	sadd.s32 $0x1, s0  }
0xef: {  	p1 =	sne.s32 s0, $0x10  }
.Ltmp9:
0xf0: {  	_ = 	snop;
	(pc) =	sbr.rel @p1 .LBB2_17-.Ltmp9, $3  }
0xf1: {  	_ =	sdelay $0x1  }
0xf2: {  	v3 =	vadd.s32 v4, v3  }
0xf3: {  	[tilespmem:s3+$0xA000] =	vst v3  }
0xf4: {  	s0 =	simm.s32 $0xA1F0  }
0xf5: {  	v6 =	vld [tilespmem:s0+$0x0]  }
0xf6: {  	s3 =	simm.s32 $0xA1E0  }
0xf7: {  	v7 =	vld [tilespmem:s3+$0x0];
	_ =	sdelay $0x2  }
0xf8: {  	s4 =	simm.s32 $0xA1D0;
	(xrf0) =	vadd.scan.msk.s32 $0xffff, v6  }
0xf9: {  	v8 =	vld [tilespmem:s4+$0x0]  }
0xfa: {  	(xrf0) =	vadd.scan.msk.s32 $0xffff, v7;
	_ =	sdelay $0x2  }
0xfb: {  	s11 =	simm.s32 $0xA1C0  }
0xfc: {  	v10 =	vld [tilespmem:s11+$0x0];
	(xrf0) =	vadd.scan.msk.s32 $0xffff, v8;
	v9, _, _ =	vpop (xrf0)  }
0xfd: {  	(v2sf) =	vpush v9, $0xF  }
0xfe: {  	v11, _, _ =	vpop (xrf0)  }
0xff: {  	(v2sf) =	vpush v11, $0xF;
	_ =	sdelay $0x1  }
0x100: {  	(xrf0) =	vadd.scan.msk.s32 $0xffff, v10  }
0x101: {  	v12, _, _ =	vpop (xrf0)  }
0x102: {  	(v2sf) =	vpush v12, $0xF;
	_ =	sdelay $0x3  }
0x103: {  	v13, _, _ =	vpop (xrf0)  }
0x104: {  	s12 =	simm.s32 $0xA1B0;
	(v2sf) =	vpush v13, $0xF  }
0x105: {  	v5 =	vld [tilespmem:s12+$0x0]  }
0x106: {  	s14 =	simm.s32 $0xA1A0  }
0x107: {  	v4 =	vld [tilespmem:s14+$0x0]  }
0x108: {  	s25 =	spop (v2sf)  }
0x109: {  	v6 =	vsub.s32 v6, v9;
	s0 =	sadd.s32 $0x0, s25  }
0x10a: {  	(xrf0) =	vadd.scan.msk.s32 $0xffff, v5;
	s3 =	spop (v2sf);
	v6 =	vadd.s32 s0, v6  }
0x10b: {  	s0 =	sadd.s32 s0, s3;
	vm0 =	vgt.s32 v6, $0x3E7;
	v6 =	vsub.s32 v7, v11  }
0x10c: {  	(xrf0) =	vadd.scan.msk.s32 $0xffff, v4;
	v9 =	vmpcnt.ones.xlane vm0;
	v6 =	vadd.s32 s0, v6  }
0x10d: {  	vm14 =	vgt.s32 v6, $0x3E7  }
0x10e: {  	s26 =	spop (v2sf);
	(v2sf) =	vpush v9, $0x0;
	v9 =	vmpcnt.ones.xlane vm14  }
0x10f: {  	s21 =	simm.s32 $0xA190;
	v8 =	vsub.s32 v8, v12;
	s3 =	sadd.s32 s0, s26  }
0x110: {  	v3 =	vld [tilespmem:s21+$0x0];
	v7, _, _ =	vpop (xrf0);
	v8 =	vadd.s32 s3, v8  }
0x111: {  	vm15 =	vgt.s32 v8, $0x3E7;
	(v2sf) =	vpush v7, $0xF  }
0x112: {  	v8 =	vmpcnt.ones.xlane vm15;
	(v2sf) =	vpush v9, $0x0;
	v9, _, _ =	vpop (xrf0)  }
0x113: {  	s14 =	spop (v2sf);
	(v2sf) =	vpush v9, $0xF  }
0x114: {  	(v2sf) =	vpush v8, $0x0  }
0x115: {  	s4 =	simm.s32 $0xA180;
	(xrf0) =	vadd.scan.msk.s32 $0xffff, v3  }
0x116: {  	v6 =	vld [tilespmem:s4+$0x0]  }
0x117: {  	[dreg:$0x4] =	wrdreg s31  }
0x118: {  	s30 =	simm.s32 $0x1BF;
	s31 =	simm.s32 $0x1AF;
	s29 =	simm.s32 $0x19F  }
0x119: {  	s28 =	simm.s32 $0x18F;
	s11 =	simm.s32 $0xFFFFFFFF;
	s12 =	simm.s32 $0x1EF  }
0x11a: {  	s21 =	simm.s32 $0xA170;
	v10 =	vsub.s32 v10, v13;
	s26 =	simm.s32 $0x17F;
	s14 =	sadd.s32 s3, s14  }
0x11b: {  	s0 =	simm.s32 $0x1CF;
	s4 =	simm.s32 $0x1DF;
	s3 =	simm.s32 $0x16F;
	v10 =	vadd.s32 s14, v10;
	(xrf0) =	vadd.scan.msk.s32 $0xffff, v6;
	v8, _, _ =	vpop (xrf0)  }
.LBB2_21:
0x11c: {  	p1 =	sne.s32 s3, $0xFFFFFFFF  }
0x11d: {  	s1 =	spop (v2sf);
	s2 =	smov.u32 s28;
	s28 =	smov.u32 s26  }
0x11e: {  	v11 =	vld [tilespmem:s21+$0x0];
	(v2sf) =	vpush v8, $0xF;
	vm0 =	vgt.s32 v10, $0x3E7;
	s26 =	smov.u32 s3;
	s3 =	sadd.s32 $0xFFFFFFF0, s3;
	s25 =	smov.u32 s11  }
.Ltmp10:
0x11f: {  	v10 =	vmpcnt.ones.xlane vm0;
	p2 =	sgt.s32 s1, $0x0;
	s1 =	sadd.s32 s12, s1;
	(pc) =	sbr.rel @p1 .LBB2_21-.Ltmp10, $4  }
0x120: {  	p3 =	slt.s32 s11, $0x0;
	s12 =	smov.u32 s4;
	s25 =	smov.u32 @p2 s1  }
0x121: {  	s4 =	smov.u32 s0;
	s1 =	spop (v2sf);
	(v2sf) =	vpush v10, $0x0;
	s11 =	smov.u32 @p3 s25  }
0x122: {  	s0 =	smov.u32 s30;
	s30 =	smov.u32 s31;
	v10 =	vsub.s32 v5, v7;
	v5 =	vmovc v4;
	v4 =	vmovc v3;
	v3 =	vmov v6;
	v7 =	vmov v9;
	s14 =	sadd.s32 s14, s1  }
0x123: {  	s21 =	sadd.s32 $0xFFFFFFF0, s21;
	s31 =	smov.u32 s29;
	s29 =	smov.u32 s2;
	v9 =	vmov v8;
	(xrf0) =	vadd.scan.msk.s32 $0xffff, v11;
	v10 =	vadd.s32 s14, v10;
	v6 =	vmov v11;
	v8, _, _ =	vpop (xrf0)  }
0x124: {  	_ =	sdelay $0x1  }
0x125: {  	vm0 =	vgt.s32 v10, $0x3E7  }
0x126: {  	(v2sf) =	vpush v8, $0xF;
	v10 =	vmpcnt.ones.xlane vm0;
	_ =	sdelay $0x1  }
0x127: {  	(v2sf) =	vpush v10, $0x0;
	v62, _, _ =	vpop (xrf0)  }
0x128: {  	(v2sf) =	vpush v62, $0xF;
	_ =	sdelay $0x4  }
0x129: {  	s1 =	spop (v2sf)  }
0x12a: {  	s2 =	spop (v2sf)  }
0x12b: {  	v5 =	vsub.s32 v5, v7;
	s2 =	sadd.s32 s14, s2  }
0x12c: {  	s3 =	spop (v2sf);
	v5 =	vadd.s32 s2, v5  }
0x12d: {  	vm12 =	vgt.s32 v5, $0x3E7;
	s25 =	spop (v2sf)  }
0x12e: {  	v4 =	vsub.s32 v4, v9;
	v5 =	vmpcnt.ones.xlane vm12;
	s2 =	sadd.s32 s2, s25  }
0x12f: {  	v4 =	vadd.s32 s2, v4;
	s14 =	spop (v2sf)  }
0x130: {  	(v2sf) =	vpush v5, $0x0;
	vm13 =	vgt.s32 v4, $0x3E7;
	s21 =	spop (v2sf)  }
0x131: {  	v3 =	vsub.s32 v3, v8;
	v4 =	vmpcnt.ones.xlane vm13;
	s2 =	sadd.s32 s2, s21  }
0x132: {  	v3 =	vadd.s32 s2, v3;
	s21 =	spop (v2sf)  }
0x133: {  	p1 =	sgt.s32 s1, $0x0;
	(v2sf) =	vpush v4, $0x0;
	vm14 =	vgt.s32 v3, $0x3E7;
	s25 =	spop (v2sf)  }
0x134: {  	s1 =	sadd.s32 s12, s1;
	s12 =	smov.u32 s11;
	v63 =	vsub.s32 v6, v62;
	v3 =	vmpcnt.ones.xlane vm14;
	s2 =	sadd.s32 s2, s25  }
0x135: {  	s12 =	smov.u32 @p1 s1;
	p1 =	slt.s32 s11, $0x0;
	v4 =	vadd.s32 s2, v63  }
0x136: {  	s11 =	smov.u32 @p1 s12;
	(v2sf) =	vpush v3, $0x0;
	vm15 =	vgt.s32 v4, $0x3E7  }
0x137: {  	p1 =	sgt.s32 s3, $0x0;
	s1 =	sadd.s32 s4, s3;
	s2 =	smov.u32 s11;
	v3 =	vmpcnt.ones.xlane vm15  }
0x138: {  	p2 =	slt.s32 s11, $0x0;
	s2 =	smov.u32 @p1 s1  }
0x139: {  	s11 =	smov.u32 @p2 s2;
	(v2sf) =	vpush v3, $0x0  }
0x13a: {  	s0 =	sadd.s32 s0, s14;
	p1 =	sgt.s32 s14, $0x0;
	s1 =	smov.u32 s11  }
0x13b: {  	p2 =	slt.s32 s11, $0x0;
	s1 =	smov.u32 @p1 s0  }
0x13c: {  	s11 =	smov.u32 @p2 s1  }
0x13d: {  	p1 =	sgt.s32 s21, $0x0;
	s0 =	sadd.s32 s30, s21;
	s1 =	smov.u32 s11  }
0x13e: {  	p2 =	slt.s32 s11, $0x0;
	s1 =	smov.u32 @p1 s0  }
0x13f: {  	s14 =	spop (v2sf);
	s11 =	smov.u32 @p2 s1  }
0x140: {  	p1 =	sgt.s32 s14, $0x0;
	s0 =	sadd.s32 s31, s14;
	s1 =	smov.u32 s11  }
0x141: {  	p2 =	slt.s32 s11, $0x0;
	s1 =	smov.u32 @p1 s0  }
0x142: {  	s21 =	spop (v2sf);
	s11 =	smov.u32 @p2 s1  }
0x143: {  	p1 =	sgt.s32 s21, $0x0;
	s0 =	sadd.s32 s29, s21;
	s1 =	smov.u32 s11  }
0x144: {  	p2 =	slt.s32 s11, $0x0;
	s1 =	smov.u32 @p1 s0  }
0x145: {  	s25 =	spop (v2sf);
	s11 =	smov.u32 @p2 s1  }
0x146: {  	p1 =	sgt.s32 s25, $0x0;
	s0 =	sadd.s32 s28, s25;
	s1 =	smov.u32 s11  }
0x147: {  	p2 =	slt.s32 s11, $0x0;
	s1 =	smov.u32 @p1 s0  }
0x148: {  	s11 =	smov.u32 @p2 s1;
	s28 =	spop (v2sf)  }
0x149: {  	s1 =	smov.u32 s11;
	p1 =	sgt.s32 s28, $0x0;
	s0 =	sadd.s32 s26, s28  }
0x14a: {  	p2 =	slt.s32 s11, $0x0;
	s1 =	smov.u32 @p1 s0  }
0x14b: {  	s11 =	smov.u32 @p2 s1  }
0x14c: {  	p1 =	sgt.s32 s11, $0x0  }
0x14d: {  	s11 =	simm.s32 @!p1 $0x0  }
0x14e: {  	v3 =	vmov s11  }
0x14f: {  	s29 =	rddreg [dreg:$0x6];
	[tilespmem:$0xAC00] =	vst v3  }
0x150: {  	[spmem:s29] =	stream.linear.scatter [tilespmem:s22], [sflag:$0x1], $0x10, $0x38;
	[tilespmem:$0xB4A0] =	vst v63  }
0x151: {  	_ =	swait.ge [sflag:s17], $0x10  }
0x152: {  	[sflag:s17] =	ssyncset.done $0x0  }
0x153: {  	s31 =	rddreg [dreg:$0x4];
	[sflag:s17] =	ssyncadd.s32 $0xFFFFFFF0  }
0x154: {  	s11 =	rddreg [dreg:$0x0]  }
0x155: {  	s30 =	rddreg [dreg:$0x2]  }
.LBB2_23:
0x156: {  	[bflag:$0x0] =	sbarrier.arrive $0xFFFF;
	s25 =	simm.s32 $0x0  }
.LBB2_24:
0x157: {  	s0 =	sshll.u32 s25, $0x7  }
0x158: {  	s0 =	sand.u32 $0x3FFFFF80, s0  }
0x159: {  	s0 =	sadd.s32 s0, s30  }
0x15a: {  	[tilespmem:s22], [sflag:$0x1] =	stream.linear.gather [spmem:s0], $0x10, $0x38;
	[tilespmem:$0xB4A0] =	vst v63  }
0x15b: {  	_ =	swait.ge [sflag:s17], $0x10  }
0x15c: {  	[sflag:s17] =	ssyncset.done $0x0  }
0x15d: {  	[sflag:s17] =	ssyncadd.s32 $0xFFFFFFF0  }
0x15e: {  	s3 =	simm.s32 $0x0;
	s0 =	simm.s32 $0x40;
	v3 =	vld [tilespmem:$0xAC00]  }
.LBB2_25:
0x15f: {  	p1 =	seq.s32 s0, $0xFC0;
	[tilespmem:s3+$0xA400] =	vst v2;
	s1 =	smov.u32 s0;
	s0 =	sadd.s32 $0x40, s0  }
.Ltmp11:
0x160: {  	(pc) =	sbr.rel @!p1 .LBB2_25-.Ltmp11, $2  }
0x161: {  	_ =	sdelay $0x2  }
0x162: {  	s3 =	sshra.s32 s1, $0x2  }
0x163: {  	s0 =	sshll.u32 s25, $0x4  }
0x164: {  	s26 =	simm.s32 $0x0;
	s0 =	sadd.s32 s0, s7  }
0x165: {  	[tilespmem:s3+$0xA400] =	vst v2;
	v3 =	vbroadcast v3, $0x0;
	s28 =	smov.u32 s8;
	s29 =	simm.s32 $0x0;
	s4 =	sadd.s32 s11, s0  }
.LBB2_27:
0x166: {  	s1 =	sshll.u32 s29, $0xF  }
0x167: {  	s1 =	sadd.s32 s8, s1  }
0x168: {  	s1 =	sadd.s32 s1, s4  }
0x169: {  	[tilespmem:s26], [sflag:$0x1] =	stream.strided.gather [hbm4b:s1+s15], $0x8000, s16, s15, $0x38;
	[tilespmem:$0xB4A0] =	vst v63  }
0x16a: {  	_ =	swait.ge [sflag:s17], $0x8000  }
0x16b: {  	[sflag:s17] =	ssyncset.done $0x0  }
0x16c: {  	s12 =	simm.s32 $0x0;
	[sflag:s17] =	ssyncadd.s32 $0xFFFF8000  }
0x16d: {  	v5 =	vld [tilespmem:s12+$0x0];
	_ =	sdelay $0x4  }
0x16e: {  	v4 =	vmul.f32 $5.120000000e+02, v5;
	_ =	sdelay $0x1  }
0x16f: {  	v4 =	vtrunc.f32 v4  }
0x170: {  	v4 =	vcvt.f32.s32 v4;
	_ =	sdelay $0x1  }
0x171: {  	vm0 =	vlt.s32 v4, $0x1FF  }
0x172: {  	v4 =	vnsel vm0, $0x1FF, v4  }
0x173: {  	p1 =	por $0x0, $0x0;
	vm0 =	vge.s32 v4, v3  }
0x174: {  	s14 =	sshll.u32 s29, $0x8;
	v6 =	vmpcnt.ones.xlane vm0;
	vm0 =	vge.s32 @!p1 v4, v3  }
0x175: {  	v4 =	vmov s14  }
0x176: {  	(v2sf) =	vpush @!p1 v6, $0x0;
	_ =	sdelay $0x2  }
0x177: {  	v6 =	vlaneseq.u32 @!p1  }
0x178: {  	v6 =	vor.u32 @!p1 s28, v6;
	[tilespmem:v4+s26+$0xA400 ss:$0x1] =	vst.idx.msk @!p1 vm0, v5  }
0x179: {  	s21 =	simm.s32 $0x10;
	[tilespmem:v4+s26+$0xA800 ss:$0x1] =	vst.idx.msk @!p1 vm0, v6  }
0x17a: {  	v5 =	vld [tilespmem:s21+$0x0];
	_ =	sdelay $0x4  }
0x17b: {  	v6 =	vmul.f32 $5.120000000e+02, v5;
	_ =	sdelay $0x1  }
0x17c: {  	v6 =	vtrunc.f32 v6  }
0x17d: {  	v6 =	vcvt.f32.s32 v6  }
0x17e: {  	s3 =	smov.u32 s28;
	s21 =	spop @!p1 (v2sf)  }
0x17f: {  	s12 =	simm.s32 $0x0;
	s14 =	simm.s32 $0x80;
	vm0 =	vlt.s32 v6, $0x1FF;
	s21 =	simm.s32 @p1 $0x0  }
.LBB2_28:
0x180: {  	s12 =	sadd.s32 s12, s21  }
0x181: {  	v6 =	vnsel vm0, $0x1FF, v6;
	s3 =	sadd.s32 $0x10, s3;
	s1 =	smov.u32 s14;
	s14 =	sadd.s32 $0x40, s14  }
0x182: {  	p1 =	sne.s32 s14, $0x20000;
	vm0 =	vge.s32 v6, v3;
	p2 =	sgt.s32 s12, $0xF0  }
0x183: {  	v7 =	vmpcnt.ones.xlane vm0;
	vm0 =	vge.s32 @!p2 v6, v3;
	v6 =	vlaneseq.u32 @!p2  }
0x184: {  	v6 =	vor.u32 @!p2 s3, v6  }
0x185: {  	(v2sf) =	vpush @!p2 v7, $0x0;
	_ =	sdelay $0x3  }
0x186: {  	[tilespmem:v4+s12+$0xA400 ss:$0x1] =	vst.idx.msk @!p2 vm0, v5  }
0x187: {  	s1 =	sshra.s32 s1, $0x2;
	[tilespmem:v4+s12+$0xA800 ss:$0x1] =	vst.idx.msk @!p2 vm0, v6  }
0x188: {  	v5 =	vld [tilespmem:s1+$0x0];
	_ =	sdelay $0x4  }
0x189: {  	v6 =	vmul.f32 $5.120000000e+02, v5  }
.Ltmp12:
0x18a: {  	(pc) =	sbr.rel @p1 .LBB2_28-.Ltmp12, $4  }
0x18b: {  	v6 =	vtrunc.f32 v6  }
0x18c: {  	v6 =	vcvt.f32.s32 v6  }
0x18d: {  	s21 =	spop @!p2 (v2sf)  }
0x18e: {  	vm0 =	vlt.s32 v6, $0x1FF;
	s21 =	simm.s32 @p2 $0x0  }
0x18f: {  	v6 =	vnsel vm0, $0x1FF, v6  }
0x190: {  	vm0 =	vge.s32 v6, v3  }
0x191: {  	s1 =	sadd.s32 s12, s21;
	v7 =	vmpcnt.ones.xlane vm0  }
0x192: {  	p1 =	sgt.s32 s1, $0xF0  }
0x193: {  	(v2sf) =	vpush @!p1 v7, $0x0;
	_ =	sdelay $0x7  }
0x194: {  	vm0 =	vge.s32 @!p1 v6, v3  }
0x195: {  	s29 =	sadd.s32 $0x1, s29  }
0x196: {  	p2 =	sne.s32 s29, $0x4  }
.Ltmp13:
0x197: {  	_ = 	snop;
	(pc) =	sbr.rel @p2 .LBB2_27-.Ltmp13, $4  }
0x198: {  	_ = 	snop  }
0x199: {  	s2 =	sadd.s32 $0x10, s3;
	v6 =	vlaneseq.u32 @!p1  }
0x19a: {  	v6 =	vor.u32 @!p1 s2, v6;
	[tilespmem:v4+s1+$0xA400 ss:$0x1] =	vst.idx.msk @!p1 vm0, v5  }
0x19b: {  	s28 =	sadd.s32 $0x8000, s28;
	[tilespmem:v4+s1+$0xA800 ss:$0x1] =	vst.idx.msk @!p1 vm0, v6;
	s1 =	spop @!p1 (v2sf)  }
0x19c: {  	s0 =	sadd.s32 s13, s0  }
0x19d: {  	s1 =	sadd.s32 s5, s0  }
0x19e: {  	[hbm4b:s1+s15] =	stream.strided.scatter [tilespmem:s23], [sflag:$0x1], $0x400, s16, s15, $0x38;
	[tilespmem:$0xB4A0] =	vst v63  }
0x19f: {  	s25 =	sadd.s32 $0x1, s25;
	_ =	swait.ge [sflag:s17], $0x400  }
0x1a0: {  	p1 =	sne.s32 s25, $0x4;
	[sflag:s17] =	ssyncset.done $0x0  }
.Ltmp14:
0x1a1: {  	s0 =	sadd.s32 s6, s0;
	[sflag:s17] =	ssyncadd.s32 $0xFFFFFC00;
	(pc) =	sbr.rel @p1 .LBB2_24-.Ltmp14, $4  }
0x1a2: {  	[hbm4b:s0+s15] =	stream.strided.scatter [tilespmem:s24], [sflag:$0x1], $0x400, s16, s15, $0x38;
	[tilespmem:$0xB4A0] =	vst v63  }
0x1a3: {  	_ =	swait.ge [sflag:s17], $0x400  }
0x1a4: {  	[sflag:s17] =	ssyncset.done $0x0  }
0x1a5: {  	[sflag:s17] =	ssyncadd.s32 $0xFFFFFC00  }
0x1a6: {  	s31 =	sadd.s32 $0x1, s31;
	s0 =	rddreg [dreg:$0x7]  }
0x1a7: {  	p1 =	sne.s32 s31, s0  }
.Ltmp15:
0x1a8: {  	_ = 	snop;
	(pc) =	sbr.rel @p1 .LBB2_1-.Ltmp15, $1  }
0x1a9: {  	_ =	sdelay $0x3  }
0x1aa: {  	_ =	sfence.sel $0x180000  }
0x1ab: {  	[bflag:$0x0] =	sbarrier.arrive $0xFFFF  }
0x1ac: {  	_ =	strace $0x9000004A  }
0x1ad: {  	s0 =	stileid.u32;
	[bflag:$0x2] =	sbarrier.arrive $0xFFFF  }
0x1ae: {  	p0 =	sne.s32 s0, $0x0;
	s0 =	rddreg [dreg:$0x3]  }
0x1af: {  	s0 =	sadd.s32 @!p0 $0x100000, s0  }
0x1b0: {  	[sflag:s0] =	ssyncadd.tile.s32 @!p0 $0x1;
	_ =	shalt  }
.Lfunc_end2:
_tile_overlayer_lowered:
.L_overlay_start_2:
0x1b1: {  	(tag) =	ssettag $0x2  }
0x1b2: {  	s0 =	rddreg [dreg:$0x0];
	s2 =	stileid.u32  }
0x1b3: {  	s1 =	rddreg [dreg:$0x1];
	p0 =	sne.s32 s2, $0x0  }
0x1b4: {  	s3 =	rddreg [dreg:$0x2];
	[bflag:$0x3] =	sbarrier.arrive $0xFFFF;
	s2 =	simm.s32 @!p0 $0x1C01  }
0x1b5: {  	[timem:s3], [sflag:s2] =	dma.local @!p0 [hbm:s0], s1  }
0x1b6: {  	s0 =	simm.s32 @!p0 $0x1  }
0x1b7: {  	_ =	swait.ge @!p0 [sflag:s0], s1  }
0x1b8: {  	s1 =	ssub.s32 @!p0 $0x0, s1;
	[sflag:s0] =	ssyncset.done @!p0 $0x0  }
0x1b9: {  	[sflag:s0] =	ssyncadd.s32 @!p0 s1  }
0x1ba: {  	[bflag:$0x3] =	sbarrier.arrive $0xFFFF  }
0x1bb: {  	_ =	shalt  }

// kernel: kernel.8.cloned.1.call-start
scs
__scs_entry_jumppad:
0x0: {  	(pc) =	sbr.rel $0x88, $3  }
0x1: {  	(tag) =	ssettag $0x0;
	lr =	simm.s32 $0x1  }
0x2: {  	[smem:$0x3F9C] =	sst lr;
	_ =	strace $0xD0000000  }
0x3: {  	_ = 	snop  }
0x4: {  	_ = 	snop  }
0x5: {  	_ = 	snop  }
0x6: {  	_ = 	snop  }
0x7: {  	_ = 	snop  }
__scs_overlays_trampoline_lowered:
0x8: {  	[smem:$0x3FAB] =	sst s0  }
0x9: {  	[smem:$0x3FAC] =	sst s1  }
0xa: {  	[smem:$0x3FAD] =	sst s2  }
0xb: {  	[smem:$0x3FAE] =	sst s3  }
0xc: {  	[smem:$0x3FAF] =	sst s4  }
0xd: {  	[smem:$0x3FB0] =	sst s5  }
0xe: {  	[smem:$0x3FB1] =	sst s6  }
0xf: {  	[smem:$0x3FB2] =	sst s7  }
0x10: {  	[smem:$0x3FB3] =	sst s8  }
0x11: {  	[smem:$0x3FB4] =	sst s9;
	s0 =	simm.s32 @!p0 $0x0  }
0x12: {  	s1 =	sld [smem:$0x3F9A];
	s0 =	simm.s32 @p0 $0x1  }
0x13: {  	[smem:$0x3FB5] =	sst s0;
	s0 =	simm.s32 @!p1 $0x0  }
0x14: {  	s2 =	sld [smem:$0x3F99];
	s0 =	simm.s32 @p1 $0x1  }
0x15: {  	[smem:$0x3FB6] =	sst s0;
	s0 =	simm.s32 @!p2 $0x0  }
0x16: {  	s3 =	sld [smem:$0x3FDB];
	s0 =	simm.s32 @p2 $0x1  }
0x17: {  	s4 =	simm.s32 $0x1BF5;
	[smem:$0x3FB8] =	sst s0  }
0x18: {  	s0 =	sld [smem:$0x3F9B];
	_ =	swait.ge [sflag:s4], $0x0  }
0x19: {  	s7 =	sld [smem:$0x3F9C]  }
0x1a: {  	s8 =	sadd.s32 $0xFFFFE003, lr  }
0x1b: {  	s9 =	sadd.s32 $0xFFFFFEF7, lr;
	s5 =	simm.s32 $0xFFFFFFFF;
	p2 =	slt.u32 s8, $0xFFFFF086  }
0x1c: {  	p1 =	slt.u32 s9, $0xF7A;
	s5 =	simm.s32 @!p2 $0x0  }
0x1d: {  	s5 =	simm.s32 @p1 $0x1;
	p0 =	seq.s32 s7, s2  }
0x1e: {  	s7 =	smul.u32 @!p0 $0xF7A, s2;
	p2 =	seq.s32 @!p0 s5, $0x0  }
0x1f: {  	s9 =	smul.u32 $0xF7A, s1;
	s8 =	simm.s32 @!p0 $0x1BF5;
	p2 =	por !p2, p0  }
0x20: {  	[sflag:s8] =	ssyncset.s32 @!p0 $0xFFFFF086;
	s6 =	sadd.s32 @!p0 s3, s7;
	s7 =	simm.s32 @!p0 $0x108  }
0x21: {  	s3 =	sadd.s32 s3, s9;
	s6 =	sadd.s32 @!p0 $0x88, s6;
	s7 =	simm.s32 @p2 $0x1082  }
0x22: {  	[simem:s7], [sflag:s8] =	dma.local @!p0 [hbm:s6], $0xF7A  }
0x23: {  	s9 =	sor.u32 $0xD0000000, s2;
	s6 =	simm.s32 $0x108;
	_ =	swait.ge @!p0 [sflag:s8], $0x0  }
0x24: {  	s3 =	sadd.s32 $0x88, s3;
	s6 =	simm.s32 @!p1 $0x1082;
	[sflag:s4] =	ssyncset.s32 $0xFFFFF086  }
0x25: {  	[simem:s6], [sflag:s4] =	dma.local [hbm:s3], $0xF7A  }
0x26: {  	[smem:$0x3F9C] =	sst s1;
	(tag) =	ssettag s2;
	_ =	strace s9  }
0x27: {  	s1 =	sld [smem:$0x3FAC]  }
0x28: {  	s2 =	sld [smem:$0x3FAD]  }
0x29: {  	s4 =	sld [smem:$0x3FAF]  }
0x2a: {  	p0 =	seq.s32 s5, $0x0;
	s5 =	sld [smem:$0x3FB0]  }
0x2b: {  	s6 =	sld [smem:$0x3FB1]  }
0x2c: {  	s7 =	sld [smem:$0x3FB2]  }
0x2d: {  	s3 =	simm.s32 $0x108;
	s8 =	sld [smem:$0x3FB3]  }
0x2e: {  	s3 =	simm.s32 @!p0 $0x1082;
	s9 =	sld [smem:$0x3FB4]  }
0x2f: {  	lr =	sadd.s32 s0, s3;
	s0 =	sld [smem:$0x3FAB]  }
0x30: {  	s3 =	sld [smem:$0x3FAE]  }
0x31: {  	[smem:$0x3FB7] =	sst s10  }
0x32: {  	s10 =	sld [smem:$0x3FB5];
	_ =	sdelay $0x3  }
0x33: {  	p0 =	seq.s32 s10, $0x1;
	s10 =	sld [smem:$0x3FB7];
	_ =	sdelay $0x3  }
0x34: {  	[smem:$0x3FB7] =	sst s10  }
0x35: {  	s10 =	sld [smem:$0x3FB6];
	_ =	sdelay $0x3  }
0x36: {  	p1 =	seq.s32 s10, $0x1;
	s10 =	sld [smem:$0x3FB7];
	_ =	sdelay $0x3  }
0x37: {  	[smem:$0x3FB7] =	sst s10  }
0x38: {  	s10 =	sld [smem:$0x3FB8]  }
0x39: {  	_ = 	snop;
	(pc) =	sbr.ind lr, $3  }
0x3a: {  	_ = 	snop  }
0x3b: {  	_ = 	snop  }
0x3c: {  	p2 =	seq.s32 s10, $0x1;
	s10 =	sld [smem:$0x3FB7]  }
0x3d: {  	_ =	shalt  }
0x3e: {  	_ =	shalt  }
0x3f: {  	_ =	shalt  }
0x40: {  	_ =	shalt  }
0x41: {  	_ =	shalt  }
0x42: {  	_ =	shalt  }
0x43: {  	_ =	shalt  }
0x44: {  	_ =	shalt  }
0x45: {  	_ =	shalt  }
0x46: {  	_ =	shalt  }
0x47: {  	_ =	shalt  }
0x48: {  	_ =	shalt  }
0x49: {  	_ =	shalt  }
0x4a: {  	_ =	shalt  }
0x4b: {  	_ =	shalt  }
0x4c: {  	_ =	shalt  }
0x4d: {  	_ =	shalt  }
0x4e: {  	_ =	shalt  }
0x4f: {  	_ =	shalt  }
0x50: {  	_ =	shalt  }
0x51: {  	_ =	shalt  }
0x52: {  	_ =	shalt  }
0x53: {  	_ =	shalt  }
0x54: {  	_ =	shalt  }
0x55: {  	_ =	shalt  }
0x56: {  	_ =	shalt  }
0x57: {  	_ =	shalt  }
0x58: {  	_ =	shalt  }
0x59: {  	_ =	shalt  }
0x5a: {  	_ =	shalt  }
0x5b: {  	_ =	shalt  }
0x5c: {  	_ =	shalt  }
0x5d: {  	_ =	shalt  }
0x5e: {  	_ =	shalt  }
0x5f: {  	_ =	shalt  }
0x60: {  	_ =	shalt  }
0x61: {  	_ =	shalt  }
0x62: {  	_ =	shalt  }
0x63: {  	_ =	shalt  }
0x64: {  	_ =	shalt  }
0x65: {  	_ =	shalt  }
0x66: {  	_ =	shalt  }
0x67: {  	_ =	shalt  }
0x68: {  	_ =	shalt  }
0x69: {  	_ =	shalt  }
0x6a: {  	_ =	shalt  }
0x6b: {  	_ =	shalt  }
0x6c: {  	_ =	shalt  }
0x6d: {  	_ =	shalt  }
0x6e: {  	_ =	shalt  }
0x6f: {  	_ =	shalt  }
0x70: {  	_ =	shalt  }
0x71: {  	_ =	shalt  }
0x72: {  	_ =	shalt  }
0x73: {  	_ =	shalt  }
0x74: {  	_ =	shalt  }
0x75: {  	_ =	shalt  }
0x76: {  	_ =	shalt  }
0x77: {  	_ =	shalt  }
0x78: {  	_ =	shalt  }
0x79: {  	_ =	shalt  }
0x7a: {  	_ =	shalt  }
0x7b: {  	_ =	shalt  }
0x7c: {  	_ =	shalt  }
0x7d: {  	_ =	shalt  }
0x7e: {  	_ =	shalt  }
0x7f: {  	_ =	shalt  }
0x80: {  	_ =	shalt  }
0x81: {  	_ =	shalt  }
0x82: {  	_ =	shalt  }
0x83: {  	_ =	shalt  }
0x84: {  	_ =	shalt  }
0x85: {  	_ =	shalt  }
0x86: {  	_ =	shalt  }
0x87: {  	_ =	shalt  }
.Lfunc_end0:
.L_simem_size_0:
called_computation.2_lowered:
.L_overlay_start_0:
0x88: {  	s2 =	sld [smem:$0x3FD9]  }
0x89: {  	s3 =	sld [smem:$0x3FFE];
	_ =	sdelay $0x1  }
0x8a: {  	s1 =	srdreg.scid  }
0x8b: {  	s0 =	sand.u32 $0x1, s1  }
0x8c: {  	s14 =	sshll.u32 s0, $0xA;
	s2 =	sadd.s32 s3, s2  }
0x8d: {  	s2 =	sadd.s32 s2, s14  }
0x8e: {  	[smem:$0x3FC3] =	sst s2  }
0x8f: {  	_ = 	snop  }
0x90: {  	s2 =	sld [smem:$0x3FD0];
	_ =	sdelay $0x2  }
0x91: {  	s15 =	simm.s32 $0xA;
	s4 =	simm.s32 $0x10  }
0x92: {  	[smem:s4], [sflag:s15] =	dma.local [hbm:s2], $0x1  }
0x93: {  	_ =	swait.eq [sflag:s15], $0x1  }
0x94: {  	[sflag:s15] =	ssyncset.done $0x0  }
0x95: {  	s16 =	sld [smem:$0x10];
	[sflag:s15] =	ssyncadd.s32 $0xFFFFFFFF  }
0x96: {  	s17 =	sld [smem:$0x11];
	(tm) =	ssettm $0x1  }
0x97: {  	s18 =	sld [smem:$0x3FFB];
	_ =	sdelay $0x3  }
0x98: {  	_ =	strace s18  }
0x99: {  	s4 =	sld [smem:$0x3FFC];
	_ =	sdelay $0x3  }
0x9a: {  	_ =	strace s4  }
0x9b: {  	s4 =	sld [smem:$0x3FFD];
	_ =	sdelay $0x3  }
0x9c: {  	_ =	strace s4  }
0x9d: {  	_ =	strace $0x8FFFFFFF  }
0x9e: {  	s19 =	sld [smem:$0x3FDB];
	_ =	sdelay $0x1  }
0x9f: {  	s5 =	simm.s32 $_scs_section_size  }
0xa0: {  	s6 =	simm.s32 $_size__tile_overlayer_lowered;
	s7 =	simm.s32 $_tile_overlayer_lowered  }
0xa1: {  	s22 =	simm.s32 $0x1BFF;
	s21 =	sshll.u32 s7, $0x1;
	s4 =	sadd.s32 s5, s19  }
0xa2: {  	s8 =	simm.s32 $0x0;
	s20 =	sshll.u32 s6, $0x1;
	s6 =	sadd.s32 s21, s4  }
0xa3: {  	[timem:s8], [sflag:s22] =	dma.local [hbm:s6], s20  }
0xa4: {  	_ =	swait.ge [sflag:s22], s20  }
0xa5: {  	s5 =	ssub.s32 $0x0, s20;
	[sflag:s22] =	ssyncset.done $0x0  }
0xa6: {  	[sflag:s22] =	ssyncadd.s32 s5;
	_ =	sdelay $0x1  }
0xa7: {  	s23 =	simm.s32 $0x1B8B  }
0xa8: {  	_ =	swait.ge [sflag:s23], $0x1  }
0xa9: {  	[sflag:s23] =	ssyncset.done $0x0  }
0xaa: {  	s25 =	simm.s32 $0x1B8E;
	s24 =	sld [smem:$0x3FFE];
	[sflag:s23] =	ssyncadd.s32 $0xFFFFFFFF  }
0xab: {  	s26 =	simm.s32 $execute0_lowered;
	[smem:$0x3FD2] =	sst s25  }
0xac: {  	s6 =	sshll.u32 s26, $0x1;
	_ =	strace $0x8000004C;
	[dreg:$0x1] =	wrdreg $0xFFFFFFFF  }
0xad: {  	s28 =	simm.s32 $_size_execute0_lowered;
	s4 =	sadd.s32 s4, s6;
	[dreg:$0x0] =	wrdreg $0x0  }
0xae: {  	s6 =	sshll.u32 s28, $0x1;
	[dreg:$0x2] =	wrdreg s4  }
0xaf: {  	[dreg:$0x3] =	wrdreg s6  }
0xb0: {  	[dreg:$0x4] =	wrdreg $0xC0  }
0xb1: {  	_ =	task [dreg:s8], $0x5FFFF  }
0xb2: {  	[dreg:$0x1] =	wrdreg $0xFFFFFFFF  }
0xb3: {  	[dreg:$0x0] =	wrdreg $0x60  }
0xb4: {  	[dreg:$0x2] =	wrdreg s24  }
0xb5: {  	[dreg:$0x3] =	wrdreg s16  }
0xb6: {  	[dreg:$0x4] =	wrdreg s17  }
0xb7: {  	[dreg:$0x5] =	wrdreg $0x9  }
0xb8: {  	_ =	task.clear_ibuf [dreg:s8], $0x6FFFF;
	_ =	strace $0x9000004C  }
0xb9: {  	s29 =	simm.s32 $0x9;
	_ =	strace $0x8000004E  }
0xba: {  	_ =	swait.ge [sflag:s29], $0x1  }
0xbb: {  	[sflag:s29] =	ssyncadd.s32 $0xFFFFFFFF  }
0xbc: {  	_ =	strace $0x9000004E  }
0xbd: {  	_ =	sfence  }
0xbe: {  	s30 =	sld [smem:$0x0];
	_ =	sdelay $0x2  }
0xbf: {  	s31 =	sshll.u32 s1, $0xD;
	s1 =	sshrl.u32 s1, $0x2  }
0xc0: {  	s3 =	sand.u32 $0x4000, s31;
	s1 =	sadd.s32 s1, s30  }
0xc1: {  	s0 =	sor.u32 s3, s0;
	s1 =	sshll.u32 s1, $0x11  }
0xc2: {  	s0 =	sor.u32 s1, s0  }
0xc3: {  	s0 =	sadd.s32 $0x8F2B, s0  }
0xc4: {  	[sflag:s0] =	ssyncadd.remote.s32 $0x1  }
0xc5: {  	_ =	sfence.sel $0xFFFF  }
0xc6: {  	[dreg:$0x0] =	wrdreg $0xFFFFFFFF;
	(pc) =	sbr.abs _section_cstart, $3  }
0xc7: {  	[dreg:$0x1] =	wrdreg $0xFFFFFFFF  }
0xc8: {  	_ =	task.clear_ibuf [dreg:s8], $0x2FFFF;
	_ =	strace $0x9FFFFFFF  }
0xc9: {  	(tm) =	ssettm $0x7FFFFFFF  }
tec
execute0_lowered:
.L_overlay_start_1:
0x0: {  	(tag) =	ssettag $0x1  }
0x1: {  	s1 =	rddreg [dreg:$0x0]  }
0x2: {  	s0 =	rddreg [dreg:$0x1]  }
0x3: {  	s2 =	srdreg.scid;
	s4 =	stileid.u32  }
0x4: {  	s7 =	rddreg [dreg:$0x2];
	s16 =	simm.s32 $0x1;
	s21 =	simm.s32 $0xB00  }
0x5: {  	s22 =	simm.s32 $0x1300;
	s23 =	simm.s32 $0xB80;
	s24 =	simm.s32 $0x1380  }
0x6: {  	s25 =	simm.s32 $0xC00;
	s28 =	simm.s32 $0xC80;
	s29 =	simm.s32 $0x1480  }
0x7: {  	s30 =	simm.s32 $0x1500;
	s2 =	sand.u32 $0x1, s2;
	s3 =	sshll.u32 s4, $0x1  }
0x8: {  	s31 =	simm.s32 $0x0;
	s6 =	sshrl.u32 s4, $0x1;
	s3 =	sor.u32 s2, s3  }
0x9: {  	s4 =	sshll.u32 s6, $0x2;
	s9 =	sshll.u32 s6, $0x7;
	s2 =	ssub.s32 $0x2, s2  }
0xa: {  	s12 =	sshll.u32 s6, $0x10;
	s13 =	sshll.u32 s6, $0xE;
	s8 =	ssub.s32 s3, s4  }
0xb: {  	s3 =	simm.s32 $0x0;
	s5 =	sshrl.u32 s2, $0x1;
	s14 =	sor.u32 $0x4000, s12  }
0xc: {  	s15 =	sor.u32 $0x8000, s12;
	s17 =	sor.u32 $0xC000, s12;
	s4 =	sshll.u32 s8, $0xB  }
0xd: {  	[smem:$0x7FF] =	sst s3;
	s2 =	ssub.s32 s2, s5;
	s8 =	sshll.u32 s8, $0xD  }
0xe: {  	s4 =	sor.u32 s9, s4;
	_ =	strace $0x8000004D;
	s26 =	sor.u32 s9, s8  }
0xf: {  	s8 =	smax.u32 s2, $0x1;
	s9 =	simm.s32 $0x80;
	s10 =	sshrl.u32 s4, $0x3  }
0x10: {  	v5 =	vlaneseq.u32;
	s4 =	sadd.s32 $0x208000, s1;
	s6 =	sshrl.u32 s26, $0x3;
	s26 =	simm.s32 $0x1400  }
0x11: {  	v5 =	vmul.u32 $0x4, v5;
	v0 =	vmov s13;
	v1 =	vmov s12;
	s11 =	sadd.s32 s10, s1;
	s6 =	sadd.s32 s0, s6;
	s7 =	sadd.s32 s7, s10  }
0x12: {  	v2 =	vmov s14;
	v3 =	vmov s15;
	v4 =	vmov s17;
	s10 =	simm.s32 $0x400;
	s5 =	sadd.s32 $0x4000, s11;
	s11 =	simm.s32 $0x2  }
.LBB2_1:
0x13: {  	[tilespmem:s3], [sflag:$0x2] =	stream.strided.gather [hbm4b:s5+s9], $0x100, s10, s9, $0x38;
	[tilespmem:$0x1900] =	vst v63  }
0x14: {  	_ =	swait.ge [sflag:s11], $0x100  }
0x15: {  	[sflag:s11] =	ssyncset.done $0x0  }
0x16: {  	[sflag:s11] =	ssyncadd.s32 $0xFFFFFF00  }
0x17: {  	s0 =	simm.s32 $0x0;
	v6 =	vld [tilespmem:s3+$0x0]  }
0x18: {  	s2 =	sand.u32 $0xFFFFFF80, s0  }
0x19: {  	s2 =	ssub.s32 $0x0, s2  }
0x1a: {  	s0 =	sand.u32 $0x3FFFFF80, s0;
	s2 =	sand.u32 $0xFFFFFF80, s2  }
0x1b: {  	s12 =	sand.u32 $0x70, s3;
	s0 =	sadd.s32 s2, s0  }
0x1c: {  	s0 =	sor.u32 s12, s0;
	v6 =	vadd.s32 v0, v6  }
0x1d: {  	[tilespmem:s0+$0x100] =	vst v6;
	s0 =	simm.s32 $0x10  }
0x1e: {  	s13 =	simm.s32 $0x10;
	s2 =	simm.s32 $0x0;
	s12 =	simm.s32 $0x2;
	v6 =	vld [tilespmem:s0+$0x0]  }
.LBB2_2:
0x1f: {  	p0 =	sne.s32 s12, $0xF;
	s14 =	sand.u32 $0xFFFFFF80, s13;
	s2 =	sadd.s32 $0x10, s2  }
0x20: {  	s14 =	ssub.s32 s2, s14  }
.Ltmp0:
0x21: {  	s13 =	sand.u32 $0x3FFFFF80, s13;
	s14 =	sand.u32 $0xFFFFFF80, s14;
	(pc) =	sbr.rel @p0 .LBB2_2-.Ltmp0, $4  }
0x22: {  	s15 =	sand.u32 $0x70, s2;
	s13 =	sadd.s32 s14, s13  }
0x23: {  	v6 =	vadd.s32 v0, v6;
	s13 =	sor.u32 s15, s13  }
0x24: {  	s0 =	sadd.s32 $0x10, s0;
	[tilespmem:s13+$0x100] =	vst v6  }
0x25: {  	s13 =	sshll.u32 s12, $0x4;
	s12 =	sadd.s32 $0x1, s12;
	v6 =	vld [tilespmem:s0+$0x0]  }
0x26: {  	s0 =	sand.u32 $0xFFFFFF80, s13;
	s2 =	sadd.s32 $0x10, s2  }
0x27: {  	s0 =	ssub.s32 s2, s0  }
0x28: {  	s12 =	sand.u32 $0x3FFFFF80, s13;
	s0 =	sand.u32 $0xFFFFFF80, s0  }
0x29: {  	s2 =	sand.u32 $0x70, s2;
	s0 =	sadd.s32 s0, s12  }
0x2a: {  	v6 =	vadd.s32 v0, v6;
	s0 =	sor.u32 s2, s0  }
0x2b: {  	s13 =	simm.s32 $0x200;
	s12 =	simm.s32 $0x100;
	[tilespmem:s0+$0x100] =	vst v6  }
0x2c: {  	[tilespmem:s13], [sflag:$0x1] =	stream.indirect.gather [hbm4b:s1+s9], $0x1, s12, s9, $0xb8;
	[tilespmem:$0x1900] =	vst v63  }
0x2d: {  	s14 =	simm.s32 $0x180;
	s15 =	simm.s32 $0x280  }
0x2e: {  	[tilespmem:s15], [sflag:$0x1] =	stream.indirect.gather [hbm4b:s1+s9], $0x1, s14, s9, $0xb8;
	[tilespmem:$0x1900] =	vst v63  }
0x2f: {  	s17 =	simm.s32 $0x0;
	_ =	swait.ge [sflag:s16], $0x80  }
0x30: {  	s18 =	sand.u32 $0xFFFFFF80, s17;
	[sflag:s16] =	ssyncset.done $0x0  }
0x31: {  	s20 =	sand.u32 $0x3FFFFF80, s17;
	s19 =	ssub.s32 $0x0, s18;
	[sflag:s16] =	ssyncadd.s32 $0xFFFFFF80  }
0x32: {  	s0 =	simm.s32 $0x0;
	s12 =	sand.u32 $0xFFFFFF80, s19;
	_ =	swait.ge [sflag:s16], $0x80  }
0x33: {  	s2 =	sand.u32 $0x70, s0;
	s12 =	sadd.s32 s12, s20;
	[sflag:s16] =	ssyncset.done $0x0  }
0x34: {  	s12 =	sor.u32 s2, s12;
	[sflag:s16] =	ssyncadd.s32 $0xFFFFFF80  }
0x35: {  	v6 =	vld [tilespmem:s12+$0x200];
	_ =	sdelay $0x1  }
0x36: {  	s15 =	simm.s32 $0x10  }
0x37: {  	s17 =	simm.s32 $0x2;
	s14 =	sand.u32 $0xFFFFFF80, s15  }
0x38: {  	s13 =	simm.s32 $0x400;
	s15 =	sand.u32 $0x3FFFFF80, s15;
	s18 =	ssub.s32 $0x10, s14  }
0x39: {  	s14 =	simm.s32 $0x10;
	s19 =	sand.u32 $0xFFFFFF80, s18;
	s12 =	simm.s32 $0x300;
	v7 =	vshrl.u32 v6, $0x7;
	v6 =	vand.u32 $0x7F, v6  }
0x3a: {  	s18 =	sand.u32 $0x70, s14;
	s19 =	sadd.s32 s19, s15;
	s15 =	simm.s32 $0x310;
	[tilespmem:s12+$0x0] =	vst v7;
	v6 =	vadd.s32 $0x1, v6  }
.LBB2_4:
0x3b: {  	s18 =	sor.u32 s18, s19  }
0x3c: {  	[tilespmem:s13+$0x0] =	vst v6;
	s13 =	sadd.s32 $0x10, s13;
	s19 =	smov.u32 s17;
	s20 =	sadd.s32 $0x1, s17  }
0x3d: {  	p0 =	sne.s32 s17, $0xF;
	v6 =	vld [tilespmem:s18+$0x200];
	_ =	sdelay $0x1  }
.Ltmp1:
0x3e: {  	s17 =	sshll.u32 s19, $0x4;
	(pc) =	sbr.rel @p0 .LBB2_4-.Ltmp1, $4  }
0x3f: {  	s14 =	sadd.s32 $0x10, s14;
	s18 =	sand.u32 $0xFFFFFF80, s17  }
0x40: {  	s18 =	ssub.s32 s14, s18  }
0x41: {  	s17 =	sand.u32 $0x3FFFFF80, s17;
	s19 =	sand.u32 $0xFFFFFF80, s18;
	s18 =	sand.u32 $0x70, s14;
	v7 =	vshrl.u32 v6, $0x7;
	v6 =	vand.u32 $0x7F, v6  }
0x42: {  	s19 =	sadd.s32 s19, s17;
	s17 =	smov.u32 s20;
	[tilespmem:s15+$0x0] =	vst v7;
	v6 =	vadd.s32 $0x1, v6;
	s15 =	sadd.s32 $0x10, s15  }
0x43: {  	s14 =	sor.u32 s18, s19;
	[tilespmem:s13+$0x0] =	vst v6  }
0x44: {  	v6 =	vld [tilespmem:s14+$0x200];
	_ =	sdelay $0x4  }
0x45: {  	v7 =	vshrl.u32 v6, $0x7;
	v6 =	vand.u32 $0x7F, v6  }
0x46: {  	s18 =	sadd.s32 $0x10, s13;
	[tilespmem:s15+$0x0] =	vst v7;
	v6 =	vadd.s32 $0x1, v6  }
0x47: {  	[tilespmem:s18+$0x0] =	vst v6  }
0x48: {  	s19 =	simm.s32 $0x0;
	v6 =	vld [tilespmem:s12+$0x0]  }
0x49: {  	s20 =	sand.u32 $0xFFFFFF80, s19  }
0x4a: {  	s12 =	ssub.s32 $0x0, s20  }
0x4b: {  	s13 =	sand.u32 $0x3FFFFF80, s19;
	s12 =	sand.u32 $0xFFFFFF80, s12  }
0x4c: {  	s12 =	sadd.s32 s12, s13  }
0x4d: {  	s2 =	sor.u32 s2, s12;
	v6 =	vadd.s32 v1, v6  }
0x4e: {  	[tilespmem:s2+$0x500] =	vst v6;
	s2 =	simm.s32 $0x310  }
0x4f: {  	s13 =	simm.s32 $0x10;
	s12 =	simm.s32 $0x2;
	v6 =	vld [tilespmem:s2+$0x0]  }
.LBB2_6:
0x50: {  	p0 =	sne.s32 s12, $0xF;
	s14 =	sand.u32 $0xFFFFFF80, s13;
	s0 =	sadd.s32 $0x10, s0  }
0x51: {  	s14 =	ssub.s32 s0, s14  }
.Ltmp2:
0x52: {  	s13 =	sand.u32 $0x3FFFFF80, s13;
	s14 =	sand.u32 $0xFFFFFF80, s14;
	(pc) =	sbr.rel @p0 .LBB2_6-.Ltmp2, $4  }
0x53: {  	s15 =	sand.u32 $0x70, s0;
	s13 =	sadd.s32 s14, s13  }
0x54: {  	v6 =	vadd.s32 v1, v6;
	s13 =	sor.u32 s15, s13  }
0x55: {  	s2 =	sadd.s32 $0x10, s2;
	[tilespmem:s13+$0x500] =	vst v6  }
0x56: {  	s13 =	sshll.u32 s12, $0x4;
	s12 =	sadd.s32 $0x1, s12;
	v6 =	vld [tilespmem:s2+$0x0]  }
0x57: {  	s2 =	sand.u32 $0xFFFFFF80, s13;
	s0 =	sadd.s32 $0x10, s0  }
0x58: {  	p1 =	por $0x1, $0x1;
	s2 =	ssub.s32 s0, s2  }
.Ltmp3:
0x59: {  	s12 =	sand.u32 $0x3FFFFF80, s13;
	s2 =	sand.u32 $0xFFFFFF80, s2;
	(pc) =	sbr.rel @!p1 .LBB2_8-.Ltmp3, $4  }
0x5a: {  	s0 =	sand.u32 $0x70, s0;
	s2 =	sadd.s32 s2, s12  }
0x5b: {  	v6 =	vadd.s32 v1, v6;
	s0 =	sor.u32 s0, s2  }
0x5c: {  	s12 =	simm.s32 $0x300;
	[tilespmem:s0+$0x500] =	vst v6  }
0x5d: {  	p0 =	por $0x0, $0x0;
	s2 =	simm.s32 $0x0;
	s0 =	simm.s32 $0x0;
	v6 =	vld [tilespmem:s12+$0x0]  }
0x5e: {  	s13 =	sand.u32 $0xFFFFFF80, s2  }
0x5f: {  	p3 =	por $0x1, $0x1;
	s13 =	ssub.s32 $0x0, s13  }
.Ltmp4:
0x60: {  	s14 =	sand.u32 $0x3FFFFF80, s2;
	s13 =	sand.u32 $0xFFFFFF80, s13;
	(pc) =	sbr.rel @!p3 .LBB2_10-.Ltmp4, $4  }
0x61: {  	s15 =	sand.u32 $0x70, s0;
	s13 =	sadd.s32 s13, s14  }
0x62: {  	v6 =	vadd.s32 v2, v6;
	s13 =	sor.u32 s15, s13  }
0x63: {  	s17 =	simm.s32 $0x2;
	s15 =	simm.s32 $0x310;
	[tilespmem:s13+$0x600] =	vst v6  }
0x64: {  	p2 =	por $0x1, $0x1;
	s14 =	simm.s32 $0x0;
	s13 =	simm.s32 $0x10;
	v6 =	vld [tilespmem:s15+$0x0]  }
.LBB2_11:
0x65: {  	p3 =	sne.s32 s17, $0xF;
	s18 =	sand.u32 $0xFFFFFF80, s13;
	s14 =	sadd.s32 $0x10, s14  }
0x66: {  	s18 =	ssub.s32 s14, s18  }
.Ltmp5:
0x67: {  	s13 =	sand.u32 $0x3FFFFF80, s13;
	s18 =	sand.u32 $0xFFFFFF80, s18;
	(pc) =	sbr.rel @p3 .LBB2_11-.Ltmp5, $4  }
0x68: {  	s19 =	sand.u32 $0x70, s14;
	s13 =	sadd.s32 s18, s13  }
0x69: {  	v6 =	vadd.s32 v2, v6;
	s13 =	sor.u32 s19, s13  }
0x6a: {  	s15 =	sadd.s32 $0x10, s15;
	[tilespmem:s13+$0x600] =	vst v6  }
0x6b: {  	s13 =	sshll.u32 s17, $0x4;
	s17 =	sadd.s32 $0x1, s17;
	v6 =	vld [tilespmem:s15+$0x0]  }
.LBB2_12:
0x6c: {  	s14 =	sadd.s32 @p2 $0x10, s14;
	s15 =	simm.s32 $0x0  }
0x6d: {  	s17 =	sand.u32 $0xFFFFFF80, s13;
	s15 =	smov.u32 @p2 s14  }
0x6e: {  	s14 =	ssub.s32 s15, s17  }
.Ltmp6:
0x6f: {  	s20 =	sand.u32 $0x3FFFFF80, s13;
	s14 =	sand.u32 $0xFFFFFF80, s14;
	(pc) =	sbr.rel @!p1 .LBB2_13-.Ltmp6, $4  }
0x70: {  	s15 =	sand.u32 $0x70, s15;
	s13 =	sadd.s32 s14, s20  }
0x71: {  	v6 =	vadd.s32 v2, v6;
	s13 =	sor.u32 s15, s13  }
0x72: {  	[tilespmem:s13+$0x600] =	vst v6  }
0x73: {  	v6 =	vld [tilespmem:s12+$0x0]  }
0x74: {  	s12 =	sand.u32 $0xFFFFFF80, s2  }
0x75: {  	p1 =	por $0x1, $0x1;
	s12 =	ssub.s32 $0x0, s12  }
.Ltmp7:
0x76: {  	s20 =	sand.u32 $0x3FFFFF80, s2;
	s12 =	sand.u32 $0xFFFFFF80, s12;
	(pc) =	sbr.rel @!p1 .LBB2_15-.Ltmp7, $4  }
0x77: {  	s13 =	sand.u32 $0x70, s0;
	s2 =	sadd.s32 s12, s20  }
0x78: {  	v6 =	vadd.s32 v3, v6;
	s2 =	sor.u32 s13, s2  }
0x79: {  	s14 =	simm.s32 $0x2;
	s13 =	simm.s32 $0x310;
	[tilespmem:s2+$0x700] =	vst v6  }
0x7a: {  	p0 =	por $0x1, $0x1;
	s12 =	simm.s32 $0x0;
	s2 =	simm.s32 $0x10;
	v6 =	vld [tilespmem:s13+$0x0]  }
.LBB2_16:
0x7b: {  	p1 =	sne.s32 s14, $0xF;
	s15 =	sand.u32 $0xFFFFFF80, s2;
	s12 =	sadd.s32 $0x10, s12  }
0x7c: {  	s15 =	ssub.s32 s12, s15  }
.Ltmp8:
0x7d: {  	s2 =	sand.u32 $0x3FFFFF80, s2;
	s15 =	sand.u32 $0xFFFFFF80, s15;
	(pc) =	sbr.rel @p1 .LBB2_16-.Ltmp8, $4  }
0x7e: {  	s17 =	sand.u32 $0x70, s12;
	s2 =	sadd.s32 s15, s2  }
0x7f: {  	v6 =	vadd.s32 v3, v6;
	s2 =	sor.u32 s17, s2  }
0x80: {  	s13 =	sadd.s32 $0x10, s13;
	[tilespmem:s2+$0x700] =	vst v6  }
0x81: {  	s2 =	sshll.u32 s14, $0x4;
	s14 =	sadd.s32 $0x1, s14;
	v6 =	vld [tilespmem:s13+$0x0]  }
.LBB2_17:
0x82: {  	s12 =	sadd.s32 @p0 $0x10, s12  }
0x83: {  	s13 =	sand.u32 $0xFFFFFF80, s2;
	s0 =	smov.u32 @p0 s12  }
0x84: {  	p1 =	por $0x1, $0x1;
	s12 =	ssub.s32 s0, s13  }
.Ltmp9:
0x85: {  	s20 =	sand.u32 $0x3FFFFF80, s2;
	s12 =	sand.u32 $0xFFFFFF80, s12;
	(pc) =	sbr.rel @!p1 .LBB2_18-.Ltmp9, $4  }
0x86: {  	s0 =	sand.u32 $0x70, s0;
	s2 =	sadd.s32 s12, s20  }
0x87: {  	v6 =	vadd.s32 v3, v6;
	s0 =	sor.u32 s0, s2  }
0x88: {  	p0 =	por $0x0, $0x0;
	s12 =	simm.s32 $0x300;
	[tilespmem:s0+$0x700] =	vst v6  }
0x89: {  	s13 =	simm.s32 $0x0;
	s2 =	simm.s32 $0x0;
	s0 =	simm.s32 $0x1;
	v6 =	vld [tilespmem:s12+$0x0]  }
0x8a: {  	s14 =	sand.u32 $0xFFFFFF80, s13  }
0x8b: {  	p3 =	por $0x1, $0x1;
	s14 =	ssub.s32 $0x0, s14  }
.Ltmp10:
0x8c: {  	s20 =	sand.u32 $0x3FFFFF80, s13;
	s14 =	sand.u32 $0xFFFFFF80, s14;
	(pc) =	sbr.rel @!p3 .LBB2_20-.Ltmp10, $4  }
0x8d: {  	s15 =	sand.u32 $0x70, s2;
	s13 =	sadd.s32 s14, s20  }
0x8e: {  	v6 =	vadd.s32 v4, v6;
	s13 =	sor.u32 s15, s13  }
0x8f: {  	s17 =	simm.s32 $0x2;
	s15 =	simm.s32 $0x310;
	[tilespmem:s13+$0x800] =	vst v6  }
0x90: {  	p2 =	por $0x1, $0x1;
	s14 =	simm.s32 $0x0;
	s13 =	simm.s32 $0x10;
	v6 =	vld [tilespmem:s15+$0x0]  }
.LBB2_21:
0x91: {  	p3 =	sne.s32 s17, $0xF;
	s18 =	sand.u32 $0xFFFFFF80, s13;
	s14 =	sadd.s32 $0x10, s14  }
0x92: {  	s18 =	ssub.s32 s14, s18  }
.Ltmp11:
0x93: {  	s13 =	sand.u32 $0x3FFFFF80, s13;
	s18 =	sand.u32 $0xFFFFFF80, s18;
	(pc) =	sbr.rel @p3 .LBB2_21-.Ltmp11, $4  }
0x94: {  	s19 =	sand.u32 $0x70, s14;
	s13 =	sadd.s32 s18, s13  }
0x95: {  	v6 =	vadd.s32 v4, v6;
	s13 =	sor.u32 s19, s13  }
0x96: {  	s15 =	sadd.s32 $0x10, s15;
	[tilespmem:s13+$0x800] =	vst v6  }
0x97: {  	s13 =	sshll.u32 s17, $0x4;
	s17 =	sadd.s32 $0x1, s17;
	v6 =	vld [tilespmem:s15+$0x0]  }
.LBB2_22:
0x98: {  	s14 =	sadd.s32 @p2 $0x10, s14;
	s15 =	simm.s32 $0x0  }
0x99: {  	s17 =	sand.u32 $0xFFFFFF80, s13;
	s15 =	smov.u32 @p2 s14  }
0x9a: {  	s14 =	ssub.s32 s15, s17  }
.Ltmp12:
0x9b: {  	s20 =	sand.u32 $0x3FFFFF80, s13;
	s14 =	sand.u32 $0xFFFFFF80, s14;
	(pc) =	sbr.rel @!p1 .LBB2_23-.Ltmp12, $4  }
0x9c: {  	s15 =	sand.u32 $0x70, s15;
	s13 =	sadd.s32 s14, s20  }
0x9d: {  	v6 =	vadd.s32 v4, v6;
	s13 =	sor.u32 s15, s13  }
0x9e: {  	[tilespmem:s13+$0x800] =	vst v6  }
0x9f: {  	v6 =	vld [tilespmem:s12+$0x0]  }
0xa0: {  	s12 =	simm.s32 $0x0  }
0xa1: {  	s13 =	sand.u32 $0xFFFFFF80, s12  }
0xa2: {  	p1 =	por $0x1, $0x1;
	s13 =	ssub.s32 $0x0, s13  }
.Ltmp13:
0xa3: {  	s12 =	sand.u32 $0x3FFFFF80, s12;
	s13 =	sand.u32 $0xFFFFFF80, s13;
	(pc) =	sbr.rel @!p1 .LBB2_25-.Ltmp13, $4  }
0xa4: {  	s14 =	sand.u32 $0x70, s2;
	v6 =	vshll.u32 v6, $0x1;
	s12 =	sadd.s32 s13, s12  }
0xa5: {  	v6 =	vadd.s32 $0x80000, v6;
	s12 =	sor.u32 s14, s12  }
0xa6: {  	s13 =	simm.s32 $0x310;
	[tilespmem:s12+$0x900] =	vst v6  }
0xa7: {  	p0 =	por $0x1, $0x1;
	s14 =	simm.s32 $0x2;
	s12 =	simm.s32 $0x0;
	v6 =	vld [tilespmem:s13+$0x0]  }
.LBB2_26:
0xa8: {  	p1 =	sne.s32 s14, $0xF;
	s15 =	sshll.u32 s0, $0x4;
	s0 =	smov.u32 s14  }
0xa9: {  	s12 =	sadd.s32 $0x10, s12;
	s17 =	sand.u32 $0xFFFFFF80, s15  }
0xaa: {  	s17 =	ssub.s32 s12, s17  }
.Ltmp14:
0xab: {  	s15 =	sand.u32 $0x3FFFFF80, s15;
	s17 =	sand.u32 $0xFFFFFF80, s17;
	(pc) =	sbr.rel @p1 .LBB2_26-.Ltmp14, $4  }
0xac: {  	s18 =	sand.u32 $0x70, s12;
	v6 =	vshll.u32 v6, $0x1;
	s15 =	sadd.s32 s17, s15  }
0xad: {  	v6 =	vadd.s32 $0x80000, v6;
	s15 =	sor.u32 s18, s15  }
0xae: {  	s13 =	sadd.s32 $0x10, s13;
	[tilespmem:s15+$0x900] =	vst v6  }
0xaf: {  	s14 =	sadd.s32 $0x1, s14;
	v6 =	vld [tilespmem:s13+$0x0]  }
.LBB2_27:
0xb0: {  	s0 =	sshll.u32 s0, $0x4;
	s12 =	sadd.s32 @p0 $0x10, s12  }
0xb1: {  	s13 =	sand.u32 $0xFFFFFF80, s0;
	s2 =	smov.u32 @p0 s12  }
0xb2: {  	p1 =	por $0x1, $0x1;
	s12 =	ssub.s32 s2, s13  }
.Ltmp15:
0xb3: {  	s0 =	sand.u32 $0x3FFFFF80, s0;
	s12 =	sand.u32 $0xFFFFFF80, s12;
	(pc) =	sbr.rel @!p1 .LBB2_28-.Ltmp15, $4  }
0xb4: {  	s2 =	sand.u32 $0x70, s2;
	v6 =	vshll.u32 v6, $0x1;
	s0 =	sadd.s32 s12, s0  }
0xb5: {  	v6 =	vadd.s32 $0x80000, v6;
	s0 =	sor.u32 s2, s0  }
0xb6: {  	p0 =	por $0x0, $0x0;
	s12 =	simm.s32 $0x300;
	[tilespmem:s0+$0x900] =	vst v6  }
0xb7: {  	s13 =	simm.s32 $0x0;
	s2 =	simm.s32 $0x0;
	s0 =	simm.s32 $0x1;
	v6 =	vld [tilespmem:s12+$0x0]  }
0xb8: {  	_ = 	snop  }
0xb9: {  	s14 =	sand.u32 $0xFFFFFF80, s13  }
0xba: {  	p3 =	por $0x1, $0x1;
	s14 =	ssub.s32 $0x0, s14  }
.Ltmp16:
0xbb: {  	s20 =	sand.u32 $0x3FFFFF80, s13;
	s14 =	sand.u32 $0xFFFFFF80, s14;
	(pc) =	sbr.rel @!p3 .LBB2_30-.Ltmp16, $4  }
0xbc: {  	s15 =	sand.u32 $0x70, s2;
	s13 =	sadd.s32 s14, s20;
	v6 =	vshll.u32 v6, $0x1  }
0xbd: {  	s13 =	sor.u32 s15, s13;
	v6 =	vadd.s32 $0x80001, v6  }
0xbe: {  	s17 =	simm.s32 $0x2;
	s15 =	simm.s32 $0x310;
	[tilespmem:s13+$0xA00] =	vst v6  }
0xbf: {  	p2 =	por $0x1, $0x1;
	s14 =	simm.s32 $0x0;
	s13 =	simm.s32 $0x1;
	v6 =	vld [tilespmem:s15+$0x0]  }
.LBB2_31:
0xc0: {  	p3 =	sne.s32 s17, $0xF;
	s18 =	sshll.u32 s13, $0x4;
	s13 =	smov.u32 s17  }
0xc1: {  	s14 =	sadd.s32 $0x10, s14;
	s19 =	sand.u32 $0xFFFFFF80, s18  }
0xc2: {  	s19 =	ssub.s32 s14, s19  }
.Ltmp17:
0xc3: {  	s18 =	sand.u32 $0x3FFFFF80, s18;
	s19 =	sand.u32 $0xFFFFFF80, s19;
	(pc) =	sbr.rel @p3 .LBB2_31-.Ltmp17, $4  }
0xc4: {  	s20 =	sand.u32 $0x70, s14;
	v6 =	vshll.u32 v6, $0x1;
	s18 =	sadd.s32 s19, s18  }
0xc5: {  	v6 =	vadd.s32 $0x80001, v6;
	s18 =	sor.u32 s20, s18  }
0xc6: {  	s15 =	sadd.s32 $0x10, s15;
	[tilespmem:s18+$0xA00] =	vst v6  }
0xc7: {  	s17 =	sadd.s32 $0x1, s17;
	v6 =	vld [tilespmem:s15+$0x0]  }
.LBB2_32:
0xc8: {  	s13 =	sshll.u32 s13, $0x4;
	s14 =	sadd.s32 @p2 $0x10, s14;
	s15 =	simm.s32 $0x0  }
0xc9: {  	s17 =	sand.u32 $0xFFFFFF80, s13;
	s15 =	smov.u32 @p2 s14  }
0xca: {  	s14 =	ssub.s32 s15, s17  }
.Ltmp18:
0xcb: {  	s13 =	sand.u32 $0x3FFFFF80, s13;
	s14 =	sand.u32 $0xFFFFFF80, s14;
	(pc) =	sbr.rel @!p1 .LBB2_33-.Ltmp18, $4  }
0xcc: {  	s15 =	sand.u32 $0x70, s15;
	v6 =	vshll.u32 v6, $0x1;
	s13 =	sadd.s32 s14, s13  }
0xcd: {  	v6 =	vadd.s32 $0x80001, v6;
	s13 =	sor.u32 s15, s13  }
0xce: {  	[tilespmem:s13+$0xA00] =	vst v6  }
0xcf: {  	v6 =	vld [tilespmem:s12+$0x0]  }
0xd0: {  	_ = 	snop  }
0xd1: {  	s12 =	simm.s32 $0x0  }
0xd2: {  	s13 =	sand.u32 $0xFFFFFF80, s12  }
0xd3: {  	p1 =	por $0x1, $0x1;
	s13 =	ssub.s32 $0x0, s13  }
.Ltmp19:
0xd4: {  	s12 =	sand.u32 $0x3FFFFF80, s12;
	s13 =	sand.u32 $0xFFFFFF80, s13;
	v6 =	vadd.s32 v0, v6;
	(pc) =	sbr.rel @!p1 .LBB2_35-.Ltmp19, $4  }
0xd5: {  	s14 =	sand.u32 $0x70, s2;
	s12 =	sadd.s32 s13, s12;
	v6 =	vshll.u32 v6, $0x1  }
0xd6: {  	s12 =	sor.u32 s14, s12;
	v6 =	vadd.s32 $0x88000, v6  }
0xd7: {  	s13 =	simm.s32 $0x310;
	[tilespmem:s12+$0xB00] =	vst v6  }
0xd8: {  	p0 =	por $0x1, $0x1;
	s14 =	simm.s32 $0x2;
	s12 =	simm.s32 $0x0;
	v6 =	vld [tilespmem:s13+$0x0]  }
.LBB2_36:
0xd9: {  	p1 =	sne.s32 s14, $0xF  }
0xda: {  	s15 =	sshll.u32 s0, $0x4;
	s0 =	smov.u32 s14  }
0xdb: {  	s12 =	sadd.s32 $0x10, s12;
	s17 =	sand.u32 $0xFFFFFF80, s15  }
0xdc: {  	s17 =	ssub.s32 s12, s17  }
.Ltmp20:
0xdd: {  	s15 =	sand.u32 $0x3FFFFF80, s15;
	s17 =	sand.u32 $0xFFFFFF80, s17;
	v6 =	vadd.s32 v0, v6;
	(pc) =	sbr.rel @p1 .LBB2_36-.Ltmp20, $4  }
0xde: {  	s18 =	sand.u32 $0x70, s12;
	s15 =	sadd.s32 s17, s15;
	v6 =	vshll.u32 v6, $0x1  }
0xdf: {  	s15 =	sor.u32 s18, s15;
	v6 =	vadd.s32 $0x88000, v6  }
0xe0: {  	s13 =	sadd.s32 $0x10, s13;
	[tilespmem:s15+$0xB00] =	vst v6  }
0xe1: {  	s14 =	sadd.s32 $0x1, s14;
	v6 =	vld [tilespmem:s13+$0x0]  }
.LBB2_37:
0xe2: {  	_ = 	snop  }
0xe3: {  	s0 =	sshll.u32 s0, $0x4;
	s12 =	sadd.s32 @p0 $0x10, s12  }
0xe4: {  	s13 =	sand.u32 $0xFFFFFF80, s0;
	s2 =	smov.u32 @p0 s12  }
0xe5: {  	s12 =	ssub.s32 s2, s13  }
0xe6: {  	s0 =	sand.u32 $0x3FFFFF80, s0;
	s12 =	sand.u32 $0xFFFFFF80, s12;
	v6 =	vadd.s32 v0, v6  }
0xe7: {  	s2 =	sand.u32 $0x70, s2;
	s0 =	sadd.s32 s12, s0;
	v6 =	vshll.u32 v6, $0x1  }
0xe8: {  	s0 =	sor.u32 s2, s0;
	v6 =	vadd.s32 $0x88000, v6  }
0xe9: {  	s15 =	simm.s32 $0x300;
	[tilespmem:s0+$0xB00] =	vst v6  }
0xea: {  	v6 =	vld [tilespmem:s15+$0x0];
	_ =	sdelay $0x1  }
0xeb: {  	s17 =	simm.s32 $0x0  }
0xec: {  	s18 =	sand.u32 $0xFFFFFF80, s17  }
0xed: {  	s19 =	ssub.s32 $0x0, s18  }
0xee: {  	s12 =	sand.u32 $0xFFFFFF80, s19;
	s2 =	sand.u32 $0x3FFFFF80, s17;
	s0 =	simm.s32 $0x0;
	v6 =	vadd.s32 v0, v6  }
0xef: {  	s2 =	sadd.s32 s12, s2;
	s20 =	sand.u32 $0x70, s0;
	v6 =	vshll.u32 v6, $0x1  }
0xf0: {  	s2 =	sor.u32 s20, s2;
	v6 =	vadd.s32 $0x88001, v6  }
0xf1: {  	[tilespmem:s2+$0xC00] =	vst v6;
	s2 =	simm.s32 $0x310  }
0xf2: {  	s13 =	simm.s32 $0x2;
	s12 =	simm.s32 $0x1;
	v6 =	vld [tilespmem:s2+$0x0]  }
.LBB2_38:
0xf3: {  	p0 =	sne.s32 s13, $0xF  }
0xf4: {  	s14 =	sshll.u32 s12, $0x4;
	s12 =	smov.u32 s13  }
0xf5: {  	s0 =	sadd.s32 $0x10, s0;
	s15 =	sand.u32 $0xFFFFFF80, s14  }
0xf6: {  	s15 =	ssub.s32 s0, s15  }
.Ltmp21:
0xf7: {  	s14 =	sand.u32 $0x3FFFFF80, s14;
	s15 =	sand.u32 $0xFFFFFF80, s15;
	v6 =	vadd.s32 v0, v6;
	(pc) =	sbr.rel @p0 .LBB2_38-.Ltmp21, $4  }
0xf8: {  	s17 =	sand.u32 $0x70, s0;
	s14 =	sadd.s32 s15, s14;
	v6 =	vshll.u32 v6, $0x1  }
0xf9: {  	s14 =	sor.u32 s17, s14;
	v6 =	vadd.s32 $0x88001, v6  }
0xfa: {  	s2 =	sadd.s32 $0x10, s2;
	[tilespmem:s14+$0xC00] =	vst v6  }
0xfb: {  	s13 =	sadd.s32 $0x1, s13;
	v6 =	vld [tilespmem:s2+$0x0]  }
0xfc: {  	_ = 	snop  }
0xfd: {  	s2 =	sshll.u32 s12, $0x4  }
0xfe: {  	s0 =	sadd.s32 $0x10, s0;
	s12 =	sand.u32 $0xFFFFFF80, s2  }
0xff: {  	s12 =	ssub.s32 s0, s12  }
0x100: {  	s2 =	sand.u32 $0x3FFFFF80, s2;
	s12 =	sand.u32 $0xFFFFFF80, s12;
	v6 =	vadd.s32 v0, v6  }
0x101: {  	s0 =	sand.u32 $0x70, s0;
	s2 =	sadd.s32 s12, s2;
	v6 =	vshll.u32 v6, $0x1  }
0x102: {  	s0 =	sor.u32 s0, s2;
	v6 =	vadd.s32 $0x88001, v6  }
0x103: {  	s19 =	simm.s32 $0x500;
	s20 =	simm.s32 $0xD00;
	[tilespmem:s0+$0xC00] =	vst v6  }
0x104: {  	[tilespmem:s20], [sflag:$0x1] =	stream.indirect.gather [hbm4b:s4+s9], $0x1, s19, s9, $0xb8;
	[tilespmem:$0x1900] =	vst v63  }
0x105: {  	s13 =	simm.s32 $0xD80;
	s12 =	simm.s32 $0x580  }
0x106: {  	[tilespmem:s13], [sflag:$0x1] =	stream.indirect.gather [hbm4b:s4+s9], $0x1, s12, s9, $0xb8;
	[tilespmem:$0x1900] =	vst v63  }
0x107: {  	s14 =	simm.s32 $0x600;
	s15 =	simm.s32 $0xE00  }
0x108: {  	[tilespmem:s15], [sflag:$0x1] =	stream.indirect.gather [hbm4b:s4+s9], $0x1, s14, s9, $0xb8;
	[tilespmem:$0x1900] =	vst v63  }
0x109: {  	s17 =	simm.s32 $0x680;
	s18 =	simm.s32 $0xE80  }
0x10a: {  	[tilespmem:s18], [sflag:$0x1] =	stream.indirect.gather [hbm4b:s4+s9], $0x1, s17, s9, $0xb8;
	[tilespmem:$0x1900] =	vst v63  }
0x10b: {  	s19 =	simm.s32 $0x700;
	s20 =	simm.s32 $0xF00  }
0x10c: {  	[tilespmem:s20], [sflag:$0x1] =	stream.indirect.gather [hbm4b:s4+s9], $0x1, s19, s9, $0xb8;
	[tilespmem:$0x1900] =	vst v63  }
0x10d: {  	s12 =	simm.s32 $0x780;
	s13 =	simm.s32 $0xF80  }
0x10e: {  	[tilespmem:s13], [sflag:$0x1] =	stream.indirect.gather [hbm4b:s4+s9], $0x1, s12, s9, $0xb8;
	[tilespmem:$0x1900] =	vst v63  }
0x10f: {  	s14 =	simm.s32 $0x800;
	s15 =	simm.s32 $0x1000  }
0x110: {  	[tilespmem:s15], [sflag:$0x1] =	stream.indirect.gather [hbm4b:s4+s9], $0x1, s14, s9, $0xb8;
	[tilespmem:$0x1900] =	vst v63  }
0x111: {  	s17 =	simm.s32 $0x880;
	s18 =	simm.s32 $0x1080  }
0x112: {  	[tilespmem:s18], [sflag:$0x1] =	stream.indirect.gather [hbm4b:s4+s9], $0x1, s17, s9, $0xb8;
	[tilespmem:$0x1900] =	vst v63  }
0x113: {  	s19 =	simm.s32 $0x900;
	s20 =	simm.s32 $0x1100  }
0x114: {  	[tilespmem:s20], [sflag:$0x1] =	stream.indirect.gather [hbm4b:s4+s9], $0x1, s19, s9, $0xb8;
	[tilespmem:$0x1900] =	vst v63  }
0x115: {  	s2 =	simm.s32 $0x980;
	s12 =	simm.s32 $0x1180  }
0x116: {  	[tilespmem:s12], [sflag:$0x1] =	stream.indirect.gather [hbm4b:s4+s9], $0x1, s2, s9, $0xb8;
	[tilespmem:$0x1900] =	vst v63  }
0x117: {  	s13 =	simm.s32 $0xA00;
	s14 =	simm.s32 $0x1200  }
0x118: {  	[tilespmem:s14], [sflag:$0x1] =	stream.indirect.gather [hbm4b:s4+s9], $0x1, s13, s9, $0xb8;
	[tilespmem:$0x1900] =	vst v63  }
0x119: {  	s15 =	simm.s32 $0xA80;
	s17 =	simm.s32 $0x1280  }
0x11a: {  	[tilespmem:s17], [sflag:$0x1] =	stream.indirect.gather [hbm4b:s4+s9], $0x1, s15, s9, $0xb8;
	[tilespmem:$0x1900] =	vst v63  }
0x11b: {  	_ = 	snop  }
0x11c: {  	[tilespmem:s22], [sflag:$0x1] =	stream.indirect.gather [hbm4b:s4+s9], $0x1, s21, s9, $0xb8;
	[tilespmem:$0x1900] =	vst v63  }
0x11d: {  	_ = 	snop  }
0x11e: {  	[tilespmem:s24], [sflag:$0x1] =	stream.indirect.gather [hbm4b:s4+s9], $0x1, s23, s9, $0xb8;
	[tilespmem:$0x1900] =	vst v63  }
0x11f: {  	_ = 	snop  }
0x120: {  	[tilespmem:s26], [sflag:$0x1] =	stream.indirect.gather [hbm4b:s4+s9], $0x1, s25, s9, $0xb8;
	[tilespmem:$0x1900] =	vst v63  }
0x121: {  	_ = 	snop  }
0x122: {  	[tilespmem:s29], [sflag:$0x1] =	stream.indirect.gather [hbm4b:s4+s9], $0x1, s28, s9, $0xb8;
	[tilespmem:$0x1900] =	vst v63  }
0x123: {  	_ =	swait.ge [sflag:s16], $0x80  }
0x124: {  	[sflag:s16] =	ssyncset.done $0x0  }
0x125: {  	[sflag:s16] =	ssyncadd.s32 $0xFFFFFF80  }
0x126: {  	_ =	swait.ge [sflag:s16], $0x80  }
0x127: {  	[sflag:s16] =	ssyncset.done $0x0  }
0x128: {  	[sflag:s16] =	ssyncadd.s32 $0xFFFFFF80  }
0x129: {  	_ =	swait.ge [sflag:s16], $0x80  }
0x12a: {  	[sflag:s16] =	ssyncset.done $0x0  }
0x12b: {  	[sflag:s16] =	ssyncadd.s32 $0xFFFFFF80  }
0x12c: {  	_ =	swait.ge [sflag:s16], $0x80  }
0x12d: {  	[sflag:s16] =	ssyncset.done $0x0  }
0x12e: {  	[sflag:s16] =	ssyncadd.s32 $0xFFFFFF80  }
0x12f: {  	_ =	swait.ge [sflag:s16], $0x80  }
0x130: {  	[sflag:s16] =	ssyncset.done $0x0  }
0x131: {  	[sflag:s16] =	ssyncadd.s32 $0xFFFFFF80  }
0x132: {  	_ =	swait.ge [sflag:s16], $0x80  }
0x133: {  	[sflag:s16] =	ssyncset.done $0x0  }
0x134: {  	[sflag:s16] =	ssyncadd.s32 $0xFFFFFF80  }
0x135: {  	_ =	swait.ge [sflag:s16], $0x80  }
0x136: {  	[sflag:s16] =	ssyncset.done $0x0  }
0x137: {  	[sflag:s16] =	ssyncadd.s32 $0xFFFFFF80  }
0x138: {  	_ =	swait.ge [sflag:s16], $0x80  }
0x139: {  	[sflag:s16] =	ssyncset.done $0x0  }
0x13a: {  	[sflag:s16] =	ssyncadd.s32 $0xFFFFFF80  }
0x13b: {  	_ =	swait.ge [sflag:s16], $0x80  }
0x13c: {  	[sflag:s16] =	ssyncset.done $0x0  }
0x13d: {  	[sflag:s16] =	ssyncadd.s32 $0xFFFFFF80  }
0x13e: {  	_ =	swait.ge [sflag:s16], $0x80  }
0x13f: {  	[sflag:s16] =	ssyncset.done $0x0  }
0x140: {  	[sflag:s16] =	ssyncadd.s32 $0xFFFFFF80  }
0x141: {  	_ =	swait.ge [sflag:s16], $0x80  }
0x142: {  	[sflag:s16] =	ssyncset.done $0x0  }
0x143: {  	[sflag:s16] =	ssyncadd.s32 $0xFFFFFF80  }
0x144: {  	_ =	swait.ge [sflag:s16], $0x80  }
0x145: {  	[sflag:s16] =	ssyncset.done $0x0  }
0x146: {  	[sflag:s16] =	ssyncadd.s32 $0xFFFFFF80  }
0x147: {  	_ =	swait.ge [sflag:s16], $0x80  }
0x148: {  	[sflag:s16] =	ssyncset.done $0x0  }
0x149: {  	[sflag:s16] =	ssyncadd.s32 $0xFFFFFF80  }
0x14a: {  	_ =	swait.ge [sflag:s16], $0x80  }
0x14b: {  	[sflag:s16] =	ssyncset.done $0x0  }
0x14c: {  	[sflag:s16] =	ssyncadd.s32 $0xFFFFFF80  }
0x14d: {  	s18 =	simm.s32 $0x0;
	_ =	swait.ge [sflag:s16], $0x80  }
0x14e: {  	s19 =	sand.u32 $0xFFFFFF80, s18;
	[sflag:s16] =	ssyncset.done $0x0  }
0x14f: {  	s0 =	sand.u32 $0x3FFFFF80, s18;
	s2 =	ssub.s32 $0x0, s19;
	[sflag:s16] =	ssyncadd.s32 $0xFFFFFF80  }
0x150: {  	s20 =	simm.s32 $0x0;
	s2 =	sand.u32 $0xFFFFFF80, s2;
	_ =	swait.ge [sflag:s16], $0x80  }
0x151: {  	s13 =	sand.u32 $0x70, s20;
	s0 =	sadd.s32 s2, s0;
	[sflag:s16] =	ssyncset.done $0x0  }
0x152: {  	s0 =	sor.u32 s13, s0;
	[sflag:s16] =	ssyncadd.s32 $0xFFFFFF80  }
0x153: {  	v6 =	vld [tilespmem:s0+$0x1400]  }
0x154: {  	v7 =	vld [tilespmem:s0+$0x1200]  }
0x155: {  	v14 =	vld [tilespmem:s0+$0x1100]  }
0x156: {  	v15 =	vld [tilespmem:s0+$0x1300]  }
0x157: {  	v8 =	vmov s20  }
0x158: {  	v8 =	vshll.u32 v8, $0x2;
	v9 =	vld [tilespmem:s0+$0xD00]  }
0x159: {  	v8 =	vor.u32 v5, v8;
	v12 =	vld [tilespmem:s0+$0xE00]  }
0x15a: {  	s12 =	simm.s32 $0x10;
	v10 =	vor.u32 $0x1, v8;
	v11 =	vld [tilespmem:s0+$0xF00];
	v7 =	vadd.f32 v6, v7  }
0x15b: {  	s2 =	simm.s32 $0x2;
	s13 =	sand.u32 $0xFFFFFF80, s12;
	v13 =	vld [tilespmem:s0+$0x1000];
	s0 =	simm.s32 $0x10;
	v6 =	vor.u32 $0x3, v8;
	v15 =	vadd.f32 v15, v14;
	v14 =	vor.u32 $0x2, v8  }
.LBB2_40:
0x15c: {  	p0 =	sne.s32 s2, $0xF  }
0x15d: {  	s13 =	ssub.s32 s0, s13;
	s14 =	smov.u32 s2;
	s2 =	sadd.s32 $0x1, s2  }
0x15e: {  	s12 =	sand.u32 $0x3FFFFF80, s12;
	s13 =	sand.u32 $0xFFFFFF80, s13;
	v9 =	vsub.f32 v15, v9;
	v12 =	vsub.f32 v7, v12  }
0x15f: {  	s15 =	sand.u32 $0x70, s0;
	s12 =	sadd.s32 s13, s12;
	v11 =	vadd.f32 v15, v11  }
0x160: {  	s13 =	sor.u32 s15, s12;
	[tilespmem:v8+s30+$0x0] =	vst.idx.msk $0xffff, v9;
	v7 =	vadd.f32 v7, v13  }
0x161: {  	[tilespmem:v10+s30+$0x0] =	vst.idx.msk $0xffff, v12  }
0x162: {  	[tilespmem:v14+s30+$0x0] =	vst.idx.msk $0xffff, v11  }
0x163: {  	[tilespmem:v6+s30+$0x0] =	vst.idx.msk $0xffff, v7  }
0x164: {  	v6 =	vld [tilespmem:s13+$0x1400]  }
0x165: {  	v7 =	vld [tilespmem:s13+$0x1200]  }
0x166: {  	v14 =	vld [tilespmem:s13+$0x1100]  }
0x167: {  	v15 =	vld [tilespmem:s13+$0x1300]  }
.Ltmp22:
0x168: {  	v8 =	vmov s0;
	v9 =	vld [tilespmem:s13+$0xD00];
	(pc) =	sbr.rel @p0 .LBB2_40-.Ltmp22, $4  }
0x169: {  	v8 =	vshll.u32 v8, $0x2;
	v12 =	vld [tilespmem:s13+$0xE00]  }
0x16a: {  	v8 =	vor.u32 v5, v8;
	v11 =	vld [tilespmem:s13+$0xF00];
	v7 =	vadd.f32 v6, v7  }
0x16b: {  	s12 =	sshll.u32 s14, $0x4;
	v10 =	vor.u32 $0x1, v8;
	v6 =	vor.u32 $0x3, v8;
	v13 =	vld [tilespmem:s13+$0x1000]  }
0x16c: {  	s0 =	sadd.s32 $0x10, s0;
	s13 =	sand.u32 $0xFFFFFF80, s12;
	v15 =	vadd.f32 v15, v14;
	v14 =	vor.u32 $0x2, v8  }
0x16d: {  	_ =	sdelay $0x1  }
0x16e: {  	v9 =	vsub.f32 v15, v9  }
0x16f: {  	v12 =	vsub.f32 v7, v12  }
0x170: {  	s2 =	ssub.s32 s0, s13;
	v11 =	vadd.f32 v15, v11;
	[tilespmem:v8+s30+$0x0] =	vst.idx.msk $0xffff, v9  }
0x171: {  	s12 =	sand.u32 $0x3FFFFF80, s12;
	s2 =	sand.u32 $0xFFFFFF80, s2;
	v7 =	vadd.f32 v7, v13;
	[tilespmem:v10+s30+$0x0] =	vst.idx.msk $0xffff, v12  }
0x172: {  	s20 =	sand.u32 $0x70, s0;
	s2 =	sadd.s32 s2, s12;
	[tilespmem:v14+s30+$0x0] =	vst.idx.msk $0xffff, v11  }
0x173: {  	s2 =	sor.u32 s20, s2;
	[tilespmem:v6+s30+$0x0] =	vst.idx.msk $0xffff, v7  }
0x174: {  	v6 =	vld [tilespmem:s2+$0x1400]  }
0x175: {  	v7 =	vld [tilespmem:s2+$0x1100]  }
0x176: {  	v8 =	vld [tilespmem:s2+$0x1300]  }
0x177: {  	v9 =	vld [tilespmem:s2+$0x1200]  }
0x178: {  	v59 =	vmov s0;
	v10 =	vld [tilespmem:s2+$0xD00]  }
0x179: {  	v11 =	vshll.u32 v59, $0x2;
	v12 =	vld [tilespmem:s2+$0xE00]  }
0x17a: {  	v11 =	vor.u32 v5, v11;
	v60 =	vld [tilespmem:s2+$0xF00]  }
0x17b: {  	v14 =	vld [tilespmem:s2+$0x1000];
	v61 =	vor.u32 $0x1, v11;
	v7 =	vadd.f32 v8, v7  }
0x17c: {  	v62 =	vor.u32 $0x2, v11;
	v6 =	vadd.f32 v6, v9  }
0x17d: {  	v63 =	vor.u32 $0x3, v11;
	v10 =	vsub.f32 v7, v10  }
0x17e: {  	v12 =	vsub.f32 v6, v12  }
0x17f: {  	v7 =	vadd.f32 v7, v60;
	[tilespmem:v11+s30+$0x0] =	vst.idx.msk $0xffff, v10  }
0x180: {  	v6 =	vadd.f32 v6, v14;
	[tilespmem:v61+s30+$0x0] =	vst.idx.msk $0xffff, v12  }
0x181: {  	[tilespmem:v62+s30+$0x0] =	vst.idx.msk $0xffff, v7  }
0x182: {  	[tilespmem:v63+s30+$0x0] =	vst.idx.msk $0xffff, v6  }
0x183: {  	[hbm4b:s6+s9] =	stream.strided.scatter [tilespmem:s30], [sflag:$0x2], $0x400, s10, s9, $0x38;
	[tilespmem:$0x1900] =	vst v63  }
0x184: {  	_ =	swait.ge [sflag:s11], $0x400  }
0x185: {  	s31 =	sadd.s32 $0x1, s31;
	[sflag:s11] =	ssyncset.done $0x0  }
0x186: {  	p0 =	sne.s32 s31, s8;
	[sflag:s11] =	ssyncadd.s32 $0xFFFFFC00  }
0x187: {  	[hbm4b:s7+s9] =	stream.strided.scatter [tilespmem:s10], [sflag:$0x2], $0x100, s10, s9, $0x38;
	[tilespmem:$0x1900] =	vst v63  }
.Ltmp23:
0x188: {  	_ = 	snop;
	(pc) =	sbr.rel @p0 .LBB2_1-.Ltmp23, $4  }
.Ltmp24:
0x189: {  	_ = 	snop;
	(pc) =	sbr.rel @!p0 .LBB2_42-.Ltmp24, $4  }
0x18a: {  	_ =	swait.ge [sflag:s11], $0x100  }
0x18b: {  	[sflag:s11] =	ssyncset.done $0x0  }
0x18c: {  	[sflag:s11] =	ssyncadd.s32 $0xFFFFFF00  }
0x18d: {  	_ = 	snop  }
.LBB2_8:
.Ltmp25:
0x18e: {  	(pc) =	sbr.rel .LBB2_12-.Ltmp25, $2  }
0x18f: {  	_ =	sdelay $0x2  }
0x190: {  	s13 =	simm.s32 $0x0;
	s14 =	simm.s32 $0x0;
	p2 =	por $0x0, $0x0  }
.LBB2_13:
.Ltmp26:
0x191: {  	(pc) =	sbr.rel .LBB2_17-.Ltmp26, $2  }
0x192: {  	_ =	sdelay $0x2  }
0x193: {  	s12 =	simm.s32 $0x0  }
.LBB2_18:
.Ltmp27:
0x194: {  	(pc) =	sbr.rel .LBB2_22-.Ltmp27, $2  }
0x195: {  	_ =	sdelay $0x2  }
0x196: {  	s14 =	simm.s32 $0x0;
	p2 =	por $0x0, $0x0  }
.LBB2_23:
.Ltmp28:
0x197: {  	(pc) =	sbr.rel .LBB2_27-.Ltmp28, $2  }
0x198: {  	_ =	sdelay $0x2  }
0x199: {  	s0 =	simm.s32 $0x0;
	s12 =	simm.s32 $0x0  }
.LBB2_28:
.Ltmp29:
0x19a: {  	(pc) =	sbr.rel .LBB2_32-.Ltmp29, $2  }
0x19b: {  	_ =	sdelay $0x2  }
0x19c: {  	s14 =	simm.s32 $0x0;
	p2 =	por $0x0, $0x0  }
.LBB2_33:
.Ltmp30:
0x19d: {  	(pc) =	sbr.rel .LBB2_37-.Ltmp30, $2  }
0x19e: {  	_ =	sdelay $0x2  }
0x19f: {  	s0 =	simm.s32 $0x0;
	s12 =	simm.s32 $0x0  }
.LBB2_10:
.Ltmp31:
0x1a0: {  	(pc) =	sbr.rel .LBB2_12-.Ltmp31, $2  }
0x1a1: {  	_ =	sdelay $0x2  }
0x1a2: {  	s14 =	simm.s32 $0x0  }
.LBB2_15:
.Ltmp32:
0x1a3: {  	(pc) =	sbr.rel .LBB2_17-.Ltmp32, $2  }
0x1a4: {  	_ =	sdelay $0x2  }
0x1a5: {  	s12 =	simm.s32 $0x0  }
.LBB2_20:
.Ltmp33:
0x1a6: {  	(pc) =	sbr.rel .LBB2_22-.Ltmp33, $2  }
0x1a7: {  	_ =	sdelay $0x2  }
0x1a8: {  	s14 =	simm.s32 $0x0  }
.LBB2_25:
.Ltmp34:
0x1a9: {  	(pc) =	sbr.rel .LBB2_27-.Ltmp34, $2  }
0x1aa: {  	_ =	sdelay $0x2  }
0x1ab: {  	s12 =	simm.s32 $0x0  }
.LBB2_30:
.Ltmp35:
0x1ac: {  	(pc) =	sbr.rel .LBB2_32-.Ltmp35, $2  }
0x1ad: {  	_ =	sdelay $0x2  }
0x1ae: {  	s13 =	simm.s32 $0x1;
	s14 =	simm.s32 $0x0  }
.LBB2_35:
.Ltmp36:
0x1af: {  	(pc) =	sbr.rel .LBB2_37-.Ltmp36, $2  }
0x1b0: {  	_ =	sdelay $0x2  }
0x1b1: {  	s12 =	simm.s32 $0x0  }
.LBB2_42:
0x1b2: {  	_ =	sfence.sel $0x180000  }
0x1b3: {  	[bflag:$0x0] =	sbarrier.arrive $0xFFFF  }
0x1b4: {  	_ =	strace $0x9000004D  }
0x1b5: {  	s0 =	stileid.u32;
	[bflag:$0x2] =	sbarrier.arrive $0xFFFF  }
0x1b6: {  	p0 =	sne.s32 s0, $0x0;
	s0 =	rddreg [dreg:$0x3]  }
0x1b7: {  	s0 =	sadd.s32 @!p0 $0x100000, s0  }
0x1b8: {  	[sflag:s0] =	ssyncadd.tile.s32 @!p0 $0x1;
	_ =	shalt  }
.Lfunc_end2:
_tile_overlayer_lowered:
.L_overlay_start_2:
0x1b9: {  	(tag) =	ssettag $0x2  }
0x1ba: {  	s0 =	rddreg [dreg:$0x0];
	s2 =	stileid.u32  }
0x1bb: {  	s1 =	rddreg [dreg:$0x1];
	p0 =	sne.s32 s2, $0x0  }
0x1bc: {  	s3 =	rddreg [dreg:$0x2];
	[bflag:$0x3] =	sbarrier.arrive $0xFFFF;
	s2 =	simm.s32 @!p0 $0x1C02  }
0x1bd: {  	[timem:s3], [sflag:s2] =	dma.local @!p0 [hbm:s0], s1  }
0x1be: {  	s0 =	simm.s32 @!p0 $0x2  }
0x1bf: {  	_ =	swait.ge @!p0 [sflag:s0], s1  }
0x1c0: {  	s1 =	ssub.s32 @!p0 $0x0, s1;
	[sflag:s0] =	ssyncset.done @!p0 $0x0  }
0x1c1: {  	[sflag:s0] =	ssyncadd.s32 @!p0 s1  }
0x1c2: {  	[bflag:$0x3] =	sbarrier.arrive $0xFFFF  }
0x1c3: {  	_ =	shalt  }

// kernel: sparse-core-data-format-call.cloned.1.call-start
scs
called_computation_lowered:
.L_overlay_start_0:
0x0: {  	s1 =	sld [smem:$0x3FD9]  }
0x1: {  	s2 =	sld [smem:$0x3FFE];
	_ =	sdelay $0x1  }
0x2: {  	s3 =	srdreg.scid  }
0x3: {  	s0 =	sand.u32 $0x1, s3  }
0x4: {  	s17 =	sshll.u32 s0, $0xA;
	s1 =	sadd.s32 s2, s1  }
0x5: {  	s1 =	sadd.s32 s1, s17  }
0x6: {  	[smem:$0x3FC3] =	sst s1  }
0x7: {  	_ = 	snop  }
0x8: {  	(tm) =	ssettm $0x1  }
0x9: {  	s18 =	sld [smem:$0x3FFB];
	_ =	sdelay $0x3  }
0xa: {  	_ =	strace s18  }
0xb: {  	s1 =	sld [smem:$0x3FFC];
	_ =	sdelay $0x3  }
0xc: {  	_ =	strace s1  }
0xd: {  	s1 =	sld [smem:$0x3FFD];
	_ =	sdelay $0x3  }
0xe: {  	_ =	strace s1  }
0xf: {  	_ =	strace $0x8FFFFFFF  }
0x10: {  	s19 =	sld [smem:$0x3FDB];
	_ =	sdelay $0x1  }
0x11: {  	s20 =	simm.s32 $_scs_section_size  }
0x12: {  	s4 =	simm.s32 $_size__tile_overlayer_lowered;
	s5 =	simm.s32 $_tile_overlayer_lowered  }
0x13: {  	s23 =	simm.s32 $0x1BFF;
	s22 =	sshll.u32 s5, $0x1;
	s1 =	sadd.s32 s20, s19  }
0x14: {  	s6 =	simm.s32 $0x0;
	s21 =	sshll.u32 s4, $0x1;
	s4 =	sadd.s32 s22, s1  }
0x15: {  	[timem:s6], [sflag:s23] =	dma.local [hbm:s4], s21  }
0x16: {  	_ =	swait.ge [sflag:s23], s21  }
0x17: {  	s2 =	ssub.s32 $0x0, s21;
	[sflag:s23] =	ssyncset.done $0x0  }
0x18: {  	[sflag:s23] =	ssyncadd.s32 s2;
	_ =	sdelay $0x1  }
0x19: {  	s24 =	simm.s32 $0x1B8B  }
0x1a: {  	_ =	swait.ge [sflag:s24], $0x1  }
0x1b: {  	[sflag:s24] =	ssyncset.done $0x0  }
0x1c: {  	s26 =	simm.s32 $0x1B8E;
	s25 =	sld [smem:$0x3FFE];
	[sflag:s24] =	ssyncadd.s32 $0xFFFFFFFF  }
0x1d: {  	s27 =	simm.s32 $execute0_lowered;
	[smem:$0x3FD2] =	sst s26  }
0x1e: {  	s4 =	sshll.u32 s27, $0x1;
	_ =	strace $0x80000046;
	[dreg:$0x1] =	wrdreg $0xFFFFFFFF  }
0x1f: {  	s28 =	simm.s32 $_size_execute0_lowered;
	s1 =	sadd.s32 s1, s4;
	[dreg:$0x0] =	wrdreg $0x0  }
0x20: {  	s4 =	sshll.u32 s28, $0x1;
	[dreg:$0x2] =	wrdreg s1  }
0x21: {  	[dreg:$0x3] =	wrdreg s4  }
0x22: {  	[dreg:$0x4] =	wrdreg $0xC0  }
0x23: {  	_ =	task [dreg:s6], $0x5FFFF  }
0x24: {  	[dreg:$0x1] =	wrdreg $0xFFFFFFFF  }
0x25: {  	[dreg:$0x0] =	wrdreg $0x60  }
0x26: {  	[dreg:$0x2] =	wrdreg s25  }
0x27: {  	[dreg:$0x3] =	wrdreg $0x9  }
0x28: {  	_ =	task.clear_ibuf [dreg:s6], $0x4FFFF;
	_ =	strace $0x90000046  }
0x29: {  	s29 =	simm.s32 $0x9;
	_ =	strace $0x80000048  }
0x2a: {  	_ =	swait.ge [sflag:s29], $0x1  }
0x2b: {  	[sflag:s29] =	ssyncadd.s32 $0xFFFFFFFF  }
0x2c: {  	_ =	strace $0x90000048  }
0x2d: {  	_ =	sfence  }
0x2e: {  	s30 =	sld [smem:$0x0];
	_ =	sdelay $0x2  }
0x2f: {  	s31 =	sshll.u32 s3, $0xD;
	s3 =	sshrl.u32 s3, $0x2  }
0x30: {  	s2 =	sand.u32 $0x4000, s31;
	s1 =	sadd.s32 s3, s30  }
0x31: {  	s0 =	sor.u32 s2, s0;
	s1 =	sshll.u32 s1, $0x11  }
0x32: {  	s0 =	sor.u32 s1, s0  }
0x33: {  	s0 =	sadd.s32 $0x8F2B, s0  }
0x34: {  	[sflag:s0] =	ssyncadd.remote.s32 $0x1  }
0x35: {  	_ =	sfence.sel $0xFFFF  }
0x36: {  	[dreg:$0x0] =	wrdreg $0xFFFFFFFF;
	(pc) =	sbr.abs _section_cstart, $3  }
0x37: {  	[dreg:$0x1] =	wrdreg $0xFFFFFFFF  }
0x38: {  	_ =	task.clear_ibuf [dreg:s6], $0x2FFFF;
	_ =	strace $0x9FFFFFFF  }
0x39: {  	(tm) =	ssettm $0x7FFFFFFF  }
tec
execute0_lowered:
.L_overlay_start_1:
0x0: {  	(tag) =	ssettag $0x1  }
0x1: {  	s0 =	stileid.u32;
	s1 =	srdreg.scid  }
0x2: {  	s7 =	simm.s32 $0x1;
	s8 =	simm.s32 $0x2;
	s15 =	simm.s32 $0x0  }
0x3: {  	s9 =	simm.s32 $0x80;
	s2 =	sshll.u32 s0, $0x4;
	s1 =	sshll.u32 s1, $0x8  }
0x4: {  	s10 =	simm.s32 $0x400;
	s11 =	simm.s32 $0x0;
	s1 =	sor.u32 s2, s1  }
0x5: {  	s16 =	simm.s32 $0x0;
	s2 =	rddreg [dreg:$0x0];
	s3 =	sand.u32 $0x180, s1  }
0x6: {  	s14 =	simm.s32 $0x0;
	s1 =	rddreg [dreg:$0x1];
	s6 =	ssub.s32 $0x4000, s3  }
.Ltmp0:
0x7: {  	_ =	strace $0x80000047;
	s5 =	sand.u32 $0x180, s6;
	(pc) =	sbr.rel .LBB1_1-.Ltmp0, $4  }
0x8: {  	s4 =	sadd.s32 $0x340000, s2;
	s12 =	smov.u32 s3;
	p0 =	sne.s32 s5, $0x0  }
0x9: {  	s6 =	sshrl.u32 s6, $0x9;
	s5 =	simm.s32 $0x1;
	s7 =	simm.s32 @!p0 $0x0  }
0xa: {  	[sflag:s5] =	ssyncpa.u1 $0x0;
	s6 =	sadd.s32 s7, s6;
	s7 =	sand.u32 $0x7, s0  }
0xb: {  	[sflag:s8] =	ssyncpa.u1 $0x0;
	s8 =	sadd.s32 $0x1, s6;
	s13 =	smov.u32 s7  }
.LBB1_4:
0xc: {  	_ =	sdelay $0x3  }
0xd: {  	[tilespmem:v0+s18+$0xFFFFFFA0 ss:$0x1] =	vst.idx.msk $0xffff, v6  }
0xe: {  	v56 =	vld.idx.msk [tilespmem:v1+s19+$0x30 ss:$0x1], $0xffff;
	[tilespmem:v0+s18+$0xFFFFFFB0 ss:$0x1] =	vst.idx.msk $0xffff, v4  }
0xf: {  	v57 =	vld.idx.msk [tilespmem:v1+s19+$0xFFFFFFC0 ss:$0x1], $0xffff;
	[tilespmem:v0+s18+$0xFFFFFFC0 ss:$0x1] =	vst.idx.msk $0xffff, v2  }
0x10: {  	v58 =	vld.idx.msk [tilespmem:v1+s19+$0xFFFFFFD0 ss:$0x1], $0xffff;
	[tilespmem:v0+s18+$0xFFFFFFD0 ss:$0x1] =	vst.idx.msk $0xffff, v3  }
0x11: {  	v59 =	vld.idx.msk [tilespmem:v1+s19+$0xFFFFFFE0 ss:$0x1], $0xffff;
	[tilespmem:v0+s18+$0xFFFFFFE0 ss:$0x1] =	vst.idx.msk $0xffff, v5  }
0x12: {  	v60 =	vld.idx.msk [tilespmem:v1+s19+$0xFFFFFFF0 ss:$0x1], $0xffff;
	[tilespmem:v0+s18+$0xFFFFFFF0 ss:$0x1] =	vst.idx.msk $0xffff, v7  }
0x13: {  	v61 =	vld.idx.msk [tilespmem:v1+s19+$0x0 ss:$0x1], $0xffff;
	[tilespmem:v0+s19+$0x0 ss:$0x1] =	vst.idx.msk $0xffff, v56  }
0x14: {  	v62 =	vld.idx.msk [tilespmem:v1+s19+$0x10 ss:$0x1], $0xffff;
	[tilespmem:v0+s19+$0xFFFFFF90 ss:$0x1] =	vst.idx.msk $0xffff, v57  }
0x15: {  	v63 =	vld.idx.msk [tilespmem:v1+s19+$0x20 ss:$0x1], $0xffff;
	[tilespmem:v0+s19+$0xFFFFFFA0 ss:$0x1] =	vst.idx.msk $0xffff, v58  }
0x16: {  	[tilespmem:v0+s19+$0xFFFFFFB0 ss:$0x1] =	vst.idx.msk $0xffff, v59  }
0x17: {  	s16 =	sshll.u32 s16, $0x4;
	[tilespmem:v0+s19+$0xFFFFFFC0 ss:$0x1] =	vst.idx.msk $0xffff, v60  }
0x18: {  	s16 =	sand.u32 $0x70, s16;
	[tilespmem:v0+s19+$0xFFFFFFD0 ss:$0x1] =	vst.idx.msk $0xffff, v61  }
0x19: {  	s15 =	sshll.u32 s15, $0x7;
	s16 =	sadd.s32 s2, s16;
	[tilespmem:v0+s19+$0xFFFFFFE0 ss:$0x1] =	vst.idx.msk $0xffff, v62  }
0x1a: {  	s15 =	sadd.s32 s15, s16;
	[tilespmem:v0+s19+$0xFFFFFFF0 ss:$0x1] =	vst.idx.msk $0xffff, v63  }
0x1b: {  	[hbm4b:s15+s9] =	stream.strided.scatter [tilespmem:s17], [sflag:$0x2], $0x4000, s10, s9, $0x38;
	[tilespmem:$0x10000] =	vst v63  }
.LBB1_5:
0x1c: {  	s17 =	sadd.s32 $0x200, s12  }
0x1d: {  	s15 =	sadd.s32 $0x8, s13;
	s19 =	smov.u32 s13;
	p1 =	sgt.s32 s17, $0x3FFF  }
0x1e: {  	s19 =	smov.u32 @p1 s15  }
0x1f: {  	s17 =	smov.u32 @p1 s3;
	p1 =	sgt.s32 s19, $0x7  }
0x20: {  	s19 =	smov.u32 @p1 s7;
	p1 =	sne.s32 s14, s8  }
.Ltmp1:
0x21: {  	p0 =	slt.u32 s14, $0x2;
	(pc) =	sbr.rel @!p1 .LBB1_6-.Ltmp1, $4  }
0x22: {  	s18 =	simm.s32 @!p0 $0x2  }
0x23: {  	s16 =	smov.u32 s13;
	s11 =	sadd.s32 $0x4000, s11;
	_ =	swait.ge @!p0 [sflag:s18], $0x4000  }
0x24: {  	s15 =	smov.u32 s12;
	[sflag:s18] =	ssyncset.done @!p0 $0x0;
	s12 =	smov.u32 s17  }
0x25: {  	s14 =	sadd.s32 $0x1, s14;
	[sflag:s18] =	ssyncadd.s32 @!p0 $0xFFFFC000;
	s13 =	smov.u32 s19  }
.LBB1_1:
0x26: {  	p0 =	sge.u32 s14, s6;
	s31 =	sadd.s32 $0xFFFFFFFF, s14  }
0x27: {  	s17 =	sxor.u32 @!p0 $0xFFFFFFFF, s14;
	s18 =	sshll.u32 @!p0 s13, $0x12;
	s19 =	sshll.u32 @!p0 s12, $0x4  }
0x28: {  	s17 =	sshll.u32 @!p0 s17, $0xE;
	s19 =	sand.u32 @!p0 $0x3FFF0, s19;
	s18 =	sadd.s32 @!p0 s4, s18  }
0x29: {  	s17 =	sand.u32 @!p0 $0x4000, s17;
	s18 =	sadd.s32 @!p0 s19, s18;
	s19 =	simm.s32 @!p0 $0x0  }
0x2a: {  	[tilespmem:s17], [sflag:$0x1] =	stream.linear.gather @!p0 [hbm4b:s18+s19], $0x4000, $0x38;
	[tilespmem:$0x10000] =	vst v63  }
0x2b: {  	p0 =	sge.u32 s31, s6  }
.Ltmp2:
0x2c: {  	_ = 	snop;
	(pc) =	sbr.rel @p0 .LBB1_5-.Ltmp2, $1  }
0x2d: {  	_ =	sdelay $0x3  }
0x2e: {  	s17 =	sand.u32 $0x4000, s11  }
0x2f: {  	s18 =	sor.u32 $0x40, s17  }
0x30: {  	v1 =	vmov s18;
	_ =	sdelay $0x1  }
0x31: {  	_ =	swait.ge [sflag:s5], $0x4000  }
0x32: {  	[sflag:s5] =	ssyncset.done $0x0  }
0x33: {  	[sflag:s5] =	ssyncadd.s32 $0xFFFFC000;
	s18 =	simm.s32 $0x0  }
0x34: {  	s17 =	sor.u32 $0x8070, s17;
	v7 =	vld.idx.msk [tilespmem:v1+s18+$0x30 ss:$0x1], $0xffff  }
0x35: {  	v0 =	vmov s17;
	v8 =	vld.idx.msk [tilespmem:v1+s18+$0xFFFFFFC0 ss:$0x1], $0xffff  }
0x36: {  	v6 =	vld.idx.msk [tilespmem:v1+s18+$0xFFFFFFD0 ss:$0x1], $0xffff  }
0x37: {  	v4 =	vld.idx.msk [tilespmem:v1+s18+$0xFFFFFFE0 ss:$0x1], $0xffff  }
0x38: {  	v2 =	vld.idx.msk [tilespmem:v1+s18+$0xFFFFFFF0 ss:$0x1], $0xffff  }
0x39: {  	s31 =	sshll.u32 s14, $0xE;
	v3 =	vld.idx.msk [tilespmem:v1+s18+$0x0 ss:$0x1], $0xffff  }
0x3a: {  	s17 =	sand.u32 $0x4000, s31;
	v5 =	vld.idx.msk [tilespmem:v1+s18+$0x10 ss:$0x1], $0xffff;
	[tilespmem:v0+s18+$0x0 ss:$0x1] =	vst.idx.msk $0xffff, v7  }
0x3b: {  	s19 =	simm.s32 $0x80;
	s20 =	simm.s32 $0x400;
	s17 =	sor.u32 $0x8000, s17;
	[tilespmem:v0+s18+$0xFFFFFF90 ss:$0x1] =	vst.idx.msk $0xffff, v8;
	v7 =	vld.idx.msk [tilespmem:v1+s18+$0x20 ss:$0x1], $0xffff  }
.LBB1_3:
0x3c: {  	p0 =	sne.s32 s20, $0xFE00;
	v8 =	vld.idx.msk [tilespmem:v1+s19+$0x30 ss:$0x1], $0xffff;
	[tilespmem:v0+s18+$0xFFFFFFA0 ss:$0x1] =	vst.idx.msk $0xffff, v6  }
0x3d: {  	v9 =	vld.idx.msk [tilespmem:v1+s19+$0xFFFFFFC0 ss:$0x1], $0xffff;
	[tilespmem:v0+s18+$0xFFFFFFB0 ss:$0x1] =	vst.idx.msk $0xffff, v4  }
0x3e: {  	v6 =	vld.idx.msk [tilespmem:v1+s19+$0xFFFFFFD0 ss:$0x1], $0xffff;
	[tilespmem:v0+s18+$0xFFFFFFC0 ss:$0x1] =	vst.idx.msk $0xffff, v2  }
.Ltmp3:
0x3f: {  	v4 =	vld.idx.msk [tilespmem:v1+s19+$0xFFFFFFE0 ss:$0x1], $0xffff;
	[tilespmem:v0+s18+$0xFFFFFFD0 ss:$0x1] =	vst.idx.msk $0xffff, v3;
	(pc) =	sbr.rel @p0 .LBB1_3-.Ltmp3, $4  }
0x40: {  	v2 =	vld.idx.msk [tilespmem:v1+s19+$0xFFFFFFF0 ss:$0x1], $0xffff;
	[tilespmem:v0+s18+$0xFFFFFFE0 ss:$0x1] =	vst.idx.msk $0xffff, v5  }
0x41: {  	v3 =	vld.idx.msk [tilespmem:v1+s19+$0x0 ss:$0x1], $0xffff;
	[tilespmem:v0+s18+$0xFFFFFFF0 ss:$0x1] =	vst.idx.msk $0xffff, v7;
	s18 =	smov.u32 s19  }
0x42: {  	v5 =	vld.idx.msk [tilespmem:v1+s18+$0x10 ss:$0x1], $0xffff;
	[tilespmem:v0+s18+$0x0 ss:$0x1] =	vst.idx.msk $0xffff, v8  }
0x43: {  	s19 =	sshra.s32 s20, $0x2;
	s20 =	sadd.s32 $0x200, s20;
	[tilespmem:v0+s18+$0xFFFFFF90 ss:$0x1] =	vst.idx.msk $0xffff, v9;
	v7 =	vld.idx.msk [tilespmem:v1+s18+$0x20 ss:$0x1], $0xffff  }
.Ltmp4:
0x44: {  	_ = 	snop;
	(pc) =	sbr.rel .LBB1_4-.Ltmp4, $1  }
0x45: {  	_ =	sdelay $0x3  }
.LBB1_6:
0x46: {  	_ =	sfence.sel $0x180000  }
0x47: {  	s2 =	simm.s32 $0x1;
	[bflag:$0x0] =	sbarrier.arrive $0xFFFF  }
0x48: {  	s31 =	simm.s32 $0x2;
	[sflag:s2] =	ssyncpa.u1 $0x1  }
0x49: {  	[sflag:s31] =	ssyncpa.u1 $0x1  }
0x4a: {  	p0 =	sne.s32 s0, $0x0;
	_ =	strace $0x90000047  }
0x4b: {  	s0 =	sadd.s32 @!p0 $0x100000, s1;
	[bflag:$0x2] =	sbarrier.arrive $0xFFFF  }
0x4c: {  	[sflag:s0] =	ssyncadd.tile.s32 @!p0 $0x1;
	_ =	shalt  }
.Lfunc_end1:
_tile_overlayer_lowered:
.L_overlay_start_2:
0x4d: {  	(tag) =	ssettag $0x2  }
0x4e: {  	s0 =	rddreg [dreg:$0x0];
	s2 =	stileid.u32  }
0x4f: {  	s1 =	rddreg [dreg:$0x1];
	p0 =	sne.s32 s2, $0x0  }
0x50: {  	s3 =	rddreg [dreg:$0x2];
	[bflag:$0x3] =	sbarrier.arrive $0xFFFF;
	s2 =	simm.s32 @!p0 $0x1C01  }
0x51: {  	[timem:s3], [sflag:s2] =	dma.local @!p0 [hbm:s0], s1  }
0x52: {  	s0 =	simm.s32 @!p0 $0x1  }
0x53: {  	_ =	swait.ge @!p0 [sflag:s0], s1  }
0x54: {  	s1 =	ssub.s32 @!p0 $0x0, s1;
	[sflag:s0] =	ssyncset.done @!p0 $0x0  }
0x55: {  	[sflag:s0] =	ssyncadd.s32 @!p0 s1  }
0x56: {  	[bflag:$0x3] =	sbarrier.arrive $0xFFFF  }
0x57: {  	_ =	shalt  }

</sc_bundles>
